<compile_context>
chip_gen: v7x
topology: tpu7x:2x2x1
jax: 0.10.2.dev20260603
libtpu: 0.0.44.dev20260713+nightly
codegen_flags: <defaults>
</compile_context>

<pallas_src>
import functools

import jax
import jax.numpy as jnp
from jax import lax
from jax.experimental import pallas as pl
from jax.experimental.pallas import tpu as pltpu
from jax.experimental.pallas import tpu_sc as plsc

_EPS = 1e-5
_NC = 2
_NS = 16
_C = 40


def _sc_mesh():
    return plsc.VectorSubcoreMesh(core_axis_name="c", subcore_axis_name="s")


def _make_deg_kernel(NP, D, E):
    CD = 80
    NB = 5
    EP = E // (_NC * _NS)
    NCH = EP // CD
    RP = NP // _NS
    assert NCH % NB == 0

    @functools.partial(
        pl.kernel,
        mesh=_sc_mesh(),
        out_type=jax.ShapeDtypeStruct((_NC, NP, D), jnp.float32),
        scratch_types=(
            [pltpu.VMEM((CD,), jnp.int32) for _ in range(NB)]
            + [
                pltpu.VMEM((CD, D), jnp.float32),
                pltpu.VMEM_SHARED((NP, D), jnp.float32),
                pltpu.SemaphoreType.DMA((NB,)),
                pltpu.SemaphoreType.DMA((NB,)),
            ]
        ),
    )
    def deg_kernel(dst_hbm, ones_hbm, z_hbm, out_hbm, *scratch):
        di = scratch[:NB]
        ones_v, deg_sp, isem, ssem = scratch[NB:]
        c = lax.axis_index("c")
        s = lax.axis_index("s")
        w = c * _NS + s
        slab = pl.ds(s * RP, RP)
        base = w * EP

        def idx_start(m, b):
            pltpu.async_copy(dst_hbm.at[pl.ds(base + m * CD, CD)], di[b],
                             isem.at[b])

        def idx_wait(b):
            pltpu.make_async_copy(dst_hbm.at[pl.ds(0, CD)], di[b],
                                  isem.at[b]).wait()

        def scat_start(b):
            pltpu.async_copy(ones_v, deg_sp.at[di[b]], ssem.at[b], add=True)

        def scat_wait(b):
            pltpu.make_async_copy(ones_v, deg_sp.at[di[b]], ssem.at[b]).wait()

        pltpu.sync_copy(ones_hbm, ones_v)
        pltpu.sync_copy(z_hbm, deg_sp.at[slab])
        plsc.subcore_barrier()

        for m in range(3):
            idx_start(m, m)

        def step(g, carry):
            for b in range(NB):
                j = g * NB + b
                idx_wait(b)
                scat_start(b)
                b3 = (b + 3) % NB

                @pl.when(j + 3 < NCH)
                def _(j=j, b3=b3):
                    @pl.when(j >= 2)
                    def _():
                        scat_wait(b3)

                    idx_start(j + 3, b3)

            return carry

        lax.fori_loop(0, NCH // NB, step, None)
        for b in range(NB):
            scat_wait(b)
        plsc.subcore_barrier()
        pltpu.sync_copy(deg_sp.at[slab], out_hbm.at[c, slab])

    return deg_kernel


def _make_edge_kernel(NP, D, E):
    NB = 5
    NI = 10
    EP = E // (_NC * _NS)
    NCH = EP // _C
    RP = NP // _NS
    assert NCH % NI == 0

    @functools.partial(
        pl.kernel,
        mesh=_sc_mesh(),
        out_type=jax.ShapeDtypeStruct((_NC, NP, D), jnp.float32),
        scratch_types=(
            [pltpu.VMEM((_C,), jnp.int32) for _ in range(NI)]
            + [pltpu.VMEM((_C,), jnp.int32) for _ in range(NI)]
            + [pltpu.VMEM((_C, D), jnp.float32) for _ in range(NB)]
            + [
                pltpu.VMEM_SHARED((NP, D), jnp.float32),
                pltpu.SemaphoreType.DMA((NI,)),
                pltpu.SemaphoreType.DMA((NB,)),
                pltpu.SemaphoreType.DMA((NB,)),
            ]
        ),
    )
    def edge_kernel(s_hbm, src_hbm, dst_hbm, z_hbm, out_hbm, *scratch):
        si = scratch[:NI]
        di = scratch[NI:2 * NI]
        rows = scratch[2 * NI:2 * NI + NB]
        acc_sp, isem, gsem, ssem = scratch[2 * NI + NB:]
        c = lax.axis_index("c")
        s = lax.axis_index("s")
        w = c * _NS + s
        slab = pl.ds(s * RP, RP)
        base = w * EP

        def idx_start(m, b):
            pltpu.async_copy(src_hbm.at[pl.ds(base + m * _C, _C)], si[b],
                             isem.at[b])
            pltpu.async_copy(dst_hbm.at[pl.ds(base + m * _C, _C)], di[b],
                             isem.at[b])

        def idx_wait(b):
            pltpu.make_async_copy(src_hbm.at[pl.ds(0, _C)], si[b],
                                  isem.at[b]).wait()
            pltpu.make_async_copy(dst_hbm.at[pl.ds(0, _C)], di[b],
                                  isem.at[b]).wait()

        def gather_start(bi, br):
            pltpu.async_copy(s_hbm.at[si[bi]], rows[br], gsem.at[br])

        def gather_wait(bi, br):
            pltpu.make_async_copy(s_hbm.at[si[bi]], rows[br],
                                  gsem.at[br]).wait()

        def scat_start(bi, br):
            pltpu.async_copy(rows[br], acc_sp.at[di[bi]], ssem.at[br],
                             add=True)

        def scat_wait(bi, br):
            pltpu.make_async_copy(rows[br], acc_sp.at[di[bi]],
                                  ssem.at[br]).wait()

        @pl.when(c == 0)
        def _():
            pltpu.sync_copy(s_hbm.at[slab], acc_sp.at[slab])

        @pl.when(c != 0)
        def _():
            pltpu.sync_copy(z_hbm, acc_sp.at[slab])

        plsc.subcore_barrier()

        for m in range(8):
            idx_start(m, m)
        for m in range(3):
            idx_wait(m)
            gather_start(m, m)

        def group(g, carry):
            for b in range(NI):
                j = g * NI + b
                b5 = b % NB
                gather_wait(b, b5)
                scat_start(b, b5)
                bi3 = (b + 3) % NI
                br3 = (b + 3) % NB

                @pl.when(j + 3 < NCH)
                def _(j=j, bi3=bi3, br3=br3):
                    @pl.when(j >= 2)
                    def _():
                        scat_wait((bi3 + NB) % NI, br3)

                    idx_wait(bi3)
                    gather_start(bi3, br3)

                bi8 = (b + 8) % NI

                @pl.when(j + 8 < NCH)
                def _(j=j, bi8=bi8):
                    idx_start(j + 8, bi8)

            return carry

        lax.fori_loop(0, NCH // NI, group, None)
        for m in range(5):
            b = (NCH - 5 + m) % NI
            scat_wait(b, b % NB)
        plsc.subcore_barrier()
        pltpu.sync_copy(acc_sp.at[slab], out_hbm.at[c, slab])

    return edge_kernel


def _make_mm(NP, D, BN=1024):
    grid = NP // BN

    def body(h_ref, w_ref, o_ref):
        o_ref[...] = jnp.dot(h_ref[...], w_ref[...],
                             preferred_element_type=jnp.float32,
                             precision=lax.Precision.HIGHEST)

    return pl.pallas_call(
        body,
        grid=(grid,),
        in_specs=[
            pl.BlockSpec((BN, D), lambda i: (i, 0)),
            pl.BlockSpec((D, D), lambda i: (0, 0)),
        ],
        out_specs=pl.BlockSpec((BN, D), lambda i: (i, 0)),
        out_shape=jax.ShapeDtypeStruct((NP, D), jnp.float32),
    )


def _make_scale(NP, D, BN=1024):
    grid = NP // BN

    def body(deg_ref, xw_ref, s_ref):
        d = deg_ref[0][:, 0:1] + deg_ref[1][:, 0:1] + 1.0
        s_ref[...] = xw_ref[...] * lax.rsqrt(d)

    return pl.pallas_call(
        body,
        grid=(grid,),
        in_specs=[
            pl.BlockSpec((_NC, BN, D), lambda i: (0, i, 0)),
            pl.BlockSpec((BN, D), lambda i: (i, 0)),
        ],
        out_specs=pl.BlockSpec((BN, D), lambda i: (i, 0)),
        out_shape=jax.ShapeDtypeStruct((NP, D), jnp.float32),
    )


def _make_tc_round(NP, D, BN=1024):
    grid = NP // BN

    def body(acc_ref, deg_ref, w_ref, b_ref, g_ref, be_ref, h_ref, s_ref):
        d = deg_ref[0][:, 0:1] + deg_ref[1][:, 0:1] + 1.0
        dis = lax.rsqrt(d)
        t = (acc_ref[0] + acc_ref[1]) * dis + b_ref[...]
        mu = jnp.mean(t, axis=1, keepdims=True)
        tcen = t - mu
        var = jnp.mean(tcen * tcen, axis=1, keepdims=True)
        h = tcen * lax.rsqrt(var + _EPS) * g_ref[...] + be_ref[...]
        h_ref[...] = h
        s_ref[...] = jnp.dot(h, w_ref[...], preferred_element_type=jnp.float32,
                             precision=lax.Precision.HIGHEST) * dis

    return pl.pallas_call(
        body,
        grid=(grid,),
        in_specs=[
            pl.BlockSpec((_NC, BN, D), lambda i: (0, i, 0)),
            pl.BlockSpec((_NC, BN, D), lambda i: (0, i, 0)),
            pl.BlockSpec((D, D), lambda i: (0, 0)),
            pl.BlockSpec((1, D), lambda i: (0, 0)),
            pl.BlockSpec((1, D), lambda i: (0, 0)),
            pl.BlockSpec((1, D), lambda i: (0, 0)),
        ],
        out_specs=[
            pl.BlockSpec((BN, D), lambda i: (i, 0)),
            pl.BlockSpec((BN, D), lambda i: (i, 0)),
        ],
        out_shape=[
            jax.ShapeDtypeStruct((NP, D), jnp.float32),
            jax.ShapeDtypeStruct((NP, D), jnp.float32),
        ],
    )


def kernel(x, edge_index, num_rounds, W, b, gamma, beta):
    N, D = x.shape
    E = edge_index.shape[1]
    ALIGN = 1024
    NP = (N + ALIGN - 1) // ALIGN * ALIGN
    RP = NP // _NS

    src1 = edge_index[0].astype(jnp.int32)
    dst1 = edge_index[1].astype(jnp.int32)
    onesrows = jnp.ones((80, D), jnp.float32)
    zrows = jnp.zeros((RP, D), jnp.float32)
    xp = jnp.zeros((NP, D), jnp.float32).at[:N].set(x)
    b2 = b.reshape(1, D)
    g2 = gamma.reshape(1, D)
    be2 = beta.reshape(1, D)

    deg_kernel = _make_deg_kernel(NP, D, E)
    edge_kernel = _make_edge_kernel(NP, D, E)
    mm = _make_mm(NP, D)
    scale = _make_scale(NP, D)
    tc_round = _make_tc_round(NP, D)

    xw0 = mm(xp, W)
    deg = deg_kernel(dst1, onesrows, zrows)
    s0 = scale(deg, xw0)

    def round_body(_, carry):
        h, sarr = carry
        acc = edge_kernel(sarr, src1, dst1, zrows)
        h, sarr = tc_round(acc, deg, W, b2, g2, be2)
        return (h, sarr)

    h, _ = lax.fori_loop(0, num_rounds, round_body, (xp, s0))
    return h[:N]

# --- scband reference (transcript-rebuilt; emitter-appended) ---
"""Pipeline reference for scband-processor-86586540688106 (READ-ONLY COPY).

The authoritative reference and input builder live on the scoring server;
editing this copy changes nothing except your own understanding.
"""

import jax, jax.numpy as jnp
import numpy as np

N = 10000
E = 320000
D = 128


def setup_inputs(seed: int = 0) -> dict:
    key = jax.random.key(seed)
    k1, k2, k3 = jax.random.split(key, 3)
    x = jax.random.normal(k1, (N, D), dtype=jnp.float32)
    edge_index = jax.random.randint(k2, (2, E), 0, N)
    W = jax.random.normal(k3, (D, D), dtype=jnp.float32) * 0.05
    b = jnp.zeros((D,), dtype=jnp.float32)
    gamma = jnp.ones((D,), dtype=jnp.float32)
    beta = jnp.zeros((D,), dtype=jnp.float32)
    return {"x": x, "edge_index": edge_index, "num_rounds": 3, "W": W, "b": b, "gamma": gamma, "beta": beta}


def reference(x, edge_index, num_rounds, W, b, gamma, beta):
    n = x.shape[0]
    loop = jnp.arange(n, dtype=edge_index.dtype)
    src = jnp.concatenate([edge_index[0], loop])
    dst = jnp.concatenate([edge_index[1], loop])
    # GCN symmetric normalization with self-loops: D^-1/2 (A+I) D^-1/2
    deg = jax.ops.segment_sum(jnp.ones_like(src, dtype=x.dtype), dst, num_segments=n)
    dis = jnp.where(deg > 0, 1.0 / jnp.sqrt(deg), 0.0)
    norm = dis[src] * dis[dst]

    def body(_, h):
        xw = h @ W
        msg = xw[src] * norm[:, None]
        out = jax.ops.segment_sum(msg, dst, num_segments=n) + b
        mu = jnp.mean(out, axis=-1, keepdims=True)
        var = jnp.mean((out - mu) ** 2, axis=-1, keepdims=True)
        return (out - mu) / jnp.sqrt(var + 1e-5) * gamma + beta

    h = jax.lax.fori_loop(0, num_rounds, body, x)
    return h

if __name__ == "__main__":
    import jax
    _d = setup_inputs()
    print(jax.jit(kernel)(*tuple(_d.values())))

</pallas_src>

<mosaic_0001>
#map = affine_map<(d0, d1) -> (0, 0)>
#map1 = affine_map<(d0, d1) -> (0)>
#map2 = affine_map<(d0, d1) -> (0, 0, 0)>
module attributes {stable_mosaic.version = 14 : i64} {
  func.func @edge_kernel(%arg0: i32, %arg1: i32, %arg2: memref<10240x128xf32, #tpu.memory_space<hbm>>, %arg3: memref<320000xi32, #tpu.memory_space<hbm>>, %arg4: memref<320000xi32, #tpu.memory_space<hbm>>, %arg5: memref<640x128xf32, #tpu.memory_space<hbm>>, %arg6: memref<2x10240x128xf32, #tpu.memory_space<hbm>>, %arg7: memref<40xi32, #tpu.memory_space<vmem>>, %arg8: memref<40xi32, #tpu.memory_space<vmem>>, %arg9: memref<40xi32, #tpu.memory_space<vmem>>, %arg10: memref<40xi32, #tpu.memory_space<vmem>>, %arg11: memref<40xi32, #tpu.memory_space<vmem>>, %arg12: memref<40xi32, #tpu.memory_space<vmem>>, %arg13: memref<40xi32, #tpu.memory_space<vmem>>, %arg14: memref<40xi32, #tpu.memory_space<vmem>>, %arg15: memref<40xi32, #tpu.memory_space<vmem>>, %arg16: memref<40xi32, #tpu.memory_space<vmem>>, %arg17: memref<40xi32, #tpu.memory_space<vmem>>, %arg18: memref<40xi32, #tpu.memory_space<vmem>>, %arg19: memref<40xi32, #tpu.memory_space<vmem>>, %arg20: memref<40xi32, #tpu.memory_space<vmem>>, %arg21: memref<40xi32, #tpu.memory_space<vmem>>, %arg22: memref<40xi32, #tpu.memory_space<vmem>>, %arg23: memref<40xi32, #tpu.memory_space<vmem>>, %arg24: memref<40xi32, #tpu.memory_space<vmem>>, %arg25: memref<40xi32, #tpu.memory_space<vmem>>, %arg26: memref<40xi32, #tpu.memory_space<vmem>>, %arg27: memref<40x128xf32, #tpu.memory_space<vmem>>, %arg28: memref<40x128xf32, #tpu.memory_space<vmem>>, %arg29: memref<40x128xf32, #tpu.memory_space<vmem>>, %arg30: memref<40x128xf32, #tpu.memory_space<vmem>>, %arg31: memref<40x128xf32, #tpu.memory_space<vmem>>, %arg32: memref<10240x128xf32, #tpu.memory_space<vmem_shared>>, %arg33: memref<10x!tpu.dma_semaphore, #tpu.memory_space<semaphore_mem>>, %arg34: memref<5x!tpu.dma_semaphore, #tpu.memory_space<semaphore_mem>>, %arg35: memref<5x!tpu.dma_semaphore, #tpu.memory_space<semaphore_mem>>) attributes {dimension_semantics = [#tpu.dimension_semantics<core_parallel>, #tpu.dimension_semantics<subcore_parallel>], iteration_bounds = array<i64: 2, 16>, scalar_prefetch = 0 : i64, scratch_operands = 29 : i64, tpu.core_type = #tpu.core_type<sc_vector_subcore>, window_params = [{transform_indices = #map}, {transform_indices = #map1}, {transform_indices = #map1}, {transform_indices = #map}, {transform_indices = #map2}]} {
    %mul3A = arith.constant 16 : i32
    %mul3A_0 = arith.muli %arg0, %mul3A : i32
    %add3A = arith.addi %mul3A_0, %arg1 : i32
    %mul3A_1 = arith.constant 640 : i32
    %mul3A_2 = arith.muli %arg1, %mul3A_1 : i32
    %mul3A_3 = arith.constant 10000 : i32
    %mul3A_4 = arith.muli %add3A, %mul3A_3 : i32
    %eq3A = arith.constant 0 : i32
    %eq3A_5 = arith.cmpi eq, %arg0, %eq3A : i32
    %convert_element_type3A = arith.extui %eq3A_5 : i1 to i32
    %cond3A = arith.constant 0 : i32
    %cond3A_6 = arith.cmpi ne, %convert_element_type3A, %cond3A : i32
    scf.if %cond3A_6 {
      "tpu.region"() ({
        %run_scoped3A = tpu.sem_alloc : memref<!tpu.dma_semaphore, #tpu.memory_space<semaphore_mem>>
        %dma_start3A_216 = arith.constant 0 : i32
        %dma_start3A_217 = tpu.memref_slice %arg32[%mul3A_2, %dma_start3A_216] : memref<10240x128xf32, #tpu.memory_space<vmem_shared>> -> memref<640x128xf32, #tpu.memory_space<vmem_shared>>
        %dma_start3A_218 = arith.constant 0 : i32
        %dma_start3A_219 = tpu.memref_slice %arg2[%mul3A_2, %dma_start3A_218] : memref<10240x128xf32, #tpu.memory_space<hbm>> -> memref<640x128xf32, #tpu.memory_space<hbm>>
        tpu.enqueue_dma source(%dma_start3A_219 : memref<640x128xf32, #tpu.memory_space<hbm>>) target(%dma_start3A_217 : memref<640x128xf32, #tpu.memory_space<vmem_shared>>) target_semaphore(%run_scoped3A : memref<!tpu.dma_semaphore, #tpu.memory_space<semaphore_mem>>)
        %dma_wait3A_220 = arith.constant 0 : i32
        %dma_wait3A_221 = tpu.memref_slice %arg32[%mul3A_2, %dma_wait3A_220] : memref<10240x128xf32, #tpu.memory_space<vmem_shared>> -> memref<640x128xf32, #tpu.memory_space<vmem_shared>>
        %dma_wait3A_222 = arith.constant 0 : i32
        %dma_wait3A_223 = tpu.memref_slice %arg2[%mul3A_2, %dma_wait3A_222] : memref<10240x128xf32, #tpu.memory_space<hbm>> -> memref<640x128xf32, #tpu.memory_space<hbm>>
        tpu.wait_dma2 semaphore(%run_scoped3A : memref<!tpu.dma_semaphore, #tpu.memory_space<semaphore_mem>>) src(%dma_wait3A_223 : memref<640x128xf32, #tpu.memory_space<hbm>>) dst(%dma_wait3A_221 : memref<640x128xf32, #tpu.memory_space<vmem_shared>>)
        tpu.yield
      }) : () -> ()
    } else {
    }
    %ne3A = arith.constant 0 : i32
    %ne3A_7 = arith.cmpi ne, %arg0, %ne3A : i32
    %convert_element_type3A_8 = arith.extui %ne3A_7 : i1 to i32
    %cond3A_9 = arith.constant 0 : i32
    %cond3A_10 = arith.cmpi ne, %convert_element_type3A_8, %cond3A_9 : i32
    scf.if %cond3A_10 {
      "tpu.region"() ({
        %run_scoped3A = tpu.sem_alloc : memref<!tpu.dma_semaphore, #tpu.memory_space<semaphore_mem>>
        %dma_start3A_216 = arith.constant 0 : i32
        %dma_start3A_217 = tpu.memref_slice %arg32[%mul3A_2, %dma_start3A_216] : memref<10240x128xf32, #tpu.memory_space<vmem_shared>> -> memref<640x128xf32, #tpu.memory_space<vmem_shared>>
        tpu.enqueue_dma source(%arg5 : memref<640x128xf32, #tpu.memory_space<hbm>>) target(%dma_start3A_217 : memref<640x128xf32, #tpu.memory_space<vmem_shared>>) target_semaphore(%run_scoped3A : memref<!tpu.dma_semaphore, #tpu.memory_space<semaphore_mem>>)
        %dma_wait3A_218 = arith.constant 0 : i32
        %dma_wait3A_219 = tpu.memref_slice %arg32[%mul3A_2, %dma_wait3A_218] : memref<10240x128xf32, #tpu.memory_space<vmem_shared>> -> memref<640x128xf32, #tpu.memory_space<vmem_shared>>
        tpu.wait_dma2 semaphore(%run_scoped3A : memref<!tpu.dma_semaphore, #tpu.memory_space<semaphore_mem>>) src(%arg5 : memref<640x128xf32, #tpu.memory_space<hbm>>) dst(%dma_wait3A_219 : memref<640x128xf32, #tpu.memory_space<vmem_shared>>)
        tpu.yield
      }) : () -> ()
    } else {
    }
    %barrier3A = arith.constant 0 : index
    tpu.barrier barrier_id(%barrier3A)
    %add3A_11 = arith.constant 0 : i32
    %add3A_12 = arith.addi %mul3A_4, %add3A_11 : i32
    %dma_start3A = arith.constant 0 : i32
    %dma_start3A_13 = tpu.memref_slice %arg3[%add3A_12] : memref<320000xi32, #tpu.memory_space<hbm>> -> memref<40xi32, #tpu.memory_space<hbm>>
    %dma_start3A_14 = tpu.memref_slice %arg33[%dma_start3A] : memref<10x!tpu.dma_semaphore, #tpu.memory_space<semaphore_mem>> -> memref<1x!tpu.dma_semaphore, #tpu.memory_space<semaphore_mem>>
    %dma_start3A_15 = tpu.memref_squeeze %dma_start3A_14 : memref<1x!tpu.dma_semaphore, #tpu.memory_space<semaphore_mem>> -> memref<!tpu.dma_semaphore, #tpu.memory_space<semaphore_mem>>
    %dma_start3A_16 = tpu.memref_slice %arg3[%add3A_12] : memref<320000xi32, #tpu.memory_space<hbm>> -> memref<40xi32, #tpu.memory_space<hbm>>
    tpu.enqueue_dma source(%dma_start3A_16 : memref<40xi32, #tpu.memory_space<hbm>>) target(%arg7 : memref<40xi32, #tpu.memory_space<vmem>>) target_semaphore(%dma_start3A_15 : memref<!tpu.dma_semaphore, #tpu.memory_space<semaphore_mem>>)
    %add3A_17 = arith.constant 0 : i32
    %add3A_18 = arith.addi %mul3A_4, %add3A_17 : i32
    %dma_start3A_19 = arith.constant 0 : i32
    %dma_start3A_20 = tpu.memref_slice %arg4[%add3A_18] : memref<320000xi32, #tpu.memory_space<hbm>> -> memref<40xi32, #tpu.memory_space<hbm>>
    %dma_start3A_21 = tpu.memref_slice %arg33[%dma_start3A_19] : memref<10x!tpu.dma_semaphore, #tpu.memory_space<semaphore_mem>> -> memref<1x!tpu.dma_semaphore, #tpu.memory_space<semaphore_mem>>
    %dma_start3A_22 = tpu.memref_squeeze %dma_start3A_21 : memref<1x!tpu.dma_semaphore, #tpu.memory_space<semaphore_mem>> -> memref<!tpu.dma_semaphore, #tpu.memory_space<semaphore_mem>>
    %dma_start3A_23 = tpu.memref_slice %arg4[%add3A_18] : memref<320000xi32, #tpu.memory_space<hbm>> -> memref<40xi32, #tpu.memory_space<hbm>>
    tpu.enqueue_dma source(%dma_start3A_23 : memref<40xi32, #tpu.memory_space<hbm>>) target(%arg17 : memref<40xi32, #tpu.memory_space<vmem>>) target_semaphore(%dma_start3A_22 : memref<!tpu.dma_semaphore, #tpu.memory_space<semaphore_mem>>)
    %add3A_24 = arith.constant 40 : i32
    %add3A_25 = arith.addi %mul3A_4, %add3A_24 : i32
    %dma_start3A_26 = arith.constant 1 : i32
    %dma_start3A_27 = tpu.memref_slice %arg3[%add3A_25] : memref<320000xi32, #tpu.memory_space<hbm>> -> memref<40xi32, #tpu.memory_space<hbm>>
    %dma_start3A_28 = tpu.memref_slice %arg33[%dma_start3A_26] : memref<10x!tpu.dma_semaphore, #tpu.memory_space<semaphore_mem>> -> memref<1x!tpu.dma_semaphore, #tpu.memory_space<semaphore_mem>>
    %dma_start3A_29 = tpu.memref_squeeze %dma_start3A_28 : memref<1x!tpu.dma_semaphore, #tpu.memory_space<semaphore_mem>> -> memref<!tpu.dma_semaphore, #tpu.memory_space<semaphore_mem>>
    %dma_start3A_30 = tpu.memref_slice %arg3[%add3A_25] : memref<320000xi32, #tpu.memory_space<hbm>> -> memref<40xi32, #tpu.memory_space<hbm>>
    tpu.enqueue_dma source(%dma_start3A_30 : memref<40xi32, #tpu.memory_space<hbm>>) target(%arg8 : memref<40xi32, #tpu.memory_space<vmem>>) target_semaphore(%dma_start3A_29 : memref<!tpu.dma_semaphore, #tpu.memory_space<semaphore_mem>>)
    %add3A_31 = arith.constant 40 : i32
    %add3A_32 = arith.addi %mul3A_4, %add3A_31 : i32
    %dma_start3A_33 = arith.constant 1 : i32
    %dma_start3A_34 = tpu.memref_slice %arg4[%add3A_32] : memref<320000xi32, #tpu.memory_space<hbm>> -> memref<40xi32, #tpu.memory_space<hbm>>
    %dma_start3A_35 = tpu.memref_slice %arg33[%dma_start3A_33] : memref<10x!tpu.dma_semaphore, #tpu.memory_space<semaphore_mem>> -> memref<1x!tpu.dma_semaphore, #tpu.memory_space<semaphore_mem>>
    %dma_start3A_36 = tpu.memref_squeeze %dma_start3A_35 : memref<1x!tpu.dma_semaphore, #tpu.memory_space<semaphore_mem>> -> memref<!tpu.dma_semaphore, #tpu.memory_space<semaphore_mem>>
    %dma_start3A_37 = tpu.memref_slice %arg4[%add3A_32] : memref<320000xi32, #tpu.memory_space<hbm>> -> memref<40xi32, #tpu.memory_space<hbm>>
    tpu.enqueue_dma source(%dma_start3A_37 : memref<40xi32, #tpu.memory_space<hbm>>) target(%arg18 : memref<40xi32, #tpu.memory_space<vmem>>) target_semaphore(%dma_start3A_36 : memref<!tpu.dma_semaphore, #tpu.memory_space<semaphore_mem>>)
    %add3A_38 = arith.constant 80 : i32
    %add3A_39 = arith.addi %mul3A_4, %add3A_38 : i32
    %dma_start3A_40 = arith.constant 2 : i32
    %dma_start3A_41 = tpu.memref_slice %arg3[%add3A_39] : memref<320000xi32, #tpu.memory_space<hbm>> -> memref<40xi32, #tpu.memory_space<hbm>>
    %dma_start3A_42 = tpu.memref_slice %arg33[%dma_start3A_40] : memref<10x!tpu.dma_semaphore, #tpu.memory_space<semaphore_mem>> -> memref<1x!tpu.dma_semaphore, #tpu.memory_space<semaphore_mem>>
    %dma_start3A_43 = tpu.memref_squeeze %dma_start3A_42 : memref<1x!tpu.dma_semaphore, #tpu.memory_space<semaphore_mem>> -> memref<!tpu.dma_semaphore, #tpu.memory_space<semaphore_mem>>
    %dma_start3A_44 = tpu.memref_slice %arg3[%add3A_39] : memref<320000xi32, #tpu.memory_space<hbm>> -> memref<40xi32, #tpu.memory_space<hbm>>
    tpu.enqueue_dma source(%dma_start3A_44 : memref<40xi32, #tpu.memory_space<hbm>>) target(%arg9 : memref<40xi32, #tpu.memory_space<vmem>>) target_semaphore(%dma_start3A_43 : memref<!tpu.dma_semaphore, #tpu.memory_space<semaphore_mem>>)
    %add3A_45 = arith.constant 80 : i32
    %add3A_46 = arith.addi %mul3A_4, %add3A_45 : i32
    %dma_start3A_47 = arith.constant 2 : i32
    %dma_start3A_48 = tpu.memref_slice %arg4[%add3A_46] : memref<320000xi32, #tpu.memory_space<hbm>> -> memref<40xi32, #tpu.memory_space<hbm>>
    %dma_start3A_49 = tpu.memref_slice %arg33[%dma_start3A_47] : memref<10x!tpu.dma_semaphore, #tpu.memory_space<semaphore_mem>> -> memref<1x!tpu.dma_semaphore, #tpu.memory_space<semaphore_mem>>
    %dma_start3A_50 = tpu.memref_squeeze %dma_start3A_49 : memref<1x!tpu.dma_semaphore, #tpu.memory_space<semaphore_mem>> -> memref<!tpu.dma_semaphore, #tpu.memory_space<semaphore_mem>>
    %dma_start3A_51 = tpu.memref_slice %arg4[%add3A_46] : memref<320000xi32, #tpu.memory_space<hbm>> -> memref<40xi32, #tpu.memory_space<hbm>>
    tpu.enqueue_dma source(%dma_start3A_51 : memref<40xi32, #tpu.memory_space<hbm>>) target(%arg19 : memref<40xi32, #tpu.memory_space<vmem>>) target_semaphore(%dma_start3A_50 : memref<!tpu.dma_semaphore, #tpu.memory_space<semaphore_mem>>)
    %add3A_52 = arith.constant 120 : i32
    %add3A_53 = arith.addi %mul3A_4, %add3A_52 : i32
    %dma_start3A_54 = arith.constant 3 : i32
    %dma_start3A_55 = tpu.memref_slice %arg3[%add3A_53] : memref<320000xi32, #tpu.memory_space<hbm>> -> memref<40xi32, #tpu.memory_space<hbm>>
    %dma_start3A_56 = tpu.memref_slice %arg33[%dma_start3A_54] : memref<10x!tpu.dma_semaphore, #tpu.memory_space<semaphore_mem>> -> memref<1x!tpu.dma_semaphore, #tpu.memory_space<semaphore_mem>>
    %dma_start3A_57 = tpu.memref_squeeze %dma_start3A_56 : memref<1x!tpu.dma_semaphore, #tpu.memory_space<semaphore_mem>> -> memref<!tpu.dma_semaphore, #tpu.memory_space<semaphore_mem>>
    %dma_start3A_58 = tpu.memref_slice %arg3[%add3A_53] : memref<320000xi32, #tpu.memory_space<hbm>> -> memref<40xi32, #tpu.memory_space<hbm>>
    tpu.enqueue_dma source(%dma_start3A_58 : memref<40xi32, #tpu.memory_space<hbm>>) target(%arg10 : memref<40xi32, #tpu.memory_space<vmem>>) target_semaphore(%dma_start3A_57 : memref<!tpu.dma_semaphore, #tpu.memory_space<semaphore_mem>>)
    %add3A_59 = arith.constant 120 : i32
    %add3A_60 = arith.addi %mul3A_4, %add3A_59 : i32
    %dma_start3A_61 = arith.constant 3 : i32
    %dma_start3A_62 = tpu.memref_slice %arg4[%add3A_60] : memref<320000xi32, #tpu.memory_space<hbm>> -> memref<40xi32, #tpu.memory_space<hbm>>
    %dma_start3A_63 = tpu.memref_slice %arg33[%dma_start3A_61] : memref<10x!tpu.dma_semaphore, #tpu.memory_space<semaphore_mem>> -> memref<1x!tpu.dma_semaphore, #tpu.memory_space<semaphore_mem>>
    %dma_start3A_64 = tpu.memref_squeeze %dma_start3A_63 : memref<1x!tpu.dma_semaphore, #tpu.memory_space<semaphore_mem>> -> memref<!tpu.dma_semaphore, #tpu.memory_space<semaphore_mem>>
    %dma_start3A_65 = tpu.memref_slice %arg4[%add3A_60] : memref<320000xi32, #tpu.memory_space<hbm>> -> memref<40xi32, #tpu.memory_space<hbm>>
    tpu.enqueue_dma source(%dma_start3A_65 : memref<40xi32, #tpu.memory_space<hbm>>) target(%arg20 : memref<40xi32, #tpu.memory_space<vmem>>) target_semaphore(%dma_start3A_64 : memref<!tpu.dma_semaphore, #tpu.memory_space<semaphore_mem>>)
    %add3A_66 = arith.constant 160 : i32
    %add3A_67 = arith.addi %mul3A_4, %add3A_66 : i32
    %dma_start3A_68 = arith.constant 4 : i32
    %dma_start3A_69 = tpu.memref_slice %arg3[%add3A_67] : memref<320000xi32, #tpu.memory_space<hbm>> -> memref<40xi32, #tpu.memory_space<hbm>>
    %dma_start3A_70 = tpu.memref_slice %arg33[%dma_start3A_68] : memref<10x!tpu.dma_semaphore, #tpu.memory_space<semaphore_mem>> -> memref<1x!tpu.dma_semaphore, #tpu.memory_space<semaphore_mem>>
    %dma_start3A_71 = tpu.memref_squeeze %dma_start3A_70 : memref<1x!tpu.dma_semaphore, #tpu.memory_space<semaphore_mem>> -> memref<!tpu.dma_semaphore, #tpu.memory_space<semaphore_mem>>
    %dma_start3A_72 = tpu.memref_slice %arg3[%add3A_67] : memref<320000xi32, #tpu.memory_space<hbm>> -> memref<40xi32, #tpu.memory_space<hbm>>
    tpu.enqueue_dma source(%dma_start3A_72 : memref<40xi32, #tpu.memory_space<hbm>>) target(%arg11 : memref<40xi32, #tpu.memory_space<vmem>>) target_semaphore(%dma_start3A_71 : memref<!tpu.dma_semaphore, #tpu.memory_space<semaphore_mem>>)
    %add3A_73 = arith.constant 160 : i32
    %add3A_74 = arith.addi %mul3A_4, %add3A_73 : i32
    %dma_start3A_75 = arith.constant 4 : i32
    %dma_start3A_76 = tpu.memref_slice %arg4[%add3A_74] : memref<320000xi32, #tpu.memory_space<hbm>> -> memref<40xi32, #tpu.memory_space<hbm>>
    %dma_start3A_77 = tpu.memref_slice %arg33[%dma_start3A_75] : memref<10x!tpu.dma_semaphore, #tpu.memory_space<semaphore_mem>> -> memref<1x!tpu.dma_semaphore, #tpu.memory_space<semaphore_mem>>
    %dma_start3A_78 = tpu.memref_squeeze %dma_start3A_77 : memref<1x!tpu.dma_semaphore, #tpu.memory_space<semaphore_mem>> -> memref<!tpu.dma_semaphore, #tpu.memory_space<semaphore_mem>>
    %dma_start3A_79 = tpu.memref_slice %arg4[%add3A_74] : memref<320000xi32, #tpu.memory_space<hbm>> -> memref<40xi32, #tpu.memory_space<hbm>>
    tpu.enqueue_dma source(%dma_start3A_79 : memref<40xi32, #tpu.memory_space<hbm>>) target(%arg21 : memref<40xi32, #tpu.memory_space<vmem>>) target_semaphore(%dma_start3A_78 : memref<!tpu.dma_semaphore, #tpu.memory_space<semaphore_mem>>)
    %add3A_80 = arith.constant 200 : i32
    %add3A_81 = arith.addi %mul3A_4, %add3A_80 : i32
    %dma_start3A_82 = arith.constant 5 : i32
    %dma_start3A_83 = tpu.memref_slice %arg3[%add3A_81] : memref<320000xi32, #tpu.memory_space<hbm>> -> memref<40xi32, #tpu.memory_space<hbm>>
    %dma_start3A_84 = tpu.memref_slice %arg33[%dma_start3A_82] : memref<10x!tpu.dma_semaphore, #tpu.memory_space<semaphore_mem>> -> memref<1x!tpu.dma_semaphore, #tpu.memory_space<semaphore_mem>>
    %dma_start3A_85 = tpu.memref_squeeze %dma_start3A_84 : memref<1x!tpu.dma_semaphore, #tpu.memory_space<semaphore_mem>> -> memref<!tpu.dma_semaphore, #tpu.memory_space<semaphore_mem>>
    %dma_start3A_86 = tpu.memref_slice %arg3[%add3A_81] : memref<320000xi32, #tpu.memory_space<hbm>> -> memref<40xi32, #tpu.memory_space<hbm>>
    tpu.enqueue_dma source(%dma_start3A_86 : memref<40xi32, #tpu.memory_space<hbm>>) target(%arg12 : memref<40xi32, #tpu.memory_space<vmem>>) target_semaphore(%dma_start3A_85 : memref<!tpu.dma_semaphore, #tpu.memory_space<semaphore_mem>>)
    %add3A_87 = arith.constant 200 : i32
    %add3A_88 = arith.addi %mul3A_4, %add3A_87 : i32
    %dma_start3A_89 = arith.constant 5 : i32
    %dma_start3A_90 = tpu.memref_slice %arg4[%add3A_88] : memref<320000xi32, #tpu.memory_space<hbm>> -> memref<40xi32, #tpu.memory_space<hbm>>
    %dma_start3A_91 = tpu.memref_slice %arg33[%dma_start3A_89] : memref<10x!tpu.dma_semaphore, #tpu.memory_space<semaphore_mem>> -> memref<1x!tpu.dma_semaphore, #tpu.memory_space<semaphore_mem>>
    %dma_start3A_92 = tpu.memref_squeeze %dma_start3A_91 : memref<1x!tpu.dma_semaphore, #tpu.memory_space<semaphore_mem>> -> memref<!tpu.dma_semaphore, #tpu.memory_space<semaphore_mem>>
    %dma_start3A_93 = tpu.memref_slice %arg4[%add3A_88] : memref<320000xi32, #tpu.memory_space<hbm>> -> memref<40xi32, #tpu.memory_space<hbm>>
    tpu.enqueue_dma source(%dma_start3A_93 : memref<40xi32, #tpu.memory_space<hbm>>) target(%arg22 : memref<40xi32, #tpu.memory_space<vmem>>) target_semaphore(%dma_start3A_92 : memref<!tpu.dma_semaphore, #tpu.memory_space<semaphore_mem>>)
    %add3A_94 = arith.constant 240 : i32
    %add3A_95 = arith.addi %mul3A_4, %add3A_94 : i32
    %dma_start3A_96 = arith.constant 6 : i32
    %dma_start3A_97 = tpu.memref_slice %arg3[%add3A_95] : memref<320000xi32, #tpu.memory_space<hbm>> -> memref<40xi32, #tpu.memory_space<hbm>>
    %dma_start3A_98 = tpu.memref_slice %arg33[%dma_start3A_96] : memref<10x!tpu.dma_semaphore, #tpu.memory_space<semaphore_mem>> -> memref<1x!tpu.dma_semaphore, #tpu.memory_space<semaphore_mem>>
    %dma_start3A_99 = tpu.memref_squeeze %dma_start3A_98 : memref<1x!tpu.dma_semaphore, #tpu.memory_space<semaphore_mem>> -> memref<!tpu.dma_semaphore, #tpu.memory_space<semaphore_mem>>
    %dma_start3A_100 = tpu.memref_slice %arg3[%add3A_95] : memref<320000xi32, #tpu.memory_space<hbm>> -> memref<40xi32, #tpu.memory_space<hbm>>
    tpu.enqueue_dma source(%dma_start3A_100 : memref<40xi32, #tpu.memory_space<hbm>>) target(%arg13 : memref<40xi32, #tpu.memory_space<vmem>>) target_semaphore(%dma_start3A_99 : memref<!tpu.dma_semaphore, #tpu.memory_space<semaphore_mem>>)
    %add3A_101 = arith.constant 240 : i32
    %add3A_102 = arith.addi %mul3A_4, %add3A_101 : i32
    %dma_start3A_103 = arith.constant 6 : i32
    %dma_start3A_104 = tpu.memref_slice %arg4[%add3A_102] : memref<320000xi32, #tpu.memory_space<hbm>> -> memref<40xi32, #tpu.memory_space<hbm>>
    %dma_start3A_105 = tpu.memref_slice %arg33[%dma_start3A_103] : memref<10x!tpu.dma_semaphore, #tpu.memory_space<semaphore_mem>> -> memref<1x!tpu.dma_semaphore, #tpu.memory_space<semaphore_mem>>
    %dma_start3A_106 = tpu.memref_squeeze %dma_start3A_105 : memref<1x!tpu.dma_semaphore, #tpu.memory_space<semaphore_mem>> -> memref<!tpu.dma_semaphore, #tpu.memory_space<semaphore_mem>>
    %dma_start3A_107 = tpu.memref_slice %arg4[%add3A_102] : memref<320000xi32, #tpu.memory_space<hbm>> -> memref<40xi32, #tpu.memory_space<hbm>>
    tpu.enqueue_dma source(%dma_start3A_107 : memref<40xi32, #tpu.memory_space<hbm>>) target(%arg23 : memref<40xi32, #tpu.memory_space<vmem>>) target_semaphore(%dma_start3A_106 : memref<!tpu.dma_semaphore, #tpu.memory_space<semaphore_mem>>)
    %add3A_108 = arith.constant 280 : i32
    %add3A_109 = arith.addi %mul3A_4, %add3A_108 : i32
    %dma_start3A_110 = arith.constant 7 : i32
    %dma_start3A_111 = tpu.memref_slice %arg3[%add3A_109] : memref<320000xi32, #tpu.memory_space<hbm>> -> memref<40xi32, #tpu.memory_space<hbm>>
    %dma_start3A_112 = tpu.memref_slice %arg33[%dma_start3A_110] : memref<10x!tpu.dma_semaphore, #tpu.memory_space<semaphore_mem>> -> memref<1x!tpu.dma_semaphore, #tpu.memory_space<semaphore_mem>>
    %dma_start3A_113 = tpu.memref_squeeze %dma_start3A_112 : memref<1x!tpu.dma_semaphore, #tpu.memory_space<semaphore_mem>> -> memref<!tpu.dma_semaphore, #tpu.memory_space<semaphore_mem>>
    %dma_start3A_114 = tpu.memref_slice %arg3[%add3A_109] : memref<320000xi32, #tpu.memory_space<hbm>> -> memref<40xi32, #tpu.memory_space<hbm>>
    tpu.enqueue_dma source(%dma_start3A_114 : memref<40xi32, #tpu.memory_space<hbm>>) target(%arg14 : memref<40xi32, #tpu.memory_space<vmem>>) target_semaphore(%dma_start3A_113 : memref<!tpu.dma_semaphore, #tpu.memory_space<semaphore_mem>>)
    %add3A_115 = arith.constant 280 : i32
    %add3A_116 = arith.addi %mul3A_4, %add3A_115 : i32
    %dma_start3A_117 = arith.constant 7 : i32
    %dma_start3A_118 = tpu.memref_slice %arg4[%add3A_116] : memref<320000xi32, #tpu.memory_space<hbm>> -> memref<40xi32, #tpu.memory_space<hbm>>
    %dma_start3A_119 = tpu.memref_slice %arg33[%dma_start3A_117] : memref<10x!tpu.dma_semaphore, #tpu.memory_space<semaphore_mem>> -> memref<1x!tpu.dma_semaphore, #tpu.memory_space<semaphore_mem>>
    %dma_start3A_120 = tpu.memref_squeeze %dma_start3A_119 : memref<1x!tpu.dma_semaphore, #tpu.memory_space<semaphore_mem>> -> memref<!tpu.dma_semaphore, #tpu.memory_space<semaphore_mem>>
    %dma_start3A_121 = tpu.memref_slice %arg4[%add3A_116] : memref<320000xi32, #tpu.memory_space<hbm>> -> memref<40xi32, #tpu.memory_space<hbm>>
    tpu.enqueue_dma source(%dma_start3A_121 : memref<40xi32, #tpu.memory_space<hbm>>) target(%arg24 : memref<40xi32, #tpu.memory_space<vmem>>) target_semaphore(%dma_start3A_120 : memref<!tpu.dma_semaphore, #tpu.memory_space<semaphore_mem>>)
    %dma_wait3A = arith.constant 0 : i32
    %dma_wait3A_122 = arith.constant 0 : i32
    %dma_wait3A_123 = tpu.memref_slice %arg3[%dma_wait3A_122] : memref<320000xi32, #tpu.memory_space<hbm>> -> memref<40xi32, #tpu.memory_space<hbm>>
    %dma_wait3A_124 = tpu.memref_slice %arg33[%dma_wait3A] : memref<10x!tpu.dma_semaphore, #tpu.memory_space<semaphore_mem>> -> memref<1x!tpu.dma_semaphore, #tpu.memory_space<semaphore_mem>>
    %dma_wait3A_125 = tpu.memref_squeeze %dma_wait3A_124 : memref<1x!tpu.dma_semaphore, #tpu.memory_space<semaphore_mem>> -> memref<!tpu.dma_semaphore, #tpu.memory_space<semaphore_mem>>
    %dma_wait3A_126 = arith.constant 0 : i32
    %dma_wait3A_127 = tpu.memref_slice %arg3[%dma_wait3A_126] : memref<320000xi32, #tpu.memory_space<hbm>> -> memref<40xi32, #tpu.memory_space<hbm>>
    tpu.wait_dma2 semaphore(%dma_wait3A_125 : memref<!tpu.dma_semaphore, #tpu.memory_space<semaphore_mem>>) src(%dma_wait3A_127 : memref<40xi32, #tpu.memory_space<hbm>>) dst(%arg7 : memref<40xi32, #tpu.memory_space<vmem>>)
    %dma_wait3A_128 = arith.constant 0 : i32
    %dma_wait3A_129 = arith.constant 0 : i32
    %dma_wait3A_130 = tpu.memref_slice %arg4[%dma_wait3A_129] : memref<320000xi32, #tpu.memory_space<hbm>> -> memref<40xi32, #tpu.memory_space<hbm>>
    %dma_wait3A_131 = tpu.memref_slice %arg33[%dma_wait3A_128] : memref<10x!tpu.dma_semaphore, #tpu.memory_space<semaphore_mem>> -> memref<1x!tpu.dma_semaphore, #tpu.memory_space<semaphore_mem>>
    %dma_wait3A_132 = tpu.memref_squeeze %dma_wait3A_131 : memref<1x!tpu.dma_semaphore, #tpu.memory_space<semaphore_mem>> -> memref<!tpu.dma_semaphore, #tpu.memory_space<semaphore_mem>>
    %dma_wait3A_133 = arith.constant 0 : i32
    %dma_wait3A_134 = tpu.memref_slice %arg4[%dma_wait3A_133] : memref<320000xi32, #tpu.memory_space<hbm>> -> memref<40xi32, #tpu.memory_space<hbm>>
    tpu.wait_dma2 semaphore(%dma_wait3A_132 : memref<!tpu.dma_semaphore, #tpu.memory_space<semaphore_mem>>) src(%dma_wait3A_134 : memref<40xi32, #tpu.memory_space<hbm>>) dst(%arg17 : memref<40xi32, #tpu.memory_space<vmem>>)
    %dma_start3A_135 = arith.constant 0 : i32
    %dma_start3A_136 = arith.constant 0 : i32
    %dma_start3A_137 = arith.constant 0 : i32
    %dma_start3A_138 = tpu.memref_slice %arg2[%dma_start3A_136, %dma_start3A_137] : memref<10240x128xf32, #tpu.memory_space<hbm>> -> memref<10240x128xf32, #tpu.memory_space<hbm>>
    %dma_start3A_139 = tpu.memref_slice %arg34[%dma_start3A_135] : memref<5x!tpu.dma_semaphore, #tpu.memory_space<semaphore_mem>> -> memref<1x!tpu.dma_semaphore, #tpu.memory_space<semaphore_mem>>
    %dma_start3A_140 = tpu.memref_squeeze %dma_start3A_139 : memref<1x!tpu.dma_semaphore, #tpu.memory_space<semaphore_mem>> -> memref<!tpu.dma_semaphore, #tpu.memory_space<semaphore_mem>>
    tpu.enqueue_indirect_dma source(%dma_start3A_138 : memref<10240x128xf32, #tpu.memory_space<hbm>>) target(%arg27 : memref<40x128xf32, #tpu.memory_space<vmem>>) offsets(%arg7 : memref<40xi32, #tpu.memory_space<vmem>>) semaphore(%dma_start3A_140 : memref<!tpu.dma_semaphore, #tpu.memory_space<semaphore_mem>>)
    %dma_wait3A_141 = arith.constant 1 : i32
    %dma_wait3A_142 = arith.constant 0 : i32
    %dma_wait3A_143 = tpu.memref_slice %arg3[%dma_wait3A_142] : memref<320000xi32, #tpu.memory_space<hbm>> -> memref<40xi32, #tpu.memory_space<hbm>>
    %dma_wait3A_144 = tpu.memref_slice %arg33[%dma_wait3A_141] : memref<10x!tpu.dma_semaphore, #tpu.memory_space<semaphore_mem>> -> memref<1x!tpu.dma_semaphore, #tpu.memory_space<semaphore_mem>>
    %dma_wait3A_145 = tpu.memref_squeeze %dma_wait3A_144 : memref<1x!tpu.dma_semaphore, #tpu.memory_space<semaphore_mem>> -> memref<!tpu.dma_semaphore, #tpu.memory_space<semaphore_mem>>
    %dma_wait3A_146 = arith.constant 0 : i32
    %dma_wait3A_147 = tpu.memref_slice %arg3[%dma_wait3A_146] : memref<320000xi32, #tpu.memory_space<hbm>> -> memref<40xi32, #tpu.memory_space<hbm>>
    tpu.wait_dma2 semaphore(%dma_wait3A_145 : memref<!tpu.dma_semaphore, #tpu.memory_space<semaphore_mem>>) src(%dma_wait3A_147 : memref<40xi32, #tpu.memory_space<hbm>>) dst(%arg8 : memref<40xi32, #tpu.memory_space<vmem>>)
    %dma_wait3A_148 = arith.constant 1 : i32
    %dma_wait3A_149 = arith.constant 0 : i32
    %dma_wait3A_150 = tpu.memref_slice %arg4[%dma_wait3A_149] : memref<320000xi32, #tpu.memory_space<hbm>> -> memref<40xi32, #tpu.memory_space<hbm>>
    %dma_wait3A_151 = tpu.memref_slice %arg33[%dma_wait3A_148] : memref<10x!tpu.dma_semaphore, #tpu.memory_space<semaphore_mem>> -> memref<1x!tpu.dma_semaphore, #tpu.memory_space<semaphore_mem>>
    %dma_wait3A_152 = tpu.memref_squeeze %dma_wait3A_151 : memref<1x!tpu.dma_semaphore, #tpu.memory_space<semaphore_mem>> -> memref<!tpu.dma_semaphore, #tpu.memory_space<semaphore_mem>>
    %dma_wait3A_153 = arith.constant 0 : i32
    %dma_wait3A_154 = tpu.memref_slice %arg4[%dma_wait3A_153] : memref<320000xi32, #tpu.memory_space<hbm>> -> memref<40xi32, #tpu.memory_space<hbm>>
    tpu.wait_dma2 semaphore(%dma_wait3A_152 : memref<!tpu.dma_semaphore, #tpu.memory_space<semaphore_mem>>) src(%dma_wait3A_154 : memref<40xi32, #tpu.memory_space<hbm>>) dst(%arg18 : memref<40xi32, #tpu.memory_space<vmem>>)
    %dma_start3A_155 = arith.constant 1 : i32
    %dma_start3A_156 = arith.constant 0 : i32
    %dma_start3A_157 = arith.constant 0 : i32
    %dma_start3A_158 = tpu.memref_slice %arg2[%dma_start3A_156, %dma_start3A_157] : memref<10240x128xf32, #tpu.memory_space<hbm>> -> memref<10240x128xf32, #tpu.memory_space<hbm>>
    %dma_start3A_159 = tpu.memref_slice %arg34[%dma_start3A_155] : memref<5x!tpu.dma_semaphore, #tpu.memory_space<semaphore_mem>> -> memref<1x!tpu.dma_semaphore, #tpu.memory_space<semaphore_mem>>
    %dma_start3A_160 = tpu.memref_squeeze %dma_start3A_159 : memref<1x!tpu.dma_semaphore, #tpu.memory_space<semaphore_mem>> -> memref<!tpu.dma_semaphore, #tpu.memory_space<semaphore_mem>>
    tpu.enqueue_indirect_dma source(%dma_start3A_158 : memref<10240x128xf32, #tpu.memory_space<hbm>>) target(%arg28 : memref<40x128xf32, #tpu.memory_space<vmem>>) offsets(%arg8 : memref<40xi32, #tpu.memory_space<vmem>>) semaphore(%dma_start3A_160 : memref<!tpu.dma_semaphore, #tpu.memory_space<semaphore_mem>>)
    %dma_wait3A_161 = arith.constant 2 : i32
    %dma_wait3A_162 = arith.constant 0 : i32
    %dma_wait3A_163 = tpu.memref_slice %arg3[%dma_wait3A_162] : memref<320000xi32, #tpu.memory_space<hbm>> -> memref<40xi32, #tpu.memory_space<hbm>>
    %dma_wait3A_164 = tpu.memref_slice %arg33[%dma_wait3A_161] : memref<10x!tpu.dma_semaphore, #tpu.memory_space<semaphore_mem>> -> memref<1x!tpu.dma_semaphore, #tpu.memory_space<semaphore_mem>>
    %dma_wait3A_165 = tpu.memref_squeeze %dma_wait3A_164 : memref<1x!tpu.dma_semaphore, #tpu.memory_space<semaphore_mem>> -> memref<!tpu.dma_semaphore, #tpu.memory_space<semaphore_mem>>
    %dma_wait3A_166 = arith.constant 0 : i32
    %dma_wait3A_167 = tpu.memref_slice %arg3[%dma_wait3A_166] : memref<320000xi32, #tpu.memory_space<hbm>> -> memref<40xi32, #tpu.memory_space<hbm>>
    tpu.wait_dma2 semaphore(%dma_wait3A_165 : memref<!tpu.dma_semaphore, #tpu.memory_space<semaphore_mem>>) src(%dma_wait3A_167 : memref<40xi32, #tpu.memory_space<hbm>>) dst(%arg9 : memref<40xi32, #tpu.memory_space<vmem>>)
    %dma_wait3A_168 = arith.constant 2 : i32
    %dma_wait3A_169 = arith.constant 0 : i32
    %dma_wait3A_170 = tpu.memref_slice %arg4[%dma_wait3A_169] : memref<320000xi32, #tpu.memory_space<hbm>> -> memref<40xi32, #tpu.memory_space<hbm>>
    %dma_wait3A_171 = tpu.memref_slice %arg33[%dma_wait3A_168] : memref<10x!tpu.dma_semaphore, #tpu.memory_space<semaphore_mem>> -> memref<1x!tpu.dma_semaphore, #tpu.memory_space<semaphore_mem>>
    %dma_wait3A_172 = tpu.memref_squeeze %dma_wait3A_171 : memref<1x!tpu.dma_semaphore, #tpu.memory_space<semaphore_mem>> -> memref<!tpu.dma_semaphore, #tpu.memory_space<semaphore_mem>>
    %dma_wait3A_173 = arith.constant 0 : i32
    %dma_wait3A_174 = tpu.memref_slice %arg4[%dma_wait3A_173] : memref<320000xi32, #tpu.memory_space<hbm>> -> memref<40xi32, #tpu.memory_space<hbm>>
    tpu.wait_dma2 semaphore(%dma_wait3A_172 : memref<!tpu.dma_semaphore, #tpu.memory_space<semaphore_mem>>) src(%dma_wait3A_174 : memref<40xi32, #tpu.memory_space<hbm>>) dst(%arg19 : memref<40xi32, #tpu.memory_space<vmem>>)
    %dma_start3A_175 = arith.constant 2 : i32
    %dma_start3A_176 = arith.constant 0 : i32
    %dma_start3A_177 = arith.constant 0 : i32
    %dma_start3A_178 = tpu.memref_slice %arg2[%dma_start3A_176, %dma_start3A_177] : memref<10240x128xf32, #tpu.memory_space<hbm>> -> memref<10240x128xf32, #tpu.memory_space<hbm>>
    %dma_start3A_179 = tpu.memref_slice %arg34[%dma_start3A_175] : memref<5x!tpu.dma_semaphore, #tpu.memory_space<semaphore_mem>> -> memref<1x!tpu.dma_semaphore, #tpu.memory_space<semaphore_mem>>
    %dma_start3A_180 = tpu.memref_squeeze %dma_start3A_179 : memref<1x!tpu.dma_semaphore, #tpu.memory_space<semaphore_mem>> -> memref<!tpu.dma_semaphore, #tpu.memory_space<semaphore_mem>>
    tpu.enqueue_indirect_dma source(%dma_start3A_178 : memref<10240x128xf32, #tpu.memory_space<hbm>>) target(%arg29 : memref<40x128xf32, #tpu.memory_space<vmem>>) offsets(%arg9 : memref<40xi32, #tpu.memory_space<vmem>>) semaphore(%dma_start3A_180 : memref<!tpu.dma_semaphore, #tpu.memory_space<semaphore_mem>>)
    %scan3A = arith.constant 0 : i32
    %scan3A_181 = arith.constant 25 : i32
    %scan3A_182 = arith.addi %scan3A, %scan3A_181 : i32
    %scan3A_183 = arith.constant 1 : i32
    scf.for %scan3A_216 = %scan3A to %scan3A_182 step %scan3A_183  : i32 {
      %mul3A_217 = arith.constant 10 : i32
      %mul3A_218 = arith.muli %scan3A_216, %mul3A_217 : i32
      %add3A_219 = arith.constant 0 : i32
      %add3A_220 = arith.addi %mul3A_218, %add3A_219 : i32
      %dma_wait3A_221 = arith.constant 0 : i32
      %dma_wait3A_222 = arith.constant 0 : i32
      %dma_wait3A_223 = arith.constant 0 : i32
      %dma_wait3A_224 = tpu.memref_slice %arg2[%dma_wait3A_222, %dma_wait3A_223] : memref<10240x128xf32, #tpu.memory_space<hbm>> -> memref<10240x128xf32, #tpu.memory_space<hbm>>
      %dma_wait3A_225 = tpu.memref_slice %arg34[%dma_wait3A_221] : memref<5x!tpu.dma_semaphore, #tpu.memory_space<semaphore_mem>> -> memref<1x!tpu.dma_semaphore, #tpu.memory_space<semaphore_mem>>
      %dma_wait3A_226 = tpu.memref_squeeze %dma_wait3A_225 : memref<1x!tpu.dma_semaphore, #tpu.memory_space<semaphore_mem>> -> memref<!tpu.dma_semaphore, #tpu.memory_space<semaphore_mem>>
      tpu.wait_indirect_dma semaphore(%dma_wait3A_226 : memref<!tpu.dma_semaphore, #tpu.memory_space<semaphore_mem>>) src(%dma_wait3A_224 : memref<10240x128xf32, #tpu.memory_space<hbm>>) dst(%arg27 : memref<40x128xf32, #tpu.memory_space<vmem>>)
      %dma_start3A_227 = arith.constant 0 : i32
      %dma_start3A_228 = arith.constant 0 : i32
      %dma_start3A_229 = arith.constant 0 : i32
      %dma_start3A_230 = tpu.memref_slice %arg32[%dma_start3A_228, %dma_start3A_229] : memref<10240x128xf32, #tpu.memory_space<vmem_shared>> -> memref<10240x128xf32, #tpu.memory_space<vmem_shared>>
      %dma_start3A_231 = tpu.memref_slice %arg35[%dma_start3A_227] : memref<5x!tpu.dma_semaphore, #tpu.memory_space<semaphore_mem>> -> memref<1x!tpu.dma_semaphore, #tpu.memory_space<semaphore_mem>>
      %dma_start3A_232 = tpu.memref_squeeze %dma_start3A_231 : memref<1x!tpu.dma_semaphore, #tpu.memory_space<semaphore_mem>> -> memref<!tpu.dma_semaphore, #tpu.memory_space<semaphore_mem>>
      tpu.enqueue_indirect_dma source(%arg27 : memref<40x128xf32, #tpu.memory_space<vmem>>) target(%dma_start3A_230 : memref<10240x128xf32, #tpu.memory_space<vmem_shared>>) offsets(%arg17 : memref<40xi32, #tpu.memory_space<vmem>>) semaphore(%dma_start3A_232 : memref<!tpu.dma_semaphore, #tpu.memory_space<semaphore_mem>>) {add = true}
      %add3A_233 = arith.constant 3 : i32
      %add3A_234 = arith.addi %add3A_220, %add3A_233 : i32
      %lt3A = arith.constant 250 : i32
      %lt3A_235 = arith.cmpi slt, %add3A_234, %lt3A : i32
      %convert_element_type3A_236 = arith.extui %lt3A_235 : i1 to i32
      %cond3A_237 = arith.constant 0 : i32
      %cond3A_238 = arith.cmpi ne, %convert_element_type3A_236, %cond3A_237 : i32
      scf.if %cond3A_238 {
        %ge3A = arith.constant 2 : i32
        %ge3A_516 = arith.cmpi sge, %add3A_220, %ge3A : i32
        %convert_element_type3A_517 = arith.extui %ge3A_516 : i1 to i32
        %cond3A_518 = arith.constant 0 : i32
        %cond3A_519 = arith.cmpi ne, %convert_element_type3A_517, %cond3A_518 : i32
        scf.if %cond3A_519 {
          %dma_wait3A_540 = arith.constant 3 : i32
          %dma_wait3A_541 = arith.constant 0 : i32
          %dma_wait3A_542 = arith.constant 0 : i32
          %dma_wait3A_543 = tpu.memref_slice %arg32[%dma_wait3A_541, %dma_wait3A_542] : memref<10240x128xf32, #tpu.memory_space<vmem_shared>> -> memref<10240x128xf32, #tpu.memory_space<vmem_shared>>
          %dma_wait3A_544 = tpu.memref_slice %arg35[%dma_wait3A_540] : memref<5x!tpu.dma_semaphore, #tpu.memory_space<semaphore_mem>> -> memref<1x!tpu.dma_semaphore, #tpu.memory_space<semaphore_mem>>
          %dma_wait3A_545 = tpu.memref_squeeze %dma_wait3A_544 : memref<1x!tpu.dma_semaphore, #tpu.memory_space<semaphore_mem>> -> memref<!tpu.dma_semaphore, #tpu.memory_space<semaphore_mem>>
          tpu.wait_indirect_dma semaphore(%dma_wait3A_545 : memref<!tpu.dma_semaphore, #tpu.memory_space<semaphore_mem>>) src(%arg30 : memref<40x128xf32, #tpu.memory_space<vmem>>) dst(%dma_wait3A_543 : memref<10240x128xf32, #tpu.memory_space<vmem_shared>>)
        } else {
        }
        %dma_wait3A_520 = arith.constant 3 : i32
        %dma_wait3A_521 = arith.constant 0 : i32
        %dma_wait3A_522 = tpu.memref_slice %arg3[%dma_wait3A_521] : memref<320000xi32, #tpu.memory_space<hbm>> -> memref<40xi32, #tpu.memory_space<hbm>>
        %dma_wait3A_523 = tpu.memref_slice %arg33[%dma_wait3A_520] : memref<10x!tpu.dma_semaphore, #tpu.memory_space<semaphore_mem>> -> memref<1x!tpu.dma_semaphore, #tpu.memory_space<semaphore_mem>>
        %dma_wait3A_524 = tpu.memref_squeeze %dma_wait3A_523 : memref<1x!tpu.dma_semaphore, #tpu.memory_space<semaphore_mem>> -> memref<!tpu.dma_semaphore, #tpu.memory_space<semaphore_mem>>
        %dma_wait3A_525 = arith.constant 0 : i32
        %dma_wait3A_526 = tpu.memref_slice %arg3[%dma_wait3A_525] : memref<320000xi32, #tpu.memory_space<hbm>> -> memref<40xi32, #tpu.memory_space<hbm>>
        tpu.wait_dma2 semaphore(%dma_wait3A_524 : memref<!tpu.dma_semaphore, #tpu.memory_space<semaphore_mem>>) src(%dma_wait3A_526 : memref<40xi32, #tpu.memory_space<hbm>>) dst(%arg10 : memref<40xi32, #tpu.memory_space<vmem>>)
        %dma_wait3A_527 = arith.constant 3 : i32
        %dma_wait3A_528 = arith.constant 0 : i32
        %dma_wait3A_529 = tpu.memref_slice %arg4[%dma_wait3A_528] : memref<320000xi32, #tpu.memory_space<hbm>> -> memref<40xi32, #tpu.memory_space<hbm>>
        %dma_wait3A_530 = tpu.memref_slice %arg33[%dma_wait3A_527] : memref<10x!tpu.dma_semaphore, #tpu.memory_space<semaphore_mem>> -> memref<1x!tpu.dma_semaphore, #tpu.memory_space<semaphore_mem>>
        %dma_wait3A_531 = tpu.memref_squeeze %dma_wait3A_530 : memref<1x!tpu.dma_semaphore, #tpu.memory_space<semaphore_mem>> -> memref<!tpu.dma_semaphore, #tpu.memory_space<semaphore_mem>>
        %dma_wait3A_532 = arith.constant 0 : i32
        %dma_wait3A_533 = tpu.memref_slice %arg4[%dma_wait3A_532] : memref<320000xi32, #tpu.memory_space<hbm>> -> memref<40xi32, #tpu.memory_space<hbm>>
        tpu.wait_dma2 semaphore(%dma_wait3A_531 : memref<!tpu.dma_semaphore, #tpu.memory_space<semaphore_mem>>) src(%dma_wait3A_533 : memref<40xi32, #tpu.memory_space<hbm>>) dst(%arg20 : memref<40xi32, #tpu.memory_space<vmem>>)
        %dma_start3A_534 = arith.constant 3 : i32
        %dma_start3A_535 = arith.constant 0 : i32
        %dma_start3A_536 = arith.constant 0 : i32
        %dma_start3A_537 = tpu.memref_slice %arg2[%dma_start3A_535, %dma_start3A_536] : memref<10240x128xf32, #tpu.memory_space<hbm>> -> memref<10240x128xf32, #tpu.memory_space<hbm>>
        %dma_start3A_538 = tpu.memref_slice %arg34[%dma_start3A_534] : memref<5x!tpu.dma_semaphore, #tpu.memory_space<semaphore_mem>> -> memref<1x!tpu.dma_semaphore, #tpu.memory_space<semaphore_mem>>
        %dma_start3A_539 = tpu.memref_squeeze %dma_start3A_538 : memref<1x!tpu.dma_semaphore, #tpu.memory_space<semaphore_mem>> -> memref<!tpu.dma_semaphore, #tpu.memory_space<semaphore_mem>>
        tpu.enqueue_indirect_dma source(%dma_start3A_537 : memref<10240x128xf32, #tpu.memory_space<hbm>>) target(%arg30 : memref<40x128xf32, #tpu.memory_space<vmem>>) offsets(%arg10 : memref<40xi32, #tpu.memory_space<vmem>>) semaphore(%dma_start3A_539 : memref<!tpu.dma_semaphore, #tpu.memory_space<semaphore_mem>>)
      } else {
      }
      %add3A_239 = arith.constant 8 : i32
      %add3A_240 = arith.addi %add3A_220, %add3A_239 : i32
      %lt3A_241 = arith.constant 250 : i32
      %lt3A_242 = arith.cmpi slt, %add3A_240, %lt3A_241 : i32
      %convert_element_type3A_243 = arith.extui %lt3A_242 : i1 to i32
      %cond3A_244 = arith.constant 0 : i32
      %cond3A_245 = arith.cmpi ne, %convert_element_type3A_243, %cond3A_244 : i32
      scf.if %cond3A_245 {
        %add3A_516 = arith.constant 8 : i32
        %add3A_517 = arith.addi %add3A_220, %add3A_516 : i32
        %mul3A_518 = arith.constant 40 : i32
        %mul3A_519 = arith.muli %add3A_517, %mul3A_518 : i32
        %add3A_520 = arith.addi %mul3A_4, %mul3A_519 : i32
        %dma_start3A_521 = arith.constant 8 : i32
        %dma_start3A_522 = tpu.memref_slice %arg3[%add3A_520] : memref<320000xi32, #tpu.memory_space<hbm>> -> memref<40xi32, #tpu.memory_space<hbm>>
        %dma_start3A_523 = tpu.memref_slice %arg33[%dma_start3A_521] : memref<10x!tpu.dma_semaphore, #tpu.memory_space<semaphore_mem>> -> memref<1x!tpu.dma_semaphore, #tpu.memory_space<semaphore_mem>>
        %dma_start3A_524 = tpu.memref_squeeze %dma_start3A_523 : memref<1x!tpu.dma_semaphore, #tpu.memory_space<semaphore_mem>> -> memref<!tpu.dma_semaphore, #tpu.memory_space<semaphore_mem>>
        %dma_start3A_525 = tpu.memref_slice %arg3[%add3A_520] : memref<320000xi32, #tpu.memory_space<hbm>> -> memref<40xi32, #tpu.memory_space<hbm>>
        tpu.enqueue_dma source(%dma_start3A_525 : memref<40xi32, #tpu.memory_space<hbm>>) target(%arg15 : memref<40xi32, #tpu.memory_space<vmem>>) target_semaphore(%dma_start3A_524 : memref<!tpu.dma_semaphore, #tpu.memory_space<semaphore_mem>>)
        %mul3A_526 = arith.constant 40 : i32
        %mul3A_527 = arith.muli %add3A_517, %mul3A_526 : i32
        %add3A_528 = arith.addi %mul3A_4, %mul3A_527 : i32
        %dma_start3A_529 = arith.constant 8 : i32
        %dma_start3A_530 = tpu.memref_slice %arg4[%add3A_528] : memref<320000xi32, #tpu.memory_space<hbm>> -> memref<40xi32, #tpu.memory_space<hbm>>
        %dma_start3A_531 = tpu.memref_slice %arg33[%dma_start3A_529] : memref<10x!tpu.dma_semaphore, #tpu.memory_space<semaphore_mem>> -> memref<1x!tpu.dma_semaphore, #tpu.memory_space<semaphore_mem>>
        %dma_start3A_532 = tpu.memref_squeeze %dma_start3A_531 : memref<1x!tpu.dma_semaphore, #tpu.memory_space<semaphore_mem>> -> memref<!tpu.dma_semaphore, #tpu.memory_space<semaphore_mem>>
        %dma_start3A_533 = tpu.memref_slice %arg4[%add3A_528] : memref<320000xi32, #tpu.memory_space<hbm>> -> memref<40xi32, #tpu.memory_space<hbm>>
        tpu.enqueue_dma source(%dma_start3A_533 : memref<40xi32, #tpu.memory_space<hbm>>) target(%arg25 : memref<40xi32, #tpu.memory_space<vmem>>) target_semaphore(%dma_start3A_532 : memref<!tpu.dma_semaphore, #tpu.memory_space<semaphore_mem>>)
      } else {
      }
      %mul3A_246 = arith.constant 10 : i32
      %mul3A_247 = arith.muli %scan3A_216, %mul3A_246 : i32
      %add3A_248 = arith.constant 1 : i32
      %add3A_249 = arith.addi %mul3A_247, %add3A_248 : i32
      %dma_wait3A_250 = arith.constant 1 : i32
      %dma_wait3A_251 = arith.constant 0 : i32
      %dma_wait3A_252 = arith.constant 0 : i32
      %dma_wait3A_253 = tpu.memref_slice %arg2[%dma_wait3A_251, %dma_wait3A_252] : memref<10240x128xf32, #tpu.memory_space<hbm>> -> memref<10240x128xf32, #tpu.memory_space<hbm>>
      %dma_wait3A_254 = tpu.memref_slice %arg34[%dma_wait3A_250] : memref<5x!tpu.dma_semaphore, #tpu.memory_space<semaphore_mem>> -> memref<1x!tpu.dma_semaphore, #tpu.memory_space<semaphore_mem>>
      %dma_wait3A_255 = tpu.memref_squeeze %dma_wait3A_254 : memref<1x!tpu.dma_semaphore, #tpu.memory_space<semaphore_mem>> -> memref<!tpu.dma_semaphore, #tpu.memory_space<semaphore_mem>>
      tpu.wait_indirect_dma semaphore(%dma_wait3A_255 : memref<!tpu.dma_semaphore, #tpu.memory_space<semaphore_mem>>) src(%dma_wait3A_253 : memref<10240x128xf32, #tpu.memory_space<hbm>>) dst(%arg28 : memref<40x128xf32, #tpu.memory_space<vmem>>)
      %dma_start3A_256 = arith.constant 1 : i32
      %dma_start3A_257 = arith.constant 0 : i32
      %dma_start3A_258 = arith.constant 0 : i32
      %dma_start3A_259 = tpu.memref_slice %arg32[%dma_start3A_257, %dma_start3A_258] : memref<10240x128xf32, #tpu.memory_space<vmem_shared>> -> memref<10240x128xf32, #tpu.memory_space<vmem_shared>>
      %dma_start3A_260 = tpu.memref_slice %arg35[%dma_start3A_256] : memref<5x!tpu.dma_semaphore, #tpu.memory_space<semaphore_mem>> -> memref<1x!tpu.dma_semaphore, #tpu.memory_space<semaphore_mem>>
      %dma_start3A_261 = tpu.memref_squeeze %dma_start3A_260 : memref<1x!tpu.dma_semaphore, #tpu.memory_space<semaphore_mem>> -> memref<!tpu.dma_semaphore, #tpu.memory_space<semaphore_mem>>
      tpu.enqueue_indirect_dma source(%arg28 : memref<40x128xf32, #tpu.memory_space<vmem>>) target(%dma_start3A_259 : memref<10240x128xf32, #tpu.memory_space<vmem_shared>>) offsets(%arg18 : memref<40xi32, #tpu.memory_space<vmem>>) semaphore(%dma_start3A_261 : memref<!tpu.dma_semaphore, #tpu.memory_space<semaphore_mem>>) {add = true}
      %add3A_262 = arith.constant 3 : i32
      %add3A_263 = arith.addi %add3A_249, %add3A_262 : i32
      %lt3A_264 = arith.constant 250 : i32
      %lt3A_265 = arith.cmpi slt, %add3A_263, %lt3A_264 : i32
      %convert_element_type3A_266 = arith.extui %lt3A_265 : i1 to i32
      %cond3A_267 = arith.constant 0 : i32
      %cond3A_268 = arith.cmpi ne, %convert_element_type3A_266, %cond3A_267 : i32
      scf.if %cond3A_268 {
        %ge3A = arith.constant 2 : i32
        %ge3A_516 = arith.cmpi sge, %add3A_249, %ge3A : i32
        %convert_element_type3A_517 = arith.extui %ge3A_516 : i1 to i32
        %cond3A_518 = arith.constant 0 : i32
        %cond3A_519 = arith.cmpi ne, %convert_element_type3A_517, %cond3A_518 : i32
        scf.if %cond3A_519 {
          %dma_wait3A_540 = arith.constant 4 : i32
          %dma_wait3A_541 = arith.constant 0 : i32
          %dma_wait3A_542 = arith.constant 0 : i32
          %dma_wait3A_543 = tpu.memref_slice %arg32[%dma_wait3A_541, %dma_wait3A_542] : memref<10240x128xf32, #tpu.memory_space<vmem_shared>> -> memref<10240x128xf32, #tpu.memory_space<vmem_shared>>
          %dma_wait3A_544 = tpu.memref_slice %arg35[%dma_wait3A_540] : memref<5x!tpu.dma_semaphore, #tpu.memory_space<semaphore_mem>> -> memref<1x!tpu.dma_semaphore, #tpu.memory_space<semaphore_mem>>
          %dma_wait3A_545 = tpu.memref_squeeze %dma_wait3A_544 : memref<1x!tpu.dma_semaphore, #tpu.memory_space<semaphore_mem>> -> memref<!tpu.dma_semaphore, #tpu.memory_space<semaphore_mem>>
          tpu.wait_indirect_dma semaphore(%dma_wait3A_545 : memref<!tpu.dma_semaphore, #tpu.memory_space<semaphore_mem>>) src(%arg31 : memref<40x128xf32, #tpu.memory_space<vmem>>) dst(%dma_wait3A_543 : memref<10240x128xf32, #tpu.memory_space<vmem_shared>>)
        } else {
        }
        %dma_wait3A_520 = arith.constant 4 : i32
        %dma_wait3A_521 = arith.constant 0 : i32
        %dma_wait3A_522 = tpu.memref_slice %arg3[%dma_wait3A_521] : memref<320000xi32, #tpu.memory_space<hbm>> -> memref<40xi32, #tpu.memory_space<hbm>>
        %dma_wait3A_523 = tpu.memref_slice %arg33[%dma_wait3A_520] : memref<10x!tpu.dma_semaphore, #tpu.memory_space<semaphore_mem>> -> memref<1x!tpu.dma_semaphore, #tpu.memory_space<semaphore_mem>>
        %dma_wait3A_524 = tpu.memref_squeeze %dma_wait3A_523 : memref<1x!tpu.dma_semaphore, #tpu.memory_space<semaphore_mem>> -> memref<!tpu.dma_semaphore, #tpu.memory_space<semaphore_mem>>
        %dma_wait3A_525 = arith.constant 0 : i32
        %dma_wait3A_526 = tpu.memref_slice %arg3[%dma_wait3A_525] : memref<320000xi32, #tpu.memory_space<hbm>> -> memref<40xi32, #tpu.memory_space<hbm>>
        tpu.wait_dma2 semaphore(%dma_wait3A_524 : memref<!tpu.dma_semaphore, #tpu.memory_space<semaphore_mem>>) src(%dma_wait3A_526 : memref<40xi32, #tpu.memory_space<hbm>>) dst(%arg11 : memref<40xi32, #tpu.memory_space<vmem>>)
        %dma_wait3A_527 = arith.constant 4 : i32
        %dma_wait3A_528 = arith.constant 0 : i32
        %dma_wait3A_529 = tpu.memref_slice %arg4[%dma_wait3A_528] : memref<320000xi32, #tpu.memory_space<hbm>> -> memref<40xi32, #tpu.memory_space<hbm>>
        %dma_wait3A_530 = tpu.memref_slice %arg33[%dma_wait3A_527] : memref<10x!tpu.dma_semaphore, #tpu.memory_space<semaphore_mem>> -> memref<1x!tpu.dma_semaphore, #tpu.memory_space<semaphore_mem>>
        %dma_wait3A_531 = tpu.memref_squeeze %dma_wait3A_530 : memref<1x!tpu.dma_semaphore, #tpu.memory_space<semaphore_mem>> -> memref<!tpu.dma_semaphore, #tpu.memory_space<semaphore_mem>>
        %dma_wait3A_532 = arith.constant 0 : i32
        %dma_wait3A_533 = tpu.memref_slice %arg4[%dma_wait3A_532] : memref<320000xi32, #tpu.memory_space<hbm>> -> memref<40xi32, #tpu.memory_space<hbm>>
        tpu.wait_dma2 semaphore(%dma_wait3A_531 : memref<!tpu.dma_semaphore, #tpu.memory_space<semaphore_mem>>) src(%dma_wait3A_533 : memref<40xi32, #tpu.memory_space<hbm>>) dst(%arg21 : memref<40xi32, #tpu.memory_space<vmem>>)
        %dma_start3A_534 = arith.constant 4 : i32
        %dma_start3A_535 = arith.constant 0 : i32
        %dma_start3A_536 = arith.constant 0 : i32
        %dma_start3A_537 = tpu.memref_slice %arg2[%dma_start3A_535, %dma_start3A_536] : memref<10240x128xf32, #tpu.memory_space<hbm>> -> memref<10240x128xf32, #tpu.memory_space<hbm>>
        %dma_start3A_538 = tpu.memref_slice %arg34[%dma_start3A_534] : memref<5x!tpu.dma_semaphore, #tpu.memory_space<semaphore_mem>> -> memref<1x!tpu.dma_semaphore, #tpu.memory_space<semaphore_mem>>
        %dma_start3A_539 = tpu.memref_squeeze %dma_start3A_538 : memref<1x!tpu.dma_semaphore, #tpu.memory_space<semaphore_mem>> -> memref<!tpu.dma_semaphore, #tpu.memory_space<semaphore_mem>>
        tpu.enqueue_indirect_dma source(%dma_start3A_537 : memref<10240x128xf32, #tpu.memory_space<hbm>>) target(%arg31 : memref<40x128xf32, #tpu.memory_space<vmem>>) offsets(%arg11 : memref<40xi32, #tpu.memory_space<vmem>>) semaphore(%dma_start3A_539 : memref<!tpu.dma_semaphore, #tpu.memory_space<semaphore_mem>>)
      } else {
      }
      %add3A_269 = arith.constant 8 : i32
      %add3A_270 = arith.addi %add3A_249, %add3A_269 : i32
      %lt3A_271 = arith.constant 250 : i32
      %lt3A_272 = arith.cmpi slt, %add3A_270, %lt3A_271 : i32
      %convert_element_type3A_273 = arith.extui %lt3A_272 : i1 to i32
      %cond3A_274 = arith.constant 0 : i32
      %cond3A_275 = arith.cmpi ne, %convert_element_type3A_273, %cond3A_274 : i32
      scf.if %cond3A_275 {
        %add3A_516 = arith.constant 8 : i32
        %add3A_517 = arith.addi %add3A_249, %add3A_516 : i32
        %mul3A_518 = arith.constant 40 : i32
        %mul3A_519 = arith.muli %add3A_517, %mul3A_518 : i32
        %add3A_520 = arith.addi %mul3A_4, %mul3A_519 : i32
        %dma_start3A_521 = arith.constant 9 : i32
        %dma_start3A_522 = tpu.memref_slice %arg3[%add3A_520] : memref<320000xi32, #tpu.memory_space<hbm>> -> memref<40xi32, #tpu.memory_space<hbm>>
        %dma_start3A_523 = tpu.memref_slice %arg33[%dma_start3A_521] : memref<10x!tpu.dma_semaphore, #tpu.memory_space<semaphore_mem>> -> memref<1x!tpu.dma_semaphore, #tpu.memory_space<semaphore_mem>>
        %dma_start3A_524 = tpu.memref_squeeze %dma_start3A_523 : memref<1x!tpu.dma_semaphore, #tpu.memory_space<semaphore_mem>> -> memref<!tpu.dma_semaphore, #tpu.memory_space<semaphore_mem>>
        %dma_start3A_525 = tpu.memref_slice %arg3[%add3A_520] : memref<320000xi32, #tpu.memory_space<hbm>> -> memref<40xi32, #tpu.memory_space<hbm>>
        tpu.enqueue_dma source(%dma_start3A_525 : memref<40xi32, #tpu.memory_space<hbm>>) target(%arg16 : memref<40xi32, #tpu.memory_space<vmem>>) target_semaphore(%dma_start3A_524 : memref<!tpu.dma_semaphore, #tpu.memory_space<semaphore_mem>>)
        %mul3A_526 = arith.constant 40 : i32
        %mul3A_527 = arith.muli %add3A_517, %mul3A_526 : i32
        %add3A_528 = arith.addi %mul3A_4, %mul3A_527 : i32
        %dma_start3A_529 = arith.constant 9 : i32
        %dma_start3A_530 = tpu.memref_slice %arg4[%add3A_528] : memref<320000xi32, #tpu.memory_space<hbm>> -> memref<40xi32, #tpu.memory_space<hbm>>
        %dma_start3A_531 = tpu.memref_slice %arg33[%dma_start3A_529] : memref<10x!tpu.dma_semaphore, #tpu.memory_space<semaphore_mem>> -> memref<1x!tpu.dma_semaphore, #tpu.memory_space<semaphore_mem>>
        %dma_start3A_532 = tpu.memref_squeeze %dma_start3A_531 : memref<1x!tpu.dma_semaphore, #tpu.memory_space<semaphore_mem>> -> memref<!tpu.dma_semaphore, #tpu.memory_space<semaphore_mem>>
        %dma_start3A_533 = tpu.memref_slice %arg4[%add3A_528] : memref<320000xi32, #tpu.memory_space<hbm>> -> memref<40xi32, #tpu.memory_space<hbm>>
        tpu.enqueue_dma source(%dma_start3A_533 : memref<40xi32, #tpu.memory_space<hbm>>) target(%arg26 : memref<40xi32, #tpu.memory_space<vmem>>) target_semaphore(%dma_start3A_532 : memref<!tpu.dma_semaphore, #tpu.memory_space<semaphore_mem>>)
      } else {
      }
      %mul3A_276 = arith.constant 10 : i32
      %mul3A_277 = arith.muli %scan3A_216, %mul3A_276 : i32
      %add3A_278 = arith.constant 2 : i32
      %add3A_279 = arith.addi %mul3A_277, %add3A_278 : i32
      %dma_wait3A_280 = arith.constant 2 : i32
      %dma_wait3A_281 = arith.constant 0 : i32
      %dma_wait3A_282 = arith.constant 0 : i32
      %dma_wait3A_283 = tpu.memref_slice %arg2[%dma_wait3A_281, %dma_wait3A_282] : memref<10240x128xf32, #tpu.memory_space<hbm>> -> memref<10240x128xf32, #tpu.memory_space<hbm>>
      %dma_wait3A_284 = tpu.memref_slice %arg34[%dma_wait3A_280] : memref<5x!tpu.dma_semaphore, #tpu.memory_space<semaphore_mem>> -> memref<1x!tpu.dma_semaphore, #tpu.memory_space<semaphore_mem>>
      %dma_wait3A_285 = tpu.memref_squeeze %dma_wait3A_284 : memref<1x!tpu.dma_semaphore, #tpu.memory_space<semaphore_mem>> -> memref<!tpu.dma_semaphore, #tpu.memory_space<semaphore_mem>>
      tpu.wait_indirect_dma semaphore(%dma_wait3A_285 : memref<!tpu.dma_semaphore, #tpu.memory_space<semaphore_mem>>) src(%dma_wait3A_283 : memref<10240x128xf32, #tpu.memory_space<hbm>>) dst(%arg29 : memref<40x128xf32, #tpu.memory_space<vmem>>)
      %dma_start3A_286 = arith.constant 2 : i32
      %dma_start3A_287 = arith.constant 0 : i32
      %dma_start3A_288 = arith.constant 0 : i32
      %dma_start3A_289 = tpu.memref_slice %arg32[%dma_start3A_287, %dma_start3A_288] : memref<10240x128xf32, #tpu.memory_space<vmem_shared>> -> memref<10240x128xf32, #tpu.memory_space<vmem_shared>>
      %dma_start3A_290 = tpu.memref_slice %arg35[%dma_start3A_286] : memref<5x!tpu.dma_semaphore, #tpu.memory_space<semaphore_mem>> -> memref<1x!tpu.dma_semaphore, #tpu.memory_space<semaphore_mem>>
      %dma_start3A_291 = tpu.memref_squeeze %dma_start3A_290 : memref<1x!tpu.dma_semaphore, #tpu.memory_space<semaphore_mem>> -> memref<!tpu.dma_semaphore, #tpu.memory_space<semaphore_mem>>
      tpu.enqueue_indirect_dma source(%arg29 : memref<40x128xf32, #tpu.memory_space<vmem>>) target(%dma_start3A_289 : memref<10240x128xf32, #tpu.memory_space<vmem_shared>>) offsets(%arg19 : memref<40xi32, #tpu.memory_space<vmem>>) semaphore(%dma_start3A_291 : memref<!tpu.dma_semaphore, #tpu.memory_space<semaphore_mem>>) {add = true}
      %add3A_292 = arith.constant 3 : i32
      %add3A_293 = arith.addi %add3A_279, %add3A_292 : i32
      %lt3A_294 = arith.constant 250 : i32
      %lt3A_295 = arith.cmpi slt, %add3A_293, %lt3A_294 : i32
      %convert_element_type3A_296 = arith.extui %lt3A_295 : i1 to i32
      %cond3A_297 = arith.constant 0 : i32
      %cond3A_298 = arith.cmpi ne, %convert_element_type3A_296, %cond3A_297 : i32
      scf.if %cond3A_298 {
        %ge3A = arith.constant 2 : i32
        %ge3A_516 = arith.cmpi sge, %add3A_279, %ge3A : i32
        %convert_element_type3A_517 = arith.extui %ge3A_516 : i1 to i32
        %cond3A_518 = arith.constant 0 : i32
        %cond3A_519 = arith.cmpi ne, %convert_element_type3A_517, %cond3A_518 : i32
        scf.if %cond3A_519 {
          %dma_wait3A_540 = arith.constant 0 : i32
          %dma_wait3A_541 = arith.constant 0 : i32
          %dma_wait3A_542 = arith.constant 0 : i32
          %dma_wait3A_543 = tpu.memref_slice %arg32[%dma_wait3A_541, %dma_wait3A_542] : memref<10240x128xf32, #tpu.memory_space<vmem_shared>> -> memref<10240x128xf32, #tpu.memory_space<vmem_shared>>
          %dma_wait3A_544 = tpu.memref_slice %arg35[%dma_wait3A_540] : memref<5x!tpu.dma_semaphore, #tpu.memory_space<semaphore_mem>> -> memref<1x!tpu.dma_semaphore, #tpu.memory_space<semaphore_mem>>
          %dma_wait3A_545 = tpu.memref_squeeze %dma_wait3A_544 : memref<1x!tpu.dma_semaphore, #tpu.memory_space<semaphore_mem>> -> memref<!tpu.dma_semaphore, #tpu.memory_space<semaphore_mem>>
          tpu.wait_indirect_dma semaphore(%dma_wait3A_545 : memref<!tpu.dma_semaphore, #tpu.memory_space<semaphore_mem>>) src(%arg27 : memref<40x128xf32, #tpu.memory_space<vmem>>) dst(%dma_wait3A_543 : memref<10240x128xf32, #tpu.memory_space<vmem_shared>>)
        } else {
        }
        %dma_wait3A_520 = arith.constant 5 : i32
        %dma_wait3A_521 = arith.constant 0 : i32
        %dma_wait3A_522 = tpu.memref_slice %arg3[%dma_wait3A_521] : memref<320000xi32, #tpu.memory_space<hbm>> -> memref<40xi32, #tpu.memory_space<hbm>>
        %dma_wait3A_523 = tpu.memref_slice %arg33[%dma_wait3A_520] : memref<10x!tpu.dma_semaphore, #tpu.memory_space<semaphore_mem>> -> memref<1x!tpu.dma_semaphore, #tpu.memory_space<semaphore_mem>>
        %dma_wait3A_524 = tpu.memref_squeeze %dma_wait3A_523 : memref<1x!tpu.dma_semaphore, #tpu.memory_space<semaphore_mem>> -> memref<!tpu.dma_semaphore, #tpu.memory_space<semaphore_mem>>
        %dma_wait3A_525 = arith.constant 0 : i32
        %dma_wait3A_526 = tpu.memref_slice %arg3[%dma_wait3A_525] : memref<320000xi32, #tpu.memory_space<hbm>> -> memref<40xi32, #tpu.memory_space<hbm>>
        tpu.wait_dma2 semaphore(%dma_wait3A_524 : memref<!tpu.dma_semaphore, #tpu.memory_space<semaphore_mem>>) src(%dma_wait3A_526 : memref<40xi32, #tpu.memory_space<hbm>>) dst(%arg12 : memref<40xi32, #tpu.memory_space<vmem>>)
        %dma_wait3A_527 = arith.constant 5 : i32
        %dma_wait3A_528 = arith.constant 0 : i32
        %dma_wait3A_529 = tpu.memref_slice %arg4[%dma_wait3A_528] : memref<320000xi32, #tpu.memory_space<hbm>> -> memref<40xi32, #tpu.memory_space<hbm>>
        %dma_wait3A_530 = tpu.memref_slice %arg33[%dma_wait3A_527] : memref<10x!tpu.dma_semaphore, #tpu.memory_space<semaphore_mem>> -> memref<1x!tpu.dma_semaphore, #tpu.memory_space<semaphore_mem>>
        %dma_wait3A_531 = tpu.memref_squeeze %dma_wait3A_530 : memref<1x!tpu.dma_semaphore, #tpu.memory_space<semaphore_mem>> -> memref<!tpu.dma_semaphore, #tpu.memory_space<semaphore_mem>>
        %dma_wait3A_532 = arith.constant 0 : i32
        %dma_wait3A_533 = tpu.memref_slice %arg4[%dma_wait3A_532] : memref<320000xi32, #tpu.memory_space<hbm>> -> memref<40xi32, #tpu.memory_space<hbm>>
        tpu.wait_dma2 semaphore(%dma_wait3A_531 : memref<!tpu.dma_semaphore, #tpu.memory_space<semaphore_mem>>) src(%dma_wait3A_533 : memref<40xi32, #tpu.memory_space<hbm>>) dst(%arg22 : memref<40xi32, #tpu.memory_space<vmem>>)
        %dma_start3A_534 = arith.constant 0 : i32
        %dma_start3A_535 = arith.constant 0 : i32
        %dma_start3A_536 = arith.constant 0 : i32
        %dma_start3A_537 = tpu.memref_slice %arg2[%dma_start3A_535, %dma_start3A_536] : memref<10240x128xf32, #tpu.memory_space<hbm>> -> memref<10240x128xf32, #tpu.memory_space<hbm>>
        %dma_start3A_538 = tpu.memref_slice %arg34[%dma_start3A_534] : memref<5x!tpu.dma_semaphore, #tpu.memory_space<semaphore_mem>> -> memref<1x!tpu.dma_semaphore, #tpu.memory_space<semaphore_mem>>
        %dma_start3A_539 = tpu.memref_squeeze %dma_start3A_538 : memref<1x!tpu.dma_semaphore, #tpu.memory_space<semaphore_mem>> -> memref<!tpu.dma_semaphore, #tpu.memory_space<semaphore_mem>>
        tpu.enqueue_indirect_dma source(%dma_start3A_537 : memref<10240x128xf32, #tpu.memory_space<hbm>>) target(%arg27 : memref<40x128xf32, #tpu.memory_space<vmem>>) offsets(%arg12 : memref<40xi32, #tpu.memory_space<vmem>>) semaphore(%dma_start3A_539 : memref<!tpu.dma_semaphore, #tpu.memory_space<semaphore_mem>>)
      } else {
      }
      %add3A_299 = arith.constant 8 : i32
      %add3A_300 = arith.addi %add3A_279, %add3A_299 : i32
      %lt3A_301 = arith.constant 250 : i32
      %lt3A_302 = arith.cmpi slt, %add3A_300, %lt3A_301 : i32
      %convert_element_type3A_303 = arith.extui %lt3A_302 : i1 to i32
      %cond3A_304 = arith.constant 0 : i32
      %cond3A_305 = arith.cmpi ne, %convert_element_type3A_303, %cond3A_304 : i32
      scf.if %cond3A_305 {
        %add3A_516 = arith.constant 8 : i32
        %add3A_517 = arith.addi %add3A_279, %add3A_516 : i32
        %mul3A_518 = arith.constant 40 : i32
        %mul3A_519 = arith.muli %add3A_517, %mul3A_518 : i32
        %add3A_520 = arith.addi %mul3A_4, %mul3A_519 : i32
        %dma_start3A_521 = arith.constant 0 : i32
        %dma_start3A_522 = tpu.memref_slice %arg3[%add3A_520] : memref<320000xi32, #tpu.memory_space<hbm>> -> memref<40xi32, #tpu.memory_space<hbm>>
        %dma_start3A_523 = tpu.memref_slice %arg33[%dma_start3A_521] : memref<10x!tpu.dma_semaphore, #tpu.memory_space<semaphore_mem>> -> memref<1x!tpu.dma_semaphore, #tpu.memory_space<semaphore_mem>>
        %dma_start3A_524 = tpu.memref_squeeze %dma_start3A_523 : memref<1x!tpu.dma_semaphore, #tpu.memory_space<semaphore_mem>> -> memref<!tpu.dma_semaphore, #tpu.memory_space<semaphore_mem>>
        %dma_start3A_525 = tpu.memref_slice %arg3[%add3A_520] : memref<320000xi32, #tpu.memory_space<hbm>> -> memref<40xi32, #tpu.memory_space<hbm>>
        tpu.enqueue_dma source(%dma_start3A_525 : memref<40xi32, #tpu.memory_space<hbm>>) target(%arg7 : memref<40xi32, #tpu.memory_space<vmem>>) target_semaphore(%dma_start3A_524 : memref<!tpu.dma_semaphore, #tpu.memory_space<semaphore_mem>>)
        %mul3A_526 = arith.constant 40 : i32
        %mul3A_527 = arith.muli %add3A_517, %mul3A_526 : i32
        %add3A_528 = arith.addi %mul3A_4, %mul3A_527 : i32
        %dma_start3A_529 = arith.constant 0 : i32
        %dma_start3A_530 = tpu.memref_slice %arg4[%add3A_528] : memref<320000xi32, #tpu.memory_space<hbm>> -> memref<40xi32, #tpu.memory_space<hbm>>
        %dma_start3A_531 = tpu.memref_slice %arg33[%dma_start3A_529] : memref<10x!tpu.dma_semaphore, #tpu.memory_space<semaphore_mem>> -> memref<1x!tpu.dma_semaphore, #tpu.memory_space<semaphore_mem>>
        %dma_start3A_532 = tpu.memref_squeeze %dma_start3A_531 : memref<1x!tpu.dma_semaphore, #tpu.memory_space<semaphore_mem>> -> memref<!tpu.dma_semaphore, #tpu.memory_space<semaphore_mem>>
        %dma_start3A_533 = tpu.memref_slice %arg4[%add3A_528] : memref<320000xi32, #tpu.memory_space<hbm>> -> memref<40xi32, #tpu.memory_space<hbm>>
        tpu.enqueue_dma source(%dma_start3A_533 : memref<40xi32, #tpu.memory_space<hbm>>) target(%arg17 : memref<40xi32, #tpu.memory_space<vmem>>) target_semaphore(%dma_start3A_532 : memref<!tpu.dma_semaphore, #tpu.memory_space<semaphore_mem>>)
      } else {
      }
      %mul3A_306 = arith.constant 10 : i32
      %mul3A_307 = arith.muli %scan3A_216, %mul3A_306 : i32
      %add3A_308 = arith.constant 3 : i32
      %add3A_309 = arith.addi %mul3A_307, %add3A_308 : i32
      %dma_wait3A_310 = arith.constant 3 : i32
      %dma_wait3A_311 = arith.constant 0 : i32
      %dma_wait3A_312 = arith.constant 0 : i32
      %dma_wait3A_313 = tpu.memref_slice %arg2[%dma_wait3A_311, %dma_wait3A_312] : memref<10240x128xf32, #tpu.memory_space<hbm>> -> memref<10240x128xf32, #tpu.memory_space<hbm>>
      %dma_wait3A_314 = tpu.memref_slice %arg34[%dma_wait3A_310] : memref<5x!tpu.dma_semaphore, #tpu.memory_space<semaphore_mem>> -> memref<1x!tpu.dma_semaphore, #tpu.memory_space<semaphore_mem>>
      %dma_wait3A_315 = tpu.memref_squeeze %dma_wait3A_314 : memref<1x!tpu.dma_semaphore, #tpu.memory_space<semaphore_mem>> -> memref<!tpu.dma_semaphore, #tpu.memory_space<semaphore_mem>>
      tpu.wait_indirect_dma semaphore(%dma_wait3A_315 : memref<!tpu.dma_semaphore, #tpu.memory_space<semaphore_mem>>) src(%dma_wait3A_313 : memref<10240x128xf32, #tpu.memory_space<hbm>>) dst(%arg30 : memref<40x128xf32, #tpu.memory_space<vmem>>)
      %dma_start3A_316 = arith.constant 3 : i32
      %dma_start3A_317 = arith.constant 0 : i32
      %dma_start3A_318 = arith.constant 0 : i32
      %dma_start3A_319 = tpu.memref_slice %arg32[%dma_start3A_317, %dma_start3A_318] : memref<10240x128xf32, #tpu.memory_space<vmem_shared>> -> memref<10240x128xf32, #tpu.memory_space<vmem_shared>>
      %dma_start3A_320 = tpu.memref_slice %arg35[%dma_start3A_316] : memref<5x!tpu.dma_semaphore, #tpu.memory_space<semaphore_mem>> -> memref<1x!tpu.dma_semaphore, #tpu.memory_space<semaphore_mem>>
      %dma_start3A_321 = tpu.memref_squeeze %dma_start3A_320 : memref<1x!tpu.dma_semaphore, #tpu.memory_space<semaphore_mem>> -> memref<!tpu.dma_semaphore, #tpu.memory_space<semaphore_mem>>
      tpu.enqueue_indirect_dma source(%arg30 : memref<40x128xf32, #tpu.memory_space<vmem>>) target(%dma_start3A_319 : memref<10240x128xf32, #tpu.memory_space<vmem_shared>>) offsets(%arg20 : memref<40xi32, #tpu.memory_space<vmem>>) semaphore(%dma_start3A_321 : memref<!tpu.dma_semaphore, #tpu.memory_space<semaphore_mem>>) {add = true}
      %add3A_322 = arith.constant 3 : i32
      %add3A_323 = arith.addi %add3A_309, %add3A_322 : i32
      %lt3A_324 = arith.constant 250 : i32
      %lt3A_325 = arith.cmpi slt, %add3A_323, %lt3A_324 : i32
      %convert_element_type3A_326 = arith.extui %lt3A_325 : i1 to i32
      %cond3A_327 = arith.constant 0 : i32
      %cond3A_328 = arith.cmpi ne, %convert_element_type3A_326, %cond3A_327 : i32
      scf.if %cond3A_328 {
        %ge3A = arith.constant 2 : i32
        %ge3A_516 = arith.cmpi sge, %add3A_309, %ge3A : i32
        %convert_element_type3A_517 = arith.extui %ge3A_516 : i1 to i32
        %cond3A_518 = arith.constant 0 : i32
        %cond3A_519 = arith.cmpi ne, %convert_element_type3A_517, %cond3A_518 : i32
        scf.if %cond3A_519 {
          %dma_wait3A_540 = arith.constant 1 : i32
          %dma_wait3A_541 = arith.constant 0 : i32
          %dma_wait3A_542 = arith.constant 0 : i32
          %dma_wait3A_543 = tpu.memref_slice %arg32[%dma_wait3A_541, %dma_wait3A_542] : memref<10240x128xf32, #tpu.memory_space<vmem_shared>> -> memref<10240x128xf32, #tpu.memory_space<vmem_shared>>
          %dma_wait3A_544 = tpu.memref_slice %arg35[%dma_wait3A_540] : memref<5x!tpu.dma_semaphore, #tpu.memory_space<semaphore_mem>> -> memref<1x!tpu.dma_semaphore, #tpu.memory_space<semaphore_mem>>
          %dma_wait3A_545 = tpu.memref_squeeze %dma_wait3A_544 : memref<1x!tpu.dma_semaphore, #tpu.memory_space<semaphore_mem>> -> memref<!tpu.dma_semaphore, #tpu.memory_space<semaphore_mem>>
          tpu.wait_indirect_dma semaphore(%dma_wait3A_545 : memref<!tpu.dma_semaphore, #tpu.memory_space<semaphore_mem>>) src(%arg28 : memref<40x128xf32, #tpu.memory_space<vmem>>) dst(%dma_wait3A_543 : memref<10240x128xf32, #tpu.memory_space<vmem_shared>>)
        } else {
        }
        %dma_wait3A_520 = arith.constant 6 : i32
        %dma_wait3A_521 = arith.constant 0 : i32
        %dma_wait3A_522 = tpu.memref_slice %arg3[%dma_wait3A_521] : memref<320000xi32, #tpu.memory_space<hbm>> -> memref<40xi32, #tpu.memory_space<hbm>>
        %dma_wait3A_523 = tpu.memref_slice %arg33[%dma_wait3A_520] : memref<10x!tpu.dma_semaphore, #tpu.memory_space<semaphore_mem>> -> memref<1x!tpu.dma_semaphore, #tpu.memory_space<semaphore_mem>>
        %dma_wait3A_524 = tpu.memref_squeeze %dma_wait3A_523 : memref<1x!tpu.dma_semaphore, #tpu.memory_space<semaphore_mem>> -> memref<!tpu.dma_semaphore, #tpu.memory_space<semaphore_mem>>
        %dma_wait3A_525 = arith.constant 0 : i32
        %dma_wait3A_526 = tpu.memref_slice %arg3[%dma_wait3A_525] : memref<320000xi32, #tpu.memory_space<hbm>> -> memref<40xi32, #tpu.memory_space<hbm>>
        tpu.wait_dma2 semaphore(%dma_wait3A_524 : memref<!tpu.dma_semaphore, #tpu.memory_space<semaphore_mem>>) src(%dma_wait3A_526 : memref<40xi32, #tpu.memory_space<hbm>>) dst(%arg13 : memref<40xi32, #tpu.memory_space<vmem>>)
        %dma_wait3A_527 = arith.constant 6 : i32
        %dma_wait3A_528 = arith.constant 0 : i32
        %dma_wait3A_529 = tpu.memref_slice %arg4[%dma_wait3A_528] : memref<320000xi32, #tpu.memory_space<hbm>> -> memref<40xi32, #tpu.memory_space<hbm>>
        %dma_wait3A_530 = tpu.memref_slice %arg33[%dma_wait3A_527] : memref<10x!tpu.dma_semaphore, #tpu.memory_space<semaphore_mem>> -> memref<1x!tpu.dma_semaphore, #tpu.memory_space<semaphore_mem>>
        %dma_wait3A_531 = tpu.memref_squeeze %dma_wait3A_530 : memref<1x!tpu.dma_semaphore, #tpu.memory_space<semaphore_mem>> -> memref<!tpu.dma_semaphore, #tpu.memory_space<semaphore_mem>>
        %dma_wait3A_532 = arith.constant 0 : i32
        %dma_wait3A_533 = tpu.memref_slice %arg4[%dma_wait3A_532] : memref<320000xi32, #tpu.memory_space<hbm>> -> memref<40xi32, #tpu.memory_space<hbm>>
        tpu.wait_dma2 semaphore(%dma_wait3A_531 : memref<!tpu.dma_semaphore, #tpu.memory_space<semaphore_mem>>) src(%dma_wait3A_533 : memref<40xi32, #tpu.memory_space<hbm>>) dst(%arg23 : memref<40xi32, #tpu.memory_space<vmem>>)
        %dma_start3A_534 = arith.constant 1 : i32
        %dma_start3A_535 = arith.constant 0 : i32
        %dma_start3A_536 = arith.constant 0 : i32
        %dma_start3A_537 = tpu.memref_slice %arg2[%dma_start3A_535, %dma_start3A_536] : memref<10240x128xf32, #tpu.memory_space<hbm>> -> memref<10240x128xf32, #tpu.memory_space<hbm>>
        %dma_start3A_538 = tpu.memref_slice %arg34[%dma_start3A_534] : memref<5x!tpu.dma_semaphore, #tpu.memory_space<semaphore_mem>> -> memref<1x!tpu.dma_semaphore, #tpu.memory_space<semaphore_mem>>
        %dma_start3A_539 = tpu.memref_squeeze %dma_start3A_538 : memref<1x!tpu.dma_semaphore, #tpu.memory_space<semaphore_mem>> -> memref<!tpu.dma_semaphore, #tpu.memory_space<semaphore_mem>>
        tpu.enqueue_indirect_dma source(%dma_start3A_537 : memref<10240x128xf32, #tpu.memory_space<hbm>>) target(%arg28 : memref<40x128xf32, #tpu.memory_space<vmem>>) offsets(%arg13 : memref<40xi32, #tpu.memory_space<vmem>>) semaphore(%dma_start3A_539 : memref<!tpu.dma_semaphore, #tpu.memory_space<semaphore_mem>>)
      } else {
      }
      %add3A_329 = arith.constant 8 : i32
      %add3A_330 = arith.addi %add3A_309, %add3A_329 : i32
      %lt3A_331 = arith.constant 250 : i32
      %lt3A_332 = arith.cmpi slt, %add3A_330, %lt3A_331 : i32
      %convert_element_type3A_333 = arith.extui %lt3A_332 : i1 to i32
      %cond3A_334 = arith.constant 0 : i32
      %cond3A_335 = arith.cmpi ne, %convert_element_type3A_333, %cond3A_334 : i32
      scf.if %cond3A_335 {
        %add3A_516 = arith.constant 8 : i32
        %add3A_517 = arith.addi %add3A_309, %add3A_516 : i32
        %mul3A_518 = arith.constant 40 : i32
        %mul3A_519 = arith.muli %add3A_517, %mul3A_518 : i32
        %add3A_520 = arith.addi %mul3A_4, %mul3A_519 : i32
        %dma_start3A_521 = arith.constant 1 : i32
        %dma_start3A_522 = tpu.memref_slice %arg3[%add3A_520] : memref<320000xi32, #tpu.memory_space<hbm>> -> memref<40xi32, #tpu.memory_space<hbm>>
        %dma_start3A_523 = tpu.memref_slice %arg33[%dma_start3A_521] : memref<10x!tpu.dma_semaphore, #tpu.memory_space<semaphore_mem>> -> memref<1x!tpu.dma_semaphore, #tpu.memory_space<semaphore_mem>>
        %dma_start3A_524 = tpu.memref_squeeze %dma_start3A_523 : memref<1x!tpu.dma_semaphore, #tpu.memory_space<semaphore_mem>> -> memref<!tpu.dma_semaphore, #tpu.memory_space<semaphore_mem>>
        %dma_start3A_525 = tpu.memref_slice %arg3[%add3A_520] : memref<320000xi32, #tpu.memory_space<hbm>> -> memref<40xi32, #tpu.memory_space<hbm>>
        tpu.enqueue_dma source(%dma_start3A_525 : memref<40xi32, #tpu.memory_space<hbm>>) target(%arg8 : memref<40xi32, #tpu.memory_space<vmem>>) target_semaphore(%dma_start3A_524 : memref<!tpu.dma_semaphore, #tpu.memory_space<semaphore_mem>>)
        %mul3A_526 = arith.constant 40 : i32
        %mul3A_527 = arith.muli %add3A_517, %mul3A_526 : i32
        %add3A_528 = arith.addi %mul3A_4, %mul3A_527 : i32
        %dma_start3A_529 = arith.constant 1 : i32
        %dma_start3A_530 = tpu.memref_slice %arg4[%add3A_528] : memref<320000xi32, #tpu.memory_space<hbm>> -> memref<40xi32, #tpu.memory_space<hbm>>
        %dma_start3A_531 = tpu.memref_slice %arg33[%dma_start3A_529] : memref<10x!tpu.dma_semaphore, #tpu.memory_space<semaphore_mem>> -> memref<1x!tpu.dma_semaphore, #tpu.memory_space<semaphore_mem>>
        %dma_start3A_532 = tpu.memref_squeeze %dma_start3A_531 : memref<1x!tpu.dma_semaphore, #tpu.memory_space<semaphore_mem>> -> memref<!tpu.dma_semaphore, #tpu.memory_space<semaphore_mem>>
        %dma_start3A_533 = tpu.memref_slice %arg4[%add3A_528] : memref<320000xi32, #tpu.memory_space<hbm>> -> memref<40xi32, #tpu.memory_space<hbm>>
        tpu.enqueue_dma source(%dma_start3A_533 : memref<40xi32, #tpu.memory_space<hbm>>) target(%arg18 : memref<40xi32, #tpu.memory_space<vmem>>) target_semaphore(%dma_start3A_532 : memref<!tpu.dma_semaphore, #tpu.memory_space<semaphore_mem>>)
      } else {
      }
      %mul3A_336 = arith.constant 10 : i32
      %mul3A_337 = arith.muli %scan3A_216, %mul3A_336 : i32
      %add3A_338 = arith.constant 4 : i32
      %add3A_339 = arith.addi %mul3A_337, %add3A_338 : i32
      %dma_wait3A_340 = arith.constant 4 : i32
      %dma_wait3A_341 = arith.constant 0 : i32
      %dma_wait3A_342 = arith.constant 0 : i32
      %dma_wait3A_343 = tpu.memref_slice %arg2[%dma_wait3A_341, %dma_wait3A_342] : memref<10240x128xf32, #tpu.memory_space<hbm>> -> memref<10240x128xf32, #tpu.memory_space<hbm>>
      %dma_wait3A_344 = tpu.memref_slice %arg34[%dma_wait3A_340] : memref<5x!tpu.dma_semaphore, #tpu.memory_space<semaphore_mem>> -> memref<1x!tpu.dma_semaphore, #tpu.memory_space<semaphore_mem>>
      %dma_wait3A_345 = tpu.memref_squeeze %dma_wait3A_344 : memref<1x!tpu.dma_semaphore, #tpu.memory_space<semaphore_mem>> -> memref<!tpu.dma_semaphore, #tpu.memory_space<semaphore_mem>>
      tpu.wait_indirect_dma semaphore(%dma_wait3A_345 : memref<!tpu.dma_semaphore, #tpu.memory_space<semaphore_mem>>) src(%dma_wait3A_343 : memref<10240x128xf32, #tpu.memory_space<hbm>>) dst(%arg31 : memref<40x128xf32, #tpu.memory_space<vmem>>)
      %dma_start3A_346 = arith.constant 4 : i32
      %dma_start3A_347 = arith.constant 0 : i32
      %dma_start3A_348 = arith.constant 0 : i32
      %dma_start3A_349 = tpu.memref_slice %arg32[%dma_start3A_347, %dma_start3A_348] : memref<10240x128xf32, #tpu.memory_space<vmem_shared>> -> memref<10240x128xf32, #tpu.memory_space<vmem_shared>>
      %dma_start3A_350 = tpu.memref_slice %arg35[%dma_start3A_346] : memref<5x!tpu.dma_semaphore, #tpu.memory_space<semaphore_mem>> -> memref<1x!tpu.dma_semaphore, #tpu.memory_space<semaphore_mem>>
      %dma_start3A_351 = tpu.memref_squeeze %dma_start3A_350 : memref<1x!tpu.dma_semaphore, #tpu.memory_space<semaphore_mem>> -> memref<!tpu.dma_semaphore, #tpu.memory_space<semaphore_mem>>
      tpu.enqueue_indirect_dma source(%arg31 : memref<40x128xf32, #tpu.memory_space<vmem>>) target(%dma_start3A_349 : memref<10240x128xf32, #tpu.memory_space<vmem_shared>>) offsets(%arg21 : memref<40xi32, #tpu.memory_space<vmem>>) semaphore(%dma_start3A_351 : memref<!tpu.dma_semaphore, #tpu.memory_space<semaphore_mem>>) {add = true}
      %add3A_352 = arith.constant 3 : i32
      %add3A_353 = arith.addi %add3A_339, %add3A_352 : i32
      %lt3A_354 = arith.constant 250 : i32
      %lt3A_355 = arith.cmpi slt, %add3A_353, %lt3A_354 : i32
      %convert_element_type3A_356 = arith.extui %lt3A_355 : i1 to i32
      %cond3A_357 = arith.constant 0 : i32
      %cond3A_358 = arith.cmpi ne, %convert_element_type3A_356, %cond3A_357 : i32
      scf.if %cond3A_358 {
        %ge3A = arith.constant 2 : i32
        %ge3A_516 = arith.cmpi sge, %add3A_339, %ge3A : i32
        %convert_element_type3A_517 = arith.extui %ge3A_516 : i1 to i32
        %cond3A_518 = arith.constant 0 : i32
        %cond3A_519 = arith.cmpi ne, %convert_element_type3A_517, %cond3A_518 : i32
        scf.if %cond3A_519 {
          %dma_wait3A_540 = arith.constant 2 : i32
          %dma_wait3A_541 = arith.constant 0 : i32
          %dma_wait3A_542 = arith.constant 0 : i32
          %dma_wait3A_543 = tpu.memref_slice %arg32[%dma_wait3A_541, %dma_wait3A_542] : memref<10240x128xf32, #tpu.memory_space<vmem_shared>> -> memref<10240x128xf32, #tpu.memory_space<vmem_shared>>
          %dma_wait3A_544 = tpu.memref_slice %arg35[%dma_wait3A_540] : memref<5x!tpu.dma_semaphore, #tpu.memory_space<semaphore_mem>> -> memref<1x!tpu.dma_semaphore, #tpu.memory_space<semaphore_mem>>
          %dma_wait3A_545 = tpu.memref_squeeze %dma_wait3A_544 : memref<1x!tpu.dma_semaphore, #tpu.memory_space<semaphore_mem>> -> memref<!tpu.dma_semaphore, #tpu.memory_space<semaphore_mem>>
          tpu.wait_indirect_dma semaphore(%dma_wait3A_545 : memref<!tpu.dma_semaphore, #tpu.memory_space<semaphore_mem>>) src(%arg29 : memref<40x128xf32, #tpu.memory_space<vmem>>) dst(%dma_wait3A_543 : memref<10240x128xf32, #tpu.memory_space<vmem_shared>>)
        } else {
        }
        %dma_wait3A_520 = arith.constant 7 : i32
        %dma_wait3A_521 = arith.constant 0 : i32
        %dma_wait3A_522 = tpu.memref_slice %arg3[%dma_wait3A_521] : memref<320000xi32, #tpu.memory_space<hbm>> -> memref<40xi32, #tpu.memory_space<hbm>>
        %dma_wait3A_523 = tpu.memref_slice %arg33[%dma_wait3A_520] : memref<10x!tpu.dma_semaphore, #tpu.memory_space<semaphore_mem>> -> memref<1x!tpu.dma_semaphore, #tpu.memory_space<semaphore_mem>>
        %dma_wait3A_524 = tpu.memref_squeeze %dma_wait3A_523 : memref<1x!tpu.dma_semaphore, #tpu.memory_space<semaphore_mem>> -> memref<!tpu.dma_semaphore, #tpu.memory_space<semaphore_mem>>
        %dma_wait3A_525 = arith.constant 0 : i32
        %dma_wait3A_526 = tpu.memref_slice %arg3[%dma_wait3A_525] : memref<320000xi32, #tpu.memory_space<hbm>> -> memref<40xi32, #tpu.memory_space<hbm>>
        tpu.wait_dma2 semaphore(%dma_wait3A_524 : memref<!tpu.dma_semaphore, #tpu.memory_space<semaphore_mem>>) src(%dma_wait3A_526 : memref<40xi32, #tpu.memory_space<hbm>>) dst(%arg14 : memref<40xi32, #tpu.memory_space<vmem>>)
        %dma_wait3A_527 = arith.constant 7 : i32
        %dma_wait3A_528 = arith.constant 0 : i32
        %dma_wait3A_529 = tpu.memref_slice %arg4[%dma_wait3A_528] : memref<320000xi32, #tpu.memory_space<hbm>> -> memref<40xi32, #tpu.memory_space<hbm>>
        %dma_wait3A_530 = tpu.memref_slice %arg33[%dma_wait3A_527] : memref<10x!tpu.dma_semaphore, #tpu.memory_space<semaphore_mem>> -> memref<1x!tpu.dma_semaphore, #tpu.memory_space<semaphore_mem>>
        %dma_wait3A_531 = tpu.memref_squeeze %dma_wait3A_530 : memref<1x!tpu.dma_semaphore, #tpu.memory_space<semaphore_mem>> -> memref<!tpu.dma_semaphore, #tpu.memory_space<semaphore_mem>>
        %dma_wait3A_532 = arith.constant 0 : i32
        %dma_wait3A_533 = tpu.memref_slice %arg4[%dma_wait3A_532] : memref<320000xi32, #tpu.memory_space<hbm>> -> memref<40xi32, #tpu.memory_space<hbm>>
        tpu.wait_dma2 semaphore(%dma_wait3A_531 : memref<!tpu.dma_semaphore, #tpu.memory_space<semaphore_mem>>) src(%dma_wait3A_533 : memref<40xi32, #tpu.memory_space<hbm>>) dst(%arg24 : memref<40xi32, #tpu.memory_space<vmem>>)
        %dma_start3A_534 = arith.constant 2 : i32
        %dma_start3A_535 = arith.constant 0 : i32
        %dma_start3A_536 = arith.constant 0 : i32
        %dma_start3A_537 = tpu.memref_slice %arg2[%dma_start3A_535, %dma_start3A_536] : memref<10240x128xf32, #tpu.memory_space<hbm>> -> memref<10240x128xf32, #tpu.memory_space<hbm>>
        %dma_start3A_538 = tpu.memref_slice %arg34[%dma_start3A_534] : memref<5x!tpu.dma_semaphore, #tpu.memory_space<semaphore_mem>> -> memref<1x!tpu.dma_semaphore, #tpu.memory_space<semaphore_mem>>
        %dma_start3A_539 = tpu.memref_squeeze %dma_start3A_538 : memref<1x!tpu.dma_semaphore, #tpu.memory_space<semaphore_mem>> -> memref<!tpu.dma_semaphore, #tpu.memory_space<semaphore_mem>>
        tpu.enqueue_indirect_dma source(%dma_start3A_537 : memref<10240x128xf32, #tpu.memory_space<hbm>>) target(%arg29 : memref<40x128xf32, #tpu.memory_space<vmem>>) offsets(%arg14 : memref<40xi32, #tpu.memory_space<vmem>>) semaphore(%dma_start3A_539 : memref<!tpu.dma_semaphore, #tpu.memory_space<semaphore_mem>>)
      } else {
      }
      %add3A_359 = arith.constant 8 : i32
      %add3A_360 = arith.addi %add3A_339, %add3A_359 : i32
      %lt3A_361 = arith.constant 250 : i32
      %lt3A_362 = arith.cmpi slt, %add3A_360, %lt3A_361 : i32
      %convert_element_type3A_363 = arith.extui %lt3A_362 : i1 to i32
      %cond3A_364 = arith.constant 0 : i32
      %cond3A_365 = arith.cmpi ne, %convert_element_type3A_363, %cond3A_364 : i32
      scf.if %cond3A_365 {
        %add3A_516 = arith.constant 8 : i32
        %add3A_517 = arith.addi %add3A_339, %add3A_516 : i32
        %mul3A_518 = arith.constant 40 : i32
        %mul3A_519 = arith.muli %add3A_517, %mul3A_518 : i32
        %add3A_520 = arith.addi %mul3A_4, %mul3A_519 : i32
        %dma_start3A_521 = arith.constant 2 : i32
        %dma_start3A_522 = tpu.memref_slice %arg3[%add3A_520] : memref<320000xi32, #tpu.memory_space<hbm>> -> memref<40xi32, #tpu.memory_space<hbm>>
        %dma_start3A_523 = tpu.memref_slice %arg33[%dma_start3A_521] : memref<10x!tpu.dma_semaphore, #tpu.memory_space<semaphore_mem>> -> memref<1x!tpu.dma_semaphore, #tpu.memory_space<semaphore_mem>>
        %dma_start3A_524 = tpu.memref_squeeze %dma_start3A_523 : memref<1x!tpu.dma_semaphore, #tpu.memory_space<semaphore_mem>> -> memref<!tpu.dma_semaphore, #tpu.memory_space<semaphore_mem>>
        %dma_start3A_525 = tpu.memref_slice %arg3[%add3A_520] : memref<320000xi32, #tpu.memory_space<hbm>> -> memref<40xi32, #tpu.memory_space<hbm>>
        tpu.enqueue_dma source(%dma_start3A_525 : memref<40xi32, #tpu.memory_space<hbm>>) target(%arg9 : memref<40xi32, #tpu.memory_space<vmem>>) target_semaphore(%dma_start3A_524 : memref<!tpu.dma_semaphore, #tpu.memory_space<semaphore_mem>>)
        %mul3A_526 = arith.constant 40 : i32
        %mul3A_527 = arith.muli %add3A_517, %mul3A_526 : i32
        %add3A_528 = arith.addi %mul3A_4, %mul3A_527 : i32
        %dma_start3A_529 = arith.constant 2 : i32
        %dma_start3A_530 = tpu.memref_slice %arg4[%add3A_528] : memref<320000xi32, #tpu.memory_space<hbm>> -> memref<40xi32, #tpu.memory_space<hbm>>
        %dma_start3A_531 = tpu.memref_slice %arg33[%dma_start3A_529] : memref<10x!tpu.dma_semaphore, #tpu.memory_space<semaphore_mem>> -> memref<1x!tpu.dma_semaphore, #tpu.memory_space<semaphore_mem>>
        %dma_start3A_532 = tpu.memref_squeeze %dma_start3A_531 : memref<1x!tpu.dma_semaphore, #tpu.memory_space<semaphore_mem>> -> memref<!tpu.dma_semaphore, #tpu.memory_space<semaphore_mem>>
        %dma_start3A_533 = tpu.memref_slice %arg4[%add3A_528] : memref<320000xi32, #tpu.memory_space<hbm>> -> memref<40xi32, #tpu.memory_space<hbm>>
        tpu.enqueue_dma source(%dma_start3A_533 : memref<40xi32, #tpu.memory_space<hbm>>) target(%arg19 : memref<40xi32, #tpu.memory_space<vmem>>) target_semaphore(%dma_start3A_532 : memref<!tpu.dma_semaphore, #tpu.memory_space<semaphore_mem>>)
      } else {
      }
      %mul3A_366 = arith.constant 10 : i32
      %mul3A_367 = arith.muli %scan3A_216, %mul3A_366 : i32
      %add3A_368 = arith.constant 5 : i32
      %add3A_369 = arith.addi %mul3A_367, %add3A_368 : i32
      %dma_wait3A_370 = arith.constant 0 : i32
      %dma_wait3A_371 = arith.constant 0 : i32
      %dma_wait3A_372 = arith.constant 0 : i32
      %dma_wait3A_373 = tpu.memref_slice %arg2[%dma_wait3A_371, %dma_wait3A_372] : memref<10240x128xf32, #tpu.memory_space<hbm>> -> memref<10240x128xf32, #tpu.memory_space<hbm>>
      %dma_wait3A_374 = tpu.memref_slice %arg34[%dma_wait3A_370] : memref<5x!tpu.dma_semaphore, #tpu.memory_space<semaphore_mem>> -> memref<1x!tpu.dma_semaphore, #tpu.memory_space<semaphore_mem>>
      %dma_wait3A_375 = tpu.memref_squeeze %dma_wait3A_374 : memref<1x!tpu.dma_semaphore, #tpu.memory_space<semaphore_mem>> -> memref<!tpu.dma_semaphore, #tpu.memory_space<semaphore_mem>>
      tpu.wait_indirect_dma semaphore(%dma_wait3A_375 : memref<!tpu.dma_semaphore, #tpu.memory_space<semaphore_mem>>) src(%dma_wait3A_373 : memref<10240x128xf32, #tpu.memory_space<hbm>>) dst(%arg27 : memref<40x128xf32, #tpu.memory_space<vmem>>)
      %dma_start3A_376 = arith.constant 0 : i32
      %dma_start3A_377 = arith.constant 0 : i32
      %dma_start3A_378 = arith.constant 0 : i32
      %dma_start3A_379 = tpu.memref_slice %arg32[%dma_start3A_377, %dma_start3A_378] : memref<10240x128xf32, #tpu.memory_space<vmem_shared>> -> memref<10240x128xf32, #tpu.memory_space<vmem_shared>>
      %dma_start3A_380 = tpu.memref_slice %arg35[%dma_start3A_376] : memref<5x!tpu.dma_semaphore, #tpu.memory_space<semaphore_mem>> -> memref<1x!tpu.dma_semaphore, #tpu.memory_space<semaphore_mem>>
      %dma_start3A_381 = tpu.memref_squeeze %dma_start3A_380 : memref<1x!tpu.dma_semaphore, #tpu.memory_space<semaphore_mem>> -> memref<!tpu.dma_semaphore, #tpu.memory_space<semaphore_mem>>
      tpu.enqueue_indirect_dma source(%arg27 : memref<40x128xf32, #tpu.memory_space<vmem>>) target(%dma_start3A_379 : memref<10240x128xf32, #tpu.memory_space<vmem_shared>>) offsets(%arg22 : memref<40xi32, #tpu.memory_space<vmem>>) semaphore(%dma_start3A_381 : memref<!tpu.dma_semaphore, #tpu.memory_space<semaphore_mem>>) {add = true}
      %add3A_382 = arith.constant 3 : i32
      %add3A_383 = arith.addi %add3A_369, %add3A_382 : i32
      %lt3A_384 = arith.constant 250 : i32
      %lt3A_385 = arith.cmpi slt, %add3A_383, %lt3A_384 : i32
      %convert_element_type3A_386 = arith.extui %lt3A_385 : i1 to i32
      %cond3A_387 = arith.constant 0 : i32
      %cond3A_388 = arith.cmpi ne, %convert_element_type3A_386, %cond3A_387 : i32
      scf.if %cond3A_388 {
        %ge3A = arith.constant 2 : i32
        %ge3A_516 = arith.cmpi sge, %add3A_369, %ge3A : i32
        %convert_element_type3A_517 = arith.extui %ge3A_516 : i1 to i32
        %cond3A_518 = arith.constant 0 : i32
        %cond3A_519 = arith.cmpi ne, %convert_element_type3A_517, %cond3A_518 : i32
        scf.if %cond3A_519 {
          %dma_wait3A_540 = arith.constant 3 : i32
          %dma_wait3A_541 = arith.constant 0 : i32
          %dma_wait3A_542 = arith.constant 0 : i32
          %dma_wait3A_543 = tpu.memref_slice %arg32[%dma_wait3A_541, %dma_wait3A_542] : memref<10240x128xf32, #tpu.memory_space<vmem_shared>> -> memref<10240x128xf32, #tpu.memory_space<vmem_shared>>
          %dma_wait3A_544 = tpu.memref_slice %arg35[%dma_wait3A_540] : memref<5x!tpu.dma_semaphore, #tpu.memory_space<semaphore_mem>> -> memref<1x!tpu.dma_semaphore, #tpu.memory_space<semaphore_mem>>
          %dma_wait3A_545 = tpu.memref_squeeze %dma_wait3A_544 : memref<1x!tpu.dma_semaphore, #tpu.memory_space<semaphore_mem>> -> memref<!tpu.dma_semaphore, #tpu.memory_space<semaphore_mem>>
          tpu.wait_indirect_dma semaphore(%dma_wait3A_545 : memref<!tpu.dma_semaphore, #tpu.memory_space<semaphore_mem>>) src(%arg30 : memref<40x128xf32, #tpu.memory_space<vmem>>) dst(%dma_wait3A_543 : memref<10240x128xf32, #tpu.memory_space<vmem_shared>>)
        } else {
        }
        %dma_wait3A_520 = arith.constant 8 : i32
        %dma_wait3A_521 = arith.constant 0 : i32
        %dma_wait3A_522 = tpu.memref_slice %arg3[%dma_wait3A_521] : memref<320000xi32, #tpu.memory_space<hbm>> -> memref<40xi32, #tpu.memory_space<hbm>>
        %dma_wait3A_523 = tpu.memref_slice %arg33[%dma_wait3A_520] : memref<10x!tpu.dma_semaphore, #tpu.memory_space<semaphore_mem>> -> memref<1x!tpu.dma_semaphore, #tpu.memory_space<semaphore_mem>>
        %dma_wait3A_524 = tpu.memref_squeeze %dma_wait3A_523 : memref<1x!tpu.dma_semaphore, #tpu.memory_space<semaphore_mem>> -> memref<!tpu.dma_semaphore, #tpu.memory_space<semaphore_mem>>
        %dma_wait3A_525 = arith.constant 0 : i32
        %dma_wait3A_526 = tpu.memref_slice %arg3[%dma_wait3A_525] : memref<320000xi32, #tpu.memory_space<hbm>> -> memref<40xi32, #tpu.memory_space<hbm>>
        tpu.wait_dma2 semaphore(%dma_wait3A_524 : memref<!tpu.dma_semaphore, #tpu.memory_space<semaphore_mem>>) src(%dma_wait3A_526 : memref<40xi32, #tpu.memory_space<hbm>>) dst(%arg15 : memref<40xi32, #tpu.memory_space<vmem>>)
        %dma_wait3A_527 = arith.constant 8 : i32
        %dma_wait3A_528 = arith.constant 0 : i32
        %dma_wait3A_529 = tpu.memref_slice %arg4[%dma_wait3A_528] : memref<320000xi32, #tpu.memory_space<hbm>> -> memref<40xi32, #tpu.memory_space<hbm>>
        %dma_wait3A_530 = tpu.memref_slice %arg33[%dma_wait3A_527] : memref<10x!tpu.dma_semaphore, #tpu.memory_space<semaphore_mem>> -> memref<1x!tpu.dma_semaphore, #tpu.memory_space<semaphore_mem>>
        %dma_wait3A_531 = tpu.memref_squeeze %dma_wait3A_530 : memref<1x!tpu.dma_semaphore, #tpu.memory_space<semaphore_mem>> -> memref<!tpu.dma_semaphore, #tpu.memory_space<semaphore_mem>>
        %dma_wait3A_532 = arith.constant 0 : i32
        %dma_wait3A_533 = tpu.memref_slice %arg4[%dma_wait3A_532] : memref<320000xi32, #tpu.memory_space<hbm>> -> memref<40xi32, #tpu.memory_space<hbm>>
        tpu.wait_dma2 semaphore(%dma_wait3A_531 : memref<!tpu.dma_semaphore, #tpu.memory_space<semaphore_mem>>) src(%dma_wait3A_533 : memref<40xi32, #tpu.memory_space<hbm>>) dst(%arg25 : memref<40xi32, #tpu.memory_space<vmem>>)
        %dma_start3A_534 = arith.constant 3 : i32
        %dma_start3A_535 = arith.constant 0 : i32
        %dma_start3A_536 = arith.constant 0 : i32
        %dma_start3A_537 = tpu.memref_slice %arg2[%dma_start3A_535, %dma_start3A_536] : memref<10240x128xf32, #tpu.memory_space<hbm>> -> memref<10240x128xf32, #tpu.memory_space<hbm>>
        %dma_start3A_538 = tpu.memref_slice %arg34[%dma_start3A_534] : memref<5x!tpu.dma_semaphore, #tpu.memory_space<semaphore_mem>> -> memref<1x!tpu.dma_semaphore, #tpu.memory_space<semaphore_mem>>
        %dma_start3A_539 = tpu.memref_squeeze %dma_start3A_538 : memref<1x!tpu.dma_semaphore, #tpu.memory_space<semaphore_mem>> -> memref<!tpu.dma_semaphore, #tpu.memory_space<semaphore_mem>>
        tpu.enqueue_indirect_dma source(%dma_start3A_537 : memref<10240x128xf32, #tpu.memory_space<hbm>>) target(%arg30 : memref<40x128xf32, #tpu.memory_space<vmem>>) offsets(%arg15 : memref<40xi32, #tpu.memory_space<vmem>>) semaphore(%dma_start3A_539 : memref<!tpu.dma_semaphore, #tpu.memory_space<semaphore_mem>>)
      } else {
      }
      %add3A_389 = arith.constant 8 : i32
      %add3A_390 = arith.addi %add3A_369, %add3A_389 : i32
      %lt3A_391 = arith.constant 250 : i32
      %lt3A_392 = arith.cmpi slt, %add3A_390, %lt3A_391 : i32
      %convert_element_type3A_393 = arith.extui %lt3A_392 : i1 to i32
      %cond3A_394 = arith.constant 0 : i32
      %cond3A_395 = arith.cmpi ne, %convert_element_type3A_393, %cond3A_394 : i32
      scf.if %cond3A_395 {
        %add3A_516 = arith.constant 8 : i32
        %add3A_517 = arith.addi %add3A_369, %add3A_516 : i32
        %mul3A_518 = arith.constant 40 : i32
        %mul3A_519 = arith.muli %add3A_517, %mul3A_518 : i32
        %add3A_520 = arith.addi %mul3A_4, %mul3A_519 : i32
        %dma_start3A_521 = arith.constant 3 : i32
        %dma_start3A_522 = tpu.memref_slice %arg3[%add3A_520] : memref<320000xi32, #tpu.memory_space<hbm>> -> memref<40xi32, #tpu.memory_space<hbm>>
        %dma_start3A_523 = tpu.memref_slice %arg33[%dma_start3A_521] : memref<10x!tpu.dma_semaphore, #tpu.memory_space<semaphore_mem>> -> memref<1x!tpu.dma_semaphore, #tpu.memory_space<semaphore_mem>>
        %dma_start3A_524 = tpu.memref_squeeze %dma_start3A_523 : memref<1x!tpu.dma_semaphore, #tpu.memory_space<semaphore_mem>> -> memref<!tpu.dma_semaphore, #tpu.memory_space<semaphore_mem>>
        %dma_start3A_525 = tpu.memref_slice %arg3[%add3A_520] : memref<320000xi32, #tpu.memory_space<hbm>> -> memref<40xi32, #tpu.memory_space<hbm>>
        tpu.enqueue_dma source(%dma_start3A_525 : memref<40xi32, #tpu.memory_space<hbm>>) target(%arg10 : memref<40xi32, #tpu.memory_space<vmem>>) target_semaphore(%dma_start3A_524 : memref<!tpu.dma_semaphore, #tpu.memory_space<semaphore_mem>>)
        %mul3A_526 = arith.constant 40 : i32
        %mul3A_527 = arith.muli %add3A_517, %mul3A_526 : i32
        %add3A_528 = arith.addi %mul3A_4, %mul3A_527 : i32
        %dma_start3A_529 = arith.constant 3 : i32
        %dma_start3A_530 = tpu.memref_slice %arg4[%add3A_528] : memref<320000xi32, #tpu.memory_space<hbm>> -> memref<40xi32, #tpu.memory_space<hbm>>
        %dma_start3A_531 = tpu.memref_slice %arg33[%dma_start3A_529] : memref<10x!tpu.dma_semaphore, #tpu.memory_space<semaphore_mem>> -> memref<1x!tpu.dma_semaphore, #tpu.memory_space<semaphore_mem>>
        %dma_start3A_532 = tpu.memref_squeeze %dma_start3A_531 : memref<1x!tpu.dma_semaphore, #tpu.memory_space<semaphore_mem>> -> memref<!tpu.dma_semaphore, #tpu.memory_space<semaphore_mem>>
        %dma_start3A_533 = tpu.memref_slice %arg4[%add3A_528] : memref<320000xi32, #tpu.memory_space<hbm>> -> memref<40xi32, #tpu.memory_space<hbm>>
        tpu.enqueue_dma source(%dma_start3A_533 : memref<40xi32, #tpu.memory_space<hbm>>) target(%arg20 : memref<40xi32, #tpu.memory_space<vmem>>) target_semaphore(%dma_start3A_532 : memref<!tpu.dma_semaphore, #tpu.memory_space<semaphore_mem>>)
      } else {
      }
      %mul3A_396 = arith.constant 10 : i32
      %mul3A_397 = arith.muli %scan3A_216, %mul3A_396 : i32
      %add3A_398 = arith.constant 6 : i32
      %add3A_399 = arith.addi %mul3A_397, %add3A_398 : i32
      %dma_wait3A_400 = arith.constant 1 : i32
      %dma_wait3A_401 = arith.constant 0 : i32
      %dma_wait3A_402 = arith.constant 0 : i32
      %dma_wait3A_403 = tpu.memref_slice %arg2[%dma_wait3A_401, %dma_wait3A_402] : memref<10240x128xf32, #tpu.memory_space<hbm>> -> memref<10240x128xf32, #tpu.memory_space<hbm>>
      %dma_wait3A_404 = tpu.memref_slice %arg34[%dma_wait3A_400] : memref<5x!tpu.dma_semaphore, #tpu.memory_space<semaphore_mem>> -> memref<1x!tpu.dma_semaphore, #tpu.memory_space<semaphore_mem>>
      %dma_wait3A_405 = tpu.memref_squeeze %dma_wait3A_404 : memref<1x!tpu.dma_semaphore, #tpu.memory_space<semaphore_mem>> -> memref<!tpu.dma_semaphore, #tpu.memory_space<semaphore_mem>>
      tpu.wait_indirect_dma semaphore(%dma_wait3A_405 : memref<!tpu.dma_semaphore, #tpu.memory_space<semaphore_mem>>) src(%dma_wait3A_403 : memref<10240x128xf32, #tpu.memory_space<hbm>>) dst(%arg28 : memref<40x128xf32, #tpu.memory_space<vmem>>)
      %dma_start3A_406 = arith.constant 1 : i32
      %dma_start3A_407 = arith.constant 0 : i32
      %dma_start3A_408 = arith.constant 0 : i32
      %dma_start3A_409 = tpu.memref_slice %arg32[%dma_start3A_407, %dma_start3A_408] : memref<10240x128xf32, #tpu.memory_space<vmem_shared>> -> memref<10240x128xf32, #tpu.memory_space<vmem_shared>>
      %dma_start3A_410 = tpu.memref_slice %arg35[%dma_start3A_406] : memref<5x!tpu.dma_semaphore, #tpu.memory_space<semaphore_mem>> -> memref<1x!tpu.dma_semaphore, #tpu.memory_space<semaphore_mem>>
      %dma_start3A_411 = tpu.memref_squeeze %dma_start3A_410 : memref<1x!tpu.dma_semaphore, #tpu.memory_space<semaphore_mem>> -> memref<!tpu.dma_semaphore, #tpu.memory_space<semaphore_mem>>
      tpu.enqueue_indirect_dma source(%arg28 : memref<40x128xf32, #tpu.memory_space<vmem>>) target(%dma_start3A_409 : memref<10240x128xf32, #tpu.memory_space<vmem_shared>>) offsets(%arg23 : memref<40xi32, #tpu.memory_space<vmem>>) semaphore(%dma_start3A_411 : memref<!tpu.dma_semaphore, #tpu.memory_space<semaphore_mem>>) {add = true}
      %add3A_412 = arith.constant 3 : i32
      %add3A_413 = arith.addi %add3A_399, %add3A_412 : i32
      %lt3A_414 = arith.constant 250 : i32
      %lt3A_415 = arith.cmpi slt, %add3A_413, %lt3A_414 : i32
      %convert_element_type3A_416 = arith.extui %lt3A_415 : i1 to i32
      %cond3A_417 = arith.constant 0 : i32
      %cond3A_418 = arith.cmpi ne, %convert_element_type3A_416, %cond3A_417 : i32
      scf.if %cond3A_418 {
        %ge3A = arith.constant 2 : i32
        %ge3A_516 = arith.cmpi sge, %add3A_399, %ge3A : i32
        %convert_element_type3A_517 = arith.extui %ge3A_516 : i1 to i32
        %cond3A_518 = arith.constant 0 : i32
        %cond3A_519 = arith.cmpi ne, %convert_element_type3A_517, %cond3A_518 : i32
        scf.if %cond3A_519 {
          %dma_wait3A_540 = arith.constant 4 : i32
          %dma_wait3A_541 = arith.constant 0 : i32
          %dma_wait3A_542 = arith.constant 0 : i32
          %dma_wait3A_543 = tpu.memref_slice %arg32[%dma_wait3A_541, %dma_wait3A_542] : memref<10240x128xf32, #tpu.memory_space<vmem_shared>> -> memref<10240x128xf32, #tpu.memory_space<vmem_shared>>
          %dma_wait3A_544 = tpu.memref_slice %arg35[%dma_wait3A_540] : memref<5x!tpu.dma_semaphore, #tpu.memory_space<semaphore_mem>> -> memref<1x!tpu.dma_semaphore, #tpu.memory_space<semaphore_mem>>
          %dma_wait3A_545 = tpu.memref_squeeze %dma_wait3A_544 : memref<1x!tpu.dma_semaphore, #tpu.memory_space<semaphore_mem>> -> memref<!tpu.dma_semaphore, #tpu.memory_space<semaphore_mem>>
          tpu.wait_indirect_dma semaphore(%dma_wait3A_545 : memref<!tpu.dma_semaphore, #tpu.memory_space<semaphore_mem>>) src(%arg31 : memref<40x128xf32, #tpu.memory_space<vmem>>) dst(%dma_wait3A_543 : memref<10240x128xf32, #tpu.memory_space<vmem_shared>>)
        } else {
        }
        %dma_wait3A_520 = arith.constant 9 : i32
        %dma_wait3A_521 = arith.constant 0 : i32
        %dma_wait3A_522 = tpu.memref_slice %arg3[%dma_wait3A_521] : memref<320000xi32, #tpu.memory_space<hbm>> -> memref<40xi32, #tpu.memory_space<hbm>>
        %dma_wait3A_523 = tpu.memref_slice %arg33[%dma_wait3A_520] : memref<10x!tpu.dma_semaphore, #tpu.memory_space<semaphore_mem>> -> memref<1x!tpu.dma_semaphore, #tpu.memory_space<semaphore_mem>>
        %dma_wait3A_524 = tpu.memref_squeeze %dma_wait3A_523 : memref<1x!tpu.dma_semaphore, #tpu.memory_space<semaphore_mem>> -> memref<!tpu.dma_semaphore, #tpu.memory_space<semaphore_mem>>
        %dma_wait3A_525 = arith.constant 0 : i32
        %dma_wait3A_526 = tpu.memref_slice %arg3[%dma_wait3A_525] : memref<320000xi32, #tpu.memory_space<hbm>> -> memref<40xi32, #tpu.memory_space<hbm>>
        tpu.wait_dma2 semaphore(%dma_wait3A_524 : memref<!tpu.dma_semaphore, #tpu.memory_space<semaphore_mem>>) src(%dma_wait3A_526 : memref<40xi32, #tpu.memory_space<hbm>>) dst(%arg16 : memref<40xi32, #tpu.memory_space<vmem>>)
        %dma_wait3A_527 = arith.constant 9 : i32
        %dma_wait3A_528 = arith.constant 0 : i32
        %dma_wait3A_529 = tpu.memref_slice %arg4[%dma_wait3A_528] : memref<320000xi32, #tpu.memory_space<hbm>> -> memref<40xi32, #tpu.memory_space<hbm>>
        %dma_wait3A_530 = tpu.memref_slice %arg33[%dma_wait3A_527] : memref<10x!tpu.dma_semaphore, #tpu.memory_space<semaphore_mem>> -> memref<1x!tpu.dma_semaphore, #tpu.memory_space<semaphore_mem>>
        %dma_wait3A_531 = tpu.memref_squeeze %dma_wait3A_530 : memref<1x!tpu.dma_semaphore, #tpu.memory_space<semaphore_mem>> -> memref<!tpu.dma_semaphore, #tpu.memory_space<semaphore_mem>>
        %dma_wait3A_532 = arith.constant 0 : i32
        %dma_wait3A_533 = tpu.memref_slice %arg4[%dma_wait3A_532] : memref<320000xi32, #tpu.memory_space<hbm>> -> memref<40xi32, #tpu.memory_space<hbm>>
        tpu.wait_dma2 semaphore(%dma_wait3A_531 : memref<!tpu.dma_semaphore, #tpu.memory_space<semaphore_mem>>) src(%dma_wait3A_533 : memref<40xi32, #tpu.memory_space<hbm>>) dst(%arg26 : memref<40xi32, #tpu.memory_space<vmem>>)
        %dma_start3A_534 = arith.constant 4 : i32
        %dma_start3A_535 = arith.constant 0 : i32
        %dma_start3A_536 = arith.constant 0 : i32
        %dma_start3A_537 = tpu.memref_slice %arg2[%dma_start3A_535, %dma_start3A_536] : memref<10240x128xf32, #tpu.memory_space<hbm>> -> memref<10240x128xf32, #tpu.memory_space<hbm>>
        %dma_start3A_538 = tpu.memref_slice %arg34[%dma_start3A_534] : memref<5x!tpu.dma_semaphore, #tpu.memory_space<semaphore_mem>> -> memref<1x!tpu.dma_semaphore, #tpu.memory_space<semaphore_mem>>
        %dma_start3A_539 = tpu.memref_squeeze %dma_start3A_538 : memref<1x!tpu.dma_semaphore, #tpu.memory_space<semaphore_mem>> -> memref<!tpu.dma_semaphore, #tpu.memory_space<semaphore_mem>>
        tpu.enqueue_indirect_dma source(%dma_start3A_537 : memref<10240x128xf32, #tpu.memory_space<hbm>>) target(%arg31 : memref<40x128xf32, #tpu.memory_space<vmem>>) offsets(%arg16 : memref<40xi32, #tpu.memory_space<vmem>>) semaphore(%dma_start3A_539 : memref<!tpu.dma_semaphore, #tpu.memory_space<semaphore_mem>>)
      } else {
      }
      %add3A_419 = arith.constant 8 : i32
      %add3A_420 = arith.addi %add3A_399, %add3A_419 : i32
      %lt3A_421 = arith.constant 250 : i32
      %lt3A_422 = arith.cmpi slt, %add3A_420, %lt3A_421 : i32
      %convert_element_type3A_423 = arith.extui %lt3A_422 : i1 to i32
      %cond3A_424 = arith.constant 0 : i32
      %cond3A_425 = arith.cmpi ne, %convert_element_type3A_423, %cond3A_424 : i32
      scf.if %cond3A_425 {
        %add3A_516 = arith.constant 8 : i32
        %add3A_517 = arith.addi %add3A_399, %add3A_516 : i32
        %mul3A_518 = arith.constant 40 : i32
        %mul3A_519 = arith.muli %add3A_517, %mul3A_518 : i32
        %add3A_520 = arith.addi %mul3A_4, %mul3A_519 : i32
        %dma_start3A_521 = arith.constant 4 : i32
        %dma_start3A_522 = tpu.memref_slice %arg3[%add3A_520] : memref<320000xi32, #tpu.memory_space<hbm>> -> memref<40xi32, #tpu.memory_space<hbm>>
        %dma_start3A_523 = tpu.memref_slice %arg33[%dma_start3A_521] : memref<10x!tpu.dma_semaphore, #tpu.memory_space<semaphore_mem>> -> memref<1x!tpu.dma_semaphore, #tpu.memory_space<semaphore_mem>>
        %dma_start3A_524 = tpu.memref_squeeze %dma_start3A_523 : memref<1x!tpu.dma_semaphore, #tpu.memory_space<semaphore_mem>> -> memref<!tpu.dma_semaphore, #tpu.memory_space<semaphore_mem>>
        %dma_start3A_525 = tpu.memref_slice %arg3[%add3A_520] : memref<320000xi32, #tpu.memory_space<hbm>> -> memref<40xi32, #tpu.memory_space<hbm>>
        tpu.enqueue_dma source(%dma_start3A_525 : memref<40xi32, #tpu.memory_space<hbm>>) target(%arg11 : memref<40xi32, #tpu.memory_space<vmem>>) target_semaphore(%dma_start3A_524 : memref<!tpu.dma_semaphore, #tpu.memory_space<semaphore_mem>>)
        %mul3A_526 = arith.constant 40 : i32
        %mul3A_527 = arith.muli %add3A_517, %mul3A_526 : i32
        %add3A_528 = arith.addi %mul3A_4, %mul3A_527 : i32
        %dma_start3A_529 = arith.constant 4 : i32
        %dma_start3A_530 = tpu.memref_slice %arg4[%add3A_528] : memref<320000xi32, #tpu.memory_space<hbm>> -> memref<40xi32, #tpu.memory_space<hbm>>
        %dma_start3A_531 = tpu.memref_slice %arg33[%dma_start3A_529] : memref<10x!tpu.dma_semaphore, #tpu.memory_space<semaphore_mem>> -> memref<1x!tpu.dma_semaphore, #tpu.memory_space<semaphore_mem>>
        %dma_start3A_532 = tpu.memref_squeeze %dma_start3A_531 : memref<1x!tpu.dma_semaphore, #tpu.memory_space<semaphore_mem>> -> memref<!tpu.dma_semaphore, #tpu.memory_space<semaphore_mem>>
        %dma_start3A_533 = tpu.memref_slice %arg4[%add3A_528] : memref<320000xi32, #tpu.memory_space<hbm>> -> memref<40xi32, #tpu.memory_space<hbm>>
        tpu.enqueue_dma source(%dma_start3A_533 : memref<40xi32, #tpu.memory_space<hbm>>) target(%arg21 : memref<40xi32, #tpu.memory_space<vmem>>) target_semaphore(%dma_start3A_532 : memref<!tpu.dma_semaphore, #tpu.memory_space<semaphore_mem>>)
      } else {
      }
      %mul3A_426 = arith.constant 10 : i32
      %mul3A_427 = arith.muli %scan3A_216, %mul3A_426 : i32
      %add3A_428 = arith.constant 7 : i32
      %add3A_429 = arith.addi %mul3A_427, %add3A_428 : i32
      %dma_wait3A_430 = arith.constant 2 : i32
      %dma_wait3A_431 = arith.constant 0 : i32
      %dma_wait3A_432 = arith.constant 0 : i32
      %dma_wait3A_433 = tpu.memref_slice %arg2[%dma_wait3A_431, %dma_wait3A_432] : memref<10240x128xf32, #tpu.memory_space<hbm>> -> memref<10240x128xf32, #tpu.memory_space<hbm>>
      %dma_wait3A_434 = tpu.memref_slice %arg34[%dma_wait3A_430] : memref<5x!tpu.dma_semaphore, #tpu.memory_space<semaphore_mem>> -> memref<1x!tpu.dma_semaphore, #tpu.memory_space<semaphore_mem>>
      %dma_wait3A_435 = tpu.memref_squeeze %dma_wait3A_434 : memref<1x!tpu.dma_semaphore, #tpu.memory_space<semaphore_mem>> -> memref<!tpu.dma_semaphore, #tpu.memory_space<semaphore_mem>>
      tpu.wait_indirect_dma semaphore(%dma_wait3A_435 : memref<!tpu.dma_semaphore, #tpu.memory_space<semaphore_mem>>) src(%dma_wait3A_433 : memref<10240x128xf32, #tpu.memory_space<hbm>>) dst(%arg29 : memref<40x128xf32, #tpu.memory_space<vmem>>)
      %dma_start3A_436 = arith.constant 2 : i32
      %dma_start3A_437 = arith.constant 0 : i32
      %dma_start3A_438 = arith.constant 0 : i32
      %dma_start3A_439 = tpu.memref_slice %arg32[%dma_start3A_437, %dma_start3A_438] : memref<10240x128xf32, #tpu.memory_space<vmem_shared>> -> memref<10240x128xf32, #tpu.memory_space<vmem_shared>>
      %dma_start3A_440 = tpu.memref_slice %arg35[%dma_start3A_436] : memref<5x!tpu.dma_semaphore, #tpu.memory_space<semaphore_mem>> -> memref<1x!tpu.dma_semaphore, #tpu.memory_space<semaphore_mem>>
      %dma_start3A_441 = tpu.memref_squeeze %dma_start3A_440 : memref<1x!tpu.dma_semaphore, #tpu.memory_space<semaphore_mem>> -> memref<!tpu.dma_semaphore, #tpu.memory_space<semaphore_mem>>
      tpu.enqueue_indirect_dma source(%arg29 : memref<40x128xf32, #tpu.memory_space<vmem>>) target(%dma_start3A_439 : memref<10240x128xf32, #tpu.memory_space<vmem_shared>>) offsets(%arg24 : memref<40xi32, #tpu.memory_space<vmem>>) semaphore(%dma_start3A_441 : memref<!tpu.dma_semaphore, #tpu.memory_space<semaphore_mem>>) {add = true}
      %add3A_442 = arith.constant 3 : i32
      %add3A_443 = arith.addi %add3A_429, %add3A_442 : i32
      %lt3A_444 = arith.constant 250 : i32
      %lt3A_445 = arith.cmpi slt, %add3A_443, %lt3A_444 : i32
      %convert_element_type3A_446 = arith.extui %lt3A_445 : i1 to i32
      %cond3A_447 = arith.constant 0 : i32
      %cond3A_448 = arith.cmpi ne, %convert_element_type3A_446, %cond3A_447 : i32
      scf.if %cond3A_448 {
        %ge3A = arith.constant 2 : i32
        %ge3A_516 = arith.cmpi sge, %add3A_429, %ge3A : i32
        %convert_element_type3A_517 = arith.extui %ge3A_516 : i1 to i32
        %cond3A_518 = arith.constant 0 : i32
        %cond3A_519 = arith.cmpi ne, %convert_element_type3A_517, %cond3A_518 : i32
        scf.if %cond3A_519 {
          %dma_wait3A_540 = arith.constant 0 : i32
          %dma_wait3A_541 = arith.constant 0 : i32
          %dma_wait3A_542 = arith.constant 0 : i32
          %dma_wait3A_543 = tpu.memref_slice %arg32[%dma_wait3A_541, %dma_wait3A_542] : memref<10240x128xf32, #tpu.memory_space<vmem_shared>> -> memref<10240x128xf32, #tpu.memory_space<vmem_shared>>
          %dma_wait3A_544 = tpu.memref_slice %arg35[%dma_wait3A_540] : memref<5x!tpu.dma_semaphore, #tpu.memory_space<semaphore_mem>> -> memref<1x!tpu.dma_semaphore, #tpu.memory_space<semaphore_mem>>
          %dma_wait3A_545 = tpu.memref_squeeze %dma_wait3A_544 : memref<1x!tpu.dma_semaphore, #tpu.memory_space<semaphore_mem>> -> memref<!tpu.dma_semaphore, #tpu.memory_space<semaphore_mem>>
          tpu.wait_indirect_dma semaphore(%dma_wait3A_545 : memref<!tpu.dma_semaphore, #tpu.memory_space<semaphore_mem>>) src(%arg27 : memref<40x128xf32, #tpu.memory_space<vmem>>) dst(%dma_wait3A_543 : memref<10240x128xf32, #tpu.memory_space<vmem_shared>>)
        } else {
        }
        %dma_wait3A_520 = arith.constant 0 : i32
        %dma_wait3A_521 = arith.constant 0 : i32
        %dma_wait3A_522 = tpu.memref_slice %arg3[%dma_wait3A_521] : memref<320000xi32, #tpu.memory_space<hbm>> -> memref<40xi32, #tpu.memory_space<hbm>>
        %dma_wait3A_523 = tpu.memref_slice %arg33[%dma_wait3A_520] : memref<10x!tpu.dma_semaphore, #tpu.memory_space<semaphore_mem>> -> memref<1x!tpu.dma_semaphore, #tpu.memory_space<semaphore_mem>>
        %dma_wait3A_524 = tpu.memref_squeeze %dma_wait3A_523 : memref<1x!tpu.dma_semaphore, #tpu.memory_space<semaphore_mem>> -> memref<!tpu.dma_semaphore, #tpu.memory_space<semaphore_mem>>
        %dma_wait3A_525 = arith.constant 0 : i32
        %dma_wait3A_526 = tpu.memref_slice %arg3[%dma_wait3A_525] : memref<320000xi32, #tpu.memory_space<hbm>> -> memref<40xi32, #tpu.memory_space<hbm>>
        tpu.wait_dma2 semaphore(%dma_wait3A_524 : memref<!tpu.dma_semaphore, #tpu.memory_space<semaphore_mem>>) src(%dma_wait3A_526 : memref<40xi32, #tpu.memory_space<hbm>>) dst(%arg7 : memref<40xi32, #tpu.memory_space<vmem>>)
        %dma_wait3A_527 = arith.constant 0 : i32
        %dma_wait3A_528 = arith.constant 0 : i32
        %dma_wait3A_529 = tpu.memref_slice %arg4[%dma_wait3A_528] : memref<320000xi32, #tpu.memory_space<hbm>> -> memref<40xi32, #tpu.memory_space<hbm>>
        %dma_wait3A_530 = tpu.memref_slice %arg33[%dma_wait3A_527] : memref<10x!tpu.dma_semaphore, #tpu.memory_space<semaphore_mem>> -> memref<1x!tpu.dma_semaphore, #tpu.memory_space<semaphore_mem>>
        %dma_wait3A_531 = tpu.memref_squeeze %dma_wait3A_530 : memref<1x!tpu.dma_semaphore, #tpu.memory_space<semaphore_mem>> -> memref<!tpu.dma_semaphore, #tpu.memory_space<semaphore_mem>>
        %dma_wait3A_532 = arith.constant 0 : i32
        %dma_wait3A_533 = tpu.memref_slice %arg4[%dma_wait3A_532] : memref<320000xi32, #tpu.memory_space<hbm>> -> memref<40xi32, #tpu.memory_space<hbm>>
        tpu.wait_dma2 semaphore(%dma_wait3A_531 : memref<!tpu.dma_semaphore, #tpu.memory_space<semaphore_mem>>) src(%dma_wait3A_533 : memref<40xi32, #tpu.memory_space<hbm>>) dst(%arg17 : memref<40xi32, #tpu.memory_space<vmem>>)
        %dma_start3A_534 = arith.constant 0 : i32
        %dma_start3A_535 = arith.constant 0 : i32
        %dma_start3A_536 = arith.constant 0 : i32
        %dma_start3A_537 = tpu.memref_slice %arg2[%dma_start3A_535, %dma_start3A_536] : memref<10240x128xf32, #tpu.memory_space<hbm>> -> memref<10240x128xf32, #tpu.memory_space<hbm>>
        %dma_start3A_538 = tpu.memref_slice %arg34[%dma_start3A_534] : memref<5x!tpu.dma_semaphore, #tpu.memory_space<semaphore_mem>> -> memref<1x!tpu.dma_semaphore, #tpu.memory_space<semaphore_mem>>
        %dma_start3A_539 = tpu.memref_squeeze %dma_start3A_538 : memref<1x!tpu.dma_semaphore, #tpu.memory_space<semaphore_mem>> -> memref<!tpu.dma_semaphore, #tpu.memory_space<semaphore_mem>>
        tpu.enqueue_indirect_dma source(%dma_start3A_537 : memref<10240x128xf32, #tpu.memory_space<hbm>>) target(%arg27 : memref<40x128xf32, #tpu.memory_space<vmem>>) offsets(%arg7 : memref<40xi32, #tpu.memory_space<vmem>>) semaphore(%dma_start3A_539 : memref<!tpu.dma_semaphore, #tpu.memory_space<semaphore_mem>>)
      } else {
      }
      %add3A_449 = arith.constant 8 : i32
      %add3A_450 = arith.addi %add3A_429, %add3A_449 : i32
      %lt3A_451 = arith.constant 250 : i32
      %lt3A_452 = arith.cmpi slt, %add3A_450, %lt3A_451 : i32
      %convert_element_type3A_453 = arith.extui %lt3A_452 : i1 to i32
      %cond3A_454 = arith.constant 0 : i32
      %cond3A_455 = arith.cmpi ne, %convert_element_type3A_453, %cond3A_454 : i32
      scf.if %cond3A_455 {
        %add3A_516 = arith.constant 8 : i32
        %add3A_517 = arith.addi %add3A_429, %add3A_516 : i32
        %mul3A_518 = arith.constant 40 : i32
        %mul3A_519 = arith.muli %add3A_517, %mul3A_518 : i32
        %add3A_520 = arith.addi %mul3A_4, %mul3A_519 : i32
        %dma_start3A_521 = arith.constant 5 : i32
        %dma_start3A_522 = tpu.memref_slice %arg3[%add3A_520] : memref<320000xi32, #tpu.memory_space<hbm>> -> memref<40xi32, #tpu.memory_space<hbm>>
        %dma_start3A_523 = tpu.memref_slice %arg33[%dma_start3A_521] : memref<10x!tpu.dma_semaphore, #tpu.memory_space<semaphore_mem>> -> memref<1x!tpu.dma_semaphore, #tpu.memory_space<semaphore_mem>>
        %dma_start3A_524 = tpu.memref_squeeze %dma_start3A_523 : memref<1x!tpu.dma_semaphore, #tpu.memory_space<semaphore_mem>> -> memref<!tpu.dma_semaphore, #tpu.memory_space<semaphore_mem>>
        %dma_start3A_525 = tpu.memref_slice %arg3[%add3A_520] : memref<320000xi32, #tpu.memory_space<hbm>> -> memref<40xi32, #tpu.memory_space<hbm>>
        tpu.enqueue_dma source(%dma_start3A_525 : memref<40xi32, #tpu.memory_space<hbm>>) target(%arg12 : memref<40xi32, #tpu.memory_space<vmem>>) target_semaphore(%dma_start3A_524 : memref<!tpu.dma_semaphore, #tpu.memory_space<semaphore_mem>>)
        %mul3A_526 = arith.constant 40 : i32
        %mul3A_527 = arith.muli %add3A_517, %mul3A_526 : i32
        %add3A_528 = arith.addi %mul3A_4, %mul3A_527 : i32
        %dma_start3A_529 = arith.constant 5 : i32
        %dma_start3A_530 = tpu.memref_slice %arg4[%add3A_528] : memref<320000xi32, #tpu.memory_space<hbm>> -> memref<40xi32, #tpu.memory_space<hbm>>
        %dma_start3A_531 = tpu.memref_slice %arg33[%dma_start3A_529] : memref<10x!tpu.dma_semaphore, #tpu.memory_space<semaphore_mem>> -> memref<1x!tpu.dma_semaphore, #tpu.memory_space<semaphore_mem>>
        %dma_start3A_532 = tpu.memref_squeeze %dma_start3A_531 : memref<1x!tpu.dma_semaphore, #tpu.memory_space<semaphore_mem>> -> memref<!tpu.dma_semaphore, #tpu.memory_space<semaphore_mem>>
        %dma_start3A_533 = tpu.memref_slice %arg4[%add3A_528] : memref<320000xi32, #tpu.memory_space<hbm>> -> memref<40xi32, #tpu.memory_space<hbm>>
        tpu.enqueue_dma source(%dma_start3A_533 : memref<40xi32, #tpu.memory_space<hbm>>) target(%arg22 : memref<40xi32, #tpu.memory_space<vmem>>) target_semaphore(%dma_start3A_532 : memref<!tpu.dma_semaphore, #tpu.memory_space<semaphore_mem>>)
      } else {
      }
      %mul3A_456 = arith.constant 10 : i32
      %mul3A_457 = arith.muli %scan3A_216, %mul3A_456 : i32
      %add3A_458 = arith.constant 8 : i32
      %add3A_459 = arith.addi %mul3A_457, %add3A_458 : i32
      %dma_wait3A_460 = arith.constant 3 : i32
      %dma_wait3A_461 = arith.constant 0 : i32
      %dma_wait3A_462 = arith.constant 0 : i32
      %dma_wait3A_463 = tpu.memref_slice %arg2[%dma_wait3A_461, %dma_wait3A_462] : memref<10240x128xf32, #tpu.memory_space<hbm>> -> memref<10240x128xf32, #tpu.memory_space<hbm>>
      %dma_wait3A_464 = tpu.memref_slice %arg34[%dma_wait3A_460] : memref<5x!tpu.dma_semaphore, #tpu.memory_space<semaphore_mem>> -> memref<1x!tpu.dma_semaphore, #tpu.memory_space<semaphore_mem>>
      %dma_wait3A_465 = tpu.memref_squeeze %dma_wait3A_464 : memref<1x!tpu.dma_semaphore, #tpu.memory_space<semaphore_mem>> -> memref<!tpu.dma_semaphore, #tpu.memory_space<semaphore_mem>>
      tpu.wait_indirect_dma semaphore(%dma_wait3A_465 : memref<!tpu.dma_semaphore, #tpu.memory_space<semaphore_mem>>) src(%dma_wait3A_463 : memref<10240x128xf32, #tpu.memory_space<hbm>>) dst(%arg30 : memref<40x128xf32, #tpu.memory_space<vmem>>)
      %dma_start3A_466 = arith.constant 3 : i32
      %dma_start3A_467 = arith.constant 0 : i32
      %dma_start3A_468 = arith.constant 0 : i32
      %dma_start3A_469 = tpu.memref_slice %arg32[%dma_start3A_467, %dma_start3A_468] : memref<10240x128xf32, #tpu.memory_space<vmem_shared>> -> memref<10240x128xf32, #tpu.memory_space<vmem_shared>>
      %dma_start3A_470 = tpu.memref_slice %arg35[%dma_start3A_466] : memref<5x!tpu.dma_semaphore, #tpu.memory_space<semaphore_mem>> -> memref<1x!tpu.dma_semaphore, #tpu.memory_space<semaphore_mem>>
      %dma_start3A_471 = tpu.memref_squeeze %dma_start3A_470 : memref<1x!tpu.dma_semaphore, #tpu.memory_space<semaphore_mem>> -> memref<!tpu.dma_semaphore, #tpu.memory_space<semaphore_mem>>
      tpu.enqueue_indirect_dma source(%arg30 : memref<40x128xf32, #tpu.memory_space<vmem>>) target(%dma_start3A_469 : memref<10240x128xf32, #tpu.memory_space<vmem_shared>>) offsets(%arg25 : memref<40xi32, #tpu.memory_space<vmem>>) semaphore(%dma_start3A_471 : memref<!tpu.dma_semaphore, #tpu.memory_space<semaphore_mem>>) {add = true}
      %add3A_472 = arith.constant 3 : i32
      %add3A_473 = arith.addi %add3A_459, %add3A_472 : i32
      %lt3A_474 = arith.constant 250 : i32
      %lt3A_475 = arith.cmpi slt, %add3A_473, %lt3A_474 : i32
      %convert_element_type3A_476 = arith.extui %lt3A_475 : i1 to i32
      %cond3A_477 = arith.constant 0 : i32
      %cond3A_478 = arith.cmpi ne, %convert_element_type3A_476, %cond3A_477 : i32
      scf.if %cond3A_478 {
        %ge3A = arith.constant 2 : i32
        %ge3A_516 = arith.cmpi sge, %add3A_459, %ge3A : i32
        %convert_element_type3A_517 = arith.extui %ge3A_516 : i1 to i32
        %cond3A_518 = arith.constant 0 : i32
        %cond3A_519 = arith.cmpi ne, %convert_element_type3A_517, %cond3A_518 : i32
        scf.if %cond3A_519 {
          %dma_wait3A_540 = arith.constant 1 : i32
          %dma_wait3A_541 = arith.constant 0 : i32
          %dma_wait3A_542 = arith.constant 0 : i32
          %dma_wait3A_543 = tpu.memref_slice %arg32[%dma_wait3A_541, %dma_wait3A_542] : memref<10240x128xf32, #tpu.memory_space<vmem_shared>> -> memref<10240x128xf32, #tpu.memory_space<vmem_shared>>
          %dma_wait3A_544 = tpu.memref_slice %arg35[%dma_wait3A_540] : memref<5x!tpu.dma_semaphore, #tpu.memory_space<semaphore_mem>> -> memref<1x!tpu.dma_semaphore, #tpu.memory_space<semaphore_mem>>
          %dma_wait3A_545 = tpu.memref_squeeze %dma_wait3A_544 : memref<1x!tpu.dma_semaphore, #tpu.memory_space<semaphore_mem>> -> memref<!tpu.dma_semaphore, #tpu.memory_space<semaphore_mem>>
          tpu.wait_indirect_dma semaphore(%dma_wait3A_545 : memref<!tpu.dma_semaphore, #tpu.memory_space<semaphore_mem>>) src(%arg28 : memref<40x128xf32, #tpu.memory_space<vmem>>) dst(%dma_wait3A_543 : memref<10240x128xf32, #tpu.memory_space<vmem_shared>>)
        } else {
        }
        %dma_wait3A_520 = arith.constant 1 : i32
        %dma_wait3A_521 = arith.constant 0 : i32
        %dma_wait3A_522 = tpu.memref_slice %arg3[%dma_wait3A_521] : memref<320000xi32, #tpu.memory_space<hbm>> -> memref<40xi32, #tpu.memory_space<hbm>>
        %dma_wait3A_523 = tpu.memref_slice %arg33[%dma_wait3A_520] : memref<10x!tpu.dma_semaphore, #tpu.memory_space<semaphore_mem>> -> memref<1x!tpu.dma_semaphore, #tpu.memory_space<semaphore_mem>>
        %dma_wait3A_524 = tpu.memref_squeeze %dma_wait3A_523 : memref<1x!tpu.dma_semaphore, #tpu.memory_space<semaphore_mem>> -> memref<!tpu.dma_semaphore, #tpu.memory_space<semaphore_mem>>
        %dma_wait3A_525 = arith.constant 0 : i32
        %dma_wait3A_526 = tpu.memref_slice %arg3[%dma_wait3A_525] : memref<320000xi32, #tpu.memory_space<hbm>> -> memref<40xi32, #tpu.memory_space<hbm>>
        tpu.wait_dma2 semaphore(%dma_wait3A_524 : memref<!tpu.dma_semaphore, #tpu.memory_space<semaphore_mem>>) src(%dma_wait3A_526 : memref<40xi32, #tpu.memory_space<hbm>>) dst(%arg8 : memref<40xi32, #tpu.memory_space<vmem>>)
        %dma_wait3A_527 = arith.constant 1 : i32
        %dma_wait3A_528 = arith.constant 0 : i32
        %dma_wait3A_529 = tpu.memref_slice %arg4[%dma_wait3A_528] : memref<320000xi32, #tpu.memory_space<hbm>> -> memref<40xi32, #tpu.memory_space<hbm>>
        %dma_wait3A_530 = tpu.memref_slice %arg33[%dma_wait3A_527] : memref<10x!tpu.dma_semaphore, #tpu.memory_space<semaphore_mem>> -> memref<1x!tpu.dma_semaphore, #tpu.memory_space<semaphore_mem>>
        %dma_wait3A_531 = tpu.memref_squeeze %dma_wait3A_530 : memref<1x!tpu.dma_semaphore, #tpu.memory_space<semaphore_mem>> -> memref<!tpu.dma_semaphore, #tpu.memory_space<semaphore_mem>>
        %dma_wait3A_532 = arith.constant 0 : i32
        %dma_wait3A_533 = tpu.memref_slice %arg4[%dma_wait3A_532] : memref<320000xi32, #tpu.memory_space<hbm>> -> memref<40xi32, #tpu.memory_space<hbm>>
        tpu.wait_dma2 semaphore(%dma_wait3A_531 : memref<!tpu.dma_semaphore, #tpu.memory_space<semaphore_mem>>) src(%dma_wait3A_533 : memref<40xi32, #tpu.memory_space<hbm>>) dst(%arg18 : memref<40xi32, #tpu.memory_space<vmem>>)
        %dma_start3A_534 = arith.constant 1 : i32
        %dma_start3A_535 = arith.constant 0 : i32
        %dma_start3A_536 = arith.constant 0 : i32
        %dma_start3A_537 = tpu.memref_slice %arg2[%dma_start3A_535, %dma_start3A_536] : memref<10240x128xf32, #tpu.memory_space<hbm>> -> memref<10240x128xf32, #tpu.memory_space<hbm>>
        %dma_start3A_538 = tpu.memref_slice %arg34[%dma_start3A_534] : memref<5x!tpu.dma_semaphore, #tpu.memory_space<semaphore_mem>> -> memref<1x!tpu.dma_semaphore, #tpu.memory_space<semaphore_mem>>
        %dma_start3A_539 = tpu.memref_squeeze %dma_start3A_538 : memref<1x!tpu.dma_semaphore, #tpu.memory_space<semaphore_mem>> -> memref<!tpu.dma_semaphore, #tpu.memory_space<semaphore_mem>>
        tpu.enqueue_indirect_dma source(%dma_start3A_537 : memref<10240x128xf32, #tpu.memory_space<hbm>>) target(%arg28 : memref<40x128xf32, #tpu.memory_space<vmem>>) offsets(%arg8 : memref<40xi32, #tpu.memory_space<vmem>>) semaphore(%dma_start3A_539 : memref<!tpu.dma_semaphore, #tpu.memory_space<semaphore_mem>>)
      } else {
      }
      %add3A_479 = arith.constant 8 : i32
      %add3A_480 = arith.addi %add3A_459, %add3A_479 : i32
      %lt3A_481 = arith.constant 250 : i32
      %lt3A_482 = arith.cmpi slt, %add3A_480, %lt3A_481 : i32
      %convert_element_type3A_483 = arith.extui %lt3A_482 : i1 to i32
      %cond3A_484 = arith.constant 0 : i32
      %cond3A_485 = arith.cmpi ne, %convert_element_type3A_483, %cond3A_484 : i32
      scf.if %cond3A_485 {
        %add3A_516 = arith.constant 8 : i32
        %add3A_517 = arith.addi %add3A_459, %add3A_516 : i32
        %mul3A_518 = arith.constant 40 : i32
        %mul3A_519 = arith.muli %add3A_517, %mul3A_518 : i32
        %add3A_520 = arith.addi %mul3A_4, %mul3A_519 : i32
        %dma_start3A_521 = arith.constant 6 : i32
        %dma_start3A_522 = tpu.memref_slice %arg3[%add3A_520] : memref<320000xi32, #tpu.memory_space<hbm>> -> memref<40xi32, #tpu.memory_space<hbm>>
        %dma_start3A_523 = tpu.memref_slice %arg33[%dma_start3A_521] : memref<10x!tpu.dma_semaphore, #tpu.memory_space<semaphore_mem>> -> memref<1x!tpu.dma_semaphore, #tpu.memory_space<semaphore_mem>>
        %dma_start3A_524 = tpu.memref_squeeze %dma_start3A_523 : memref<1x!tpu.dma_semaphore, #tpu.memory_space<semaphore_mem>> -> memref<!tpu.dma_semaphore, #tpu.memory_space<semaphore_mem>>
        %dma_start3A_525 = tpu.memref_slice %arg3[%add3A_520] : memref<320000xi32, #tpu.memory_space<hbm>> -> memref<40xi32, #tpu.memory_space<hbm>>
        tpu.enqueue_dma source(%dma_start3A_525 : memref<40xi32, #tpu.memory_space<hbm>>) target(%arg13 : memref<40xi32, #tpu.memory_space<vmem>>) target_semaphore(%dma_start3A_524 : memref<!tpu.dma_semaphore, #tpu.memory_space<semaphore_mem>>)
        %mul3A_526 = arith.constant 40 : i32
        %mul3A_527 = arith.muli %add3A_517, %mul3A_526 : i32
        %add3A_528 = arith.addi %mul3A_4, %mul3A_527 : i32
        %dma_start3A_529 = arith.constant 6 : i32
        %dma_start3A_530 = tpu.memref_slice %arg4[%add3A_528] : memref<320000xi32, #tpu.memory_space<hbm>> -> memref<40xi32, #tpu.memory_space<hbm>>
        %dma_start3A_531 = tpu.memref_slice %arg33[%dma_start3A_529] : memref<10x!tpu.dma_semaphore, #tpu.memory_space<semaphore_mem>> -> memref<1x!tpu.dma_semaphore, #tpu.memory_space<semaphore_mem>>
        %dma_start3A_532 = tpu.memref_squeeze %dma_start3A_531 : memref<1x!tpu.dma_semaphore, #tpu.memory_space<semaphore_mem>> -> memref<!tpu.dma_semaphore, #tpu.memory_space<semaphore_mem>>
        %dma_start3A_533 = tpu.memref_slice %arg4[%add3A_528] : memref<320000xi32, #tpu.memory_space<hbm>> -> memref<40xi32, #tpu.memory_space<hbm>>
        tpu.enqueue_dma source(%dma_start3A_533 : memref<40xi32, #tpu.memory_space<hbm>>) target(%arg23 : memref<40xi32, #tpu.memory_space<vmem>>) target_semaphore(%dma_start3A_532 : memref<!tpu.dma_semaphore, #tpu.memory_space<semaphore_mem>>)
      } else {
      }
      %mul3A_486 = arith.constant 10 : i32
      %mul3A_487 = arith.muli %scan3A_216, %mul3A_486 : i32
      %add3A_488 = arith.constant 9 : i32
      %add3A_489 = arith.addi %mul3A_487, %add3A_488 : i32
      %dma_wait3A_490 = arith.constant 4 : i32
      %dma_wait3A_491 = arith.constant 0 : i32
      %dma_wait3A_492 = arith.constant 0 : i32
      %dma_wait3A_493 = tpu.memref_slice %arg2[%dma_wait3A_491, %dma_wait3A_492] : memref<10240x128xf32, #tpu.memory_space<hbm>> -> memref<10240x128xf32, #tpu.memory_space<hbm>>
      %dma_wait3A_494 = tpu.memref_slice %arg34[%dma_wait3A_490] : memref<5x!tpu.dma_semaphore, #tpu.memory_space<semaphore_mem>> -> memref<1x!tpu.dma_semaphore, #tpu.memory_space<semaphore_mem>>
      %dma_wait3A_495 = tpu.memref_squeeze %dma_wait3A_494 : memref<1x!tpu.dma_semaphore, #tpu.memory_space<semaphore_mem>> -> memref<!tpu.dma_semaphore, #tpu.memory_space<semaphore_mem>>
      tpu.wait_indirect_dma semaphore(%dma_wait3A_495 : memref<!tpu.dma_semaphore, #tpu.memory_space<semaphore_mem>>) src(%dma_wait3A_493 : memref<10240x128xf32, #tpu.memory_space<hbm>>) dst(%arg31 : memref<40x128xf32, #tpu.memory_space<vmem>>)
      %dma_start3A_496 = arith.constant 4 : i32
      %dma_start3A_497 = arith.constant 0 : i32
      %dma_start3A_498 = arith.constant 0 : i32
      %dma_start3A_499 = tpu.memref_slice %arg32[%dma_start3A_497, %dma_start3A_498] : memref<10240x128xf32, #tpu.memory_space<vmem_shared>> -> memref<10240x128xf32, #tpu.memory_space<vmem_shared>>
      %dma_start3A_500 = tpu.memref_slice %arg35[%dma_start3A_496] : memref<5x!tpu.dma_semaphore, #tpu.memory_space<semaphore_mem>> -> memref<1x!tpu.dma_semaphore, #tpu.memory_space<semaphore_mem>>
      %dma_start3A_501 = tpu.memref_squeeze %dma_start3A_500 : memref<1x!tpu.dma_semaphore, #tpu.memory_space<semaphore_mem>> -> memref<!tpu.dma_semaphore, #tpu.memory_space<semaphore_mem>>
      tpu.enqueue_indirect_dma source(%arg31 : memref<40x128xf32, #tpu.memory_space<vmem>>) target(%dma_start3A_499 : memref<10240x128xf32, #tpu.memory_space<vmem_shared>>) offsets(%arg26 : memref<40xi32, #tpu.memory_space<vmem>>) semaphore(%dma_start3A_501 : memref<!tpu.dma_semaphore, #tpu.memory_space<semaphore_mem>>) {add = true}
      %add3A_502 = arith.constant 3 : i32
      %add3A_503 = arith.addi %add3A_489, %add3A_502 : i32
      %lt3A_504 = arith.constant 250 : i32
      %lt3A_505 = arith.cmpi slt, %add3A_503, %lt3A_504 : i32
      %convert_element_type3A_506 = arith.extui %lt3A_505 : i1 to i32
      %cond3A_507 = arith.constant 0 : i32
      %cond3A_508 = arith.cmpi ne, %convert_element_type3A_506, %cond3A_507 : i32
      scf.if %cond3A_508 {
        %ge3A = arith.constant 2 : i32
        %ge3A_516 = arith.cmpi sge, %add3A_489, %ge3A : i32
        %convert_element_type3A_517 = arith.extui %ge3A_516 : i1 to i32
        %cond3A_518 = arith.constant 0 : i32
        %cond3A_519 = arith.cmpi ne, %convert_element_type3A_517, %cond3A_518 : i32
        scf.if %cond3A_519 {
          %dma_wait3A_540 = arith.constant 2 : i32
          %dma_wait3A_541 = arith.constant 0 : i32
          %dma_wait3A_542 = arith.constant 0 : i32
          %dma_wait3A_543 = tpu.memref_slice %arg32[%dma_wait3A_541, %dma_wait3A_542] : memref<10240x128xf32, #tpu.memory_space<vmem_shared>> -> memref<10240x128xf32, #tpu.memory_space<vmem_shared>>
          %dma_wait3A_544 = tpu.memref_slice %arg35[%dma_wait3A_540] : memref<5x!tpu.dma_semaphore, #tpu.memory_space<semaphore_mem>> -> memref<1x!tpu.dma_semaphore, #tpu.memory_space<semaphore_mem>>
          %dma_wait3A_545 = tpu.memref_squeeze %dma_wait3A_544 : memref<1x!tpu.dma_semaphore, #tpu.memory_space<semaphore_mem>> -> memref<!tpu.dma_semaphore, #tpu.memory_space<semaphore_mem>>
          tpu.wait_indirect_dma semaphore(%dma_wait3A_545 : memref<!tpu.dma_semaphore, #tpu.memory_space<semaphore_mem>>) src(%arg29 : memref<40x128xf32, #tpu.memory_space<vmem>>) dst(%dma_wait3A_543 : memref<10240x128xf32, #tpu.memory_space<vmem_shared>>)
        } else {
        }
        %dma_wait3A_520 = arith.constant 2 : i32
        %dma_wait3A_521 = arith.constant 0 : i32
        %dma_wait3A_522 = tpu.memref_slice %arg3[%dma_wait3A_521] : memref<320000xi32, #tpu.memory_space<hbm>> -> memref<40xi32, #tpu.memory_space<hbm>>
        %dma_wait3A_523 = tpu.memref_slice %arg33[%dma_wait3A_520] : memref<10x!tpu.dma_semaphore, #tpu.memory_space<semaphore_mem>> -> memref<1x!tpu.dma_semaphore, #tpu.memory_space<semaphore_mem>>
        %dma_wait3A_524 = tpu.memref_squeeze %dma_wait3A_523 : memref<1x!tpu.dma_semaphore, #tpu.memory_space<semaphore_mem>> -> memref<!tpu.dma_semaphore, #tpu.memory_space<semaphore_mem>>
        %dma_wait3A_525 = arith.constant 0 : i32
        %dma_wait3A_526 = tpu.memref_slice %arg3[%dma_wait3A_525] : memref<320000xi32, #tpu.memory_space<hbm>> -> memref<40xi32, #tpu.memory_space<hbm>>
        tpu.wait_dma2 semaphore(%dma_wait3A_524 : memref<!tpu.dma_semaphore, #tpu.memory_space<semaphore_mem>>) src(%dma_wait3A_526 : memref<40xi32, #tpu.memory_space<hbm>>) dst(%arg9 : memref<40xi32, #tpu.memory_space<vmem>>)
        %dma_wait3A_527 = arith.constant 2 : i32
        %dma_wait3A_528 = arith.constant 0 : i32
        %dma_wait3A_529 = tpu.memref_slice %arg4[%dma_wait3A_528] : memref<320000xi32, #tpu.memory_space<hbm>> -> memref<40xi32, #tpu.memory_space<hbm>>
        %dma_wait3A_530 = tpu.memref_slice %arg33[%dma_wait3A_527] : memref<10x!tpu.dma_semaphore, #tpu.memory_space<semaphore_mem>> -> memref<1x!tpu.dma_semaphore, #tpu.memory_space<semaphore_mem>>
        %dma_wait3A_531 = tpu.memref_squeeze %dma_wait3A_530 : memref<1x!tpu.dma_semaphore, #tpu.memory_space<semaphore_mem>> -> memref<!tpu.dma_semaphore, #tpu.memory_space<semaphore_mem>>
        %dma_wait3A_532 = arith.constant 0 : i32
        %dma_wait3A_533 = tpu.memref_slice %arg4[%dma_wait3A_532] : memref<320000xi32, #tpu.memory_space<hbm>> -> memref<40xi32, #tpu.memory_space<hbm>>
        tpu.wait_dma2 semaphore(%dma_wait3A_531 : memref<!tpu.dma_semaphore, #tpu.memory_space<semaphore_mem>>) src(%dma_wait3A_533 : memref<40xi32, #tpu.memory_space<hbm>>) dst(%arg19 : memref<40xi32, #tpu.memory_space<vmem>>)
        %dma_start3A_534 = arith.constant 2 : i32
        %dma_start3A_535 = arith.constant 0 : i32
        %dma_start3A_536 = arith.constant 0 : i32
        %dma_start3A_537 = tpu.memref_slice %arg2[%dma_start3A_535, %dma_start3A_536] : memref<10240x128xf32, #tpu.memory_space<hbm>> -> memref<10240x128xf32, #tpu.memory_space<hbm>>
        %dma_start3A_538 = tpu.memref_slice %arg34[%dma_start3A_534] : memref<5x!tpu.dma_semaphore, #tpu.memory_space<semaphore_mem>> -> memref<1x!tpu.dma_semaphore, #tpu.memory_space<semaphore_mem>>
        %dma_start3A_539 = tpu.memref_squeeze %dma_start3A_538 : memref<1x!tpu.dma_semaphore, #tpu.memory_space<semaphore_mem>> -> memref<!tpu.dma_semaphore, #tpu.memory_space<semaphore_mem>>
        tpu.enqueue_indirect_dma source(%dma_start3A_537 : memref<10240x128xf32, #tpu.memory_space<hbm>>) target(%arg29 : memref<40x128xf32, #tpu.memory_space<vmem>>) offsets(%arg9 : memref<40xi32, #tpu.memory_space<vmem>>) semaphore(%dma_start3A_539 : memref<!tpu.dma_semaphore, #tpu.memory_space<semaphore_mem>>)
      } else {
      }
      %add3A_509 = arith.constant 8 : i32
      %add3A_510 = arith.addi %add3A_489, %add3A_509 : i32
      %lt3A_511 = arith.constant 250 : i32
      %lt3A_512 = arith.cmpi slt, %add3A_510, %lt3A_511 : i32
      %convert_element_type3A_513 = arith.extui %lt3A_512 : i1 to i32
      %cond3A_514 = arith.constant 0 : i32
      %cond3A_515 = arith.cmpi ne, %convert_element_type3A_513, %cond3A_514 : i32
      scf.if %cond3A_515 {
        %add3A_516 = arith.constant 8 : i32
        %add3A_517 = arith.addi %add3A_489, %add3A_516 : i32
        %mul3A_518 = arith.constant 40 : i32
        %mul3A_519 = arith.muli %add3A_517, %mul3A_518 : i32
        %add3A_520 = arith.addi %mul3A_4, %mul3A_519 : i32
        %dma_start3A_521 = arith.constant 7 : i32
        %dma_start3A_522 = tpu.memref_slice %arg3[%add3A_520] : memref<320000xi32, #tpu.memory_space<hbm>> -> memref<40xi32, #tpu.memory_space<hbm>>
        %dma_start3A_523 = tpu.memref_slice %arg33[%dma_start3A_521] : memref<10x!tpu.dma_semaphore, #tpu.memory_space<semaphore_mem>> -> memref<1x!tpu.dma_semaphore, #tpu.memory_space<semaphore_mem>>
        %dma_start3A_524 = tpu.memref_squeeze %dma_start3A_523 : memref<1x!tpu.dma_semaphore, #tpu.memory_space<semaphore_mem>> -> memref<!tpu.dma_semaphore, #tpu.memory_space<semaphore_mem>>
        %dma_start3A_525 = tpu.memref_slice %arg3[%add3A_520] : memref<320000xi32, #tpu.memory_space<hbm>> -> memref<40xi32, #tpu.memory_space<hbm>>
        tpu.enqueue_dma source(%dma_start3A_525 : memref<40xi32, #tpu.memory_space<hbm>>) target(%arg14 : memref<40xi32, #tpu.memory_space<vmem>>) target_semaphore(%dma_start3A_524 : memref<!tpu.dma_semaphore, #tpu.memory_space<semaphore_mem>>)
        %mul3A_526 = arith.constant 40 : i32
        %mul3A_527 = arith.muli %add3A_517, %mul3A_526 : i32
        %add3A_528 = arith.addi %mul3A_4, %mul3A_527 : i32
        %dma_start3A_529 = arith.constant 7 : i32
        %dma_start3A_530 = tpu.memref_slice %arg4[%add3A_528] : memref<320000xi32, #tpu.memory_space<hbm>> -> memref<40xi32, #tpu.memory_space<hbm>>
        %dma_start3A_531 = tpu.memref_slice %arg33[%dma_start3A_529] : memref<10x!tpu.dma_semaphore, #tpu.memory_space<semaphore_mem>> -> memref<1x!tpu.dma_semaphore, #tpu.memory_space<semaphore_mem>>
        %dma_start3A_532 = tpu.memref_squeeze %dma_start3A_531 : memref<1x!tpu.dma_semaphore, #tpu.memory_space<semaphore_mem>> -> memref<!tpu.dma_semaphore, #tpu.memory_space<semaphore_mem>>
        %dma_start3A_533 = tpu.memref_slice %arg4[%add3A_528] : memref<320000xi32, #tpu.memory_space<hbm>> -> memref<40xi32, #tpu.memory_space<hbm>>
        tpu.enqueue_dma source(%dma_start3A_533 : memref<40xi32, #tpu.memory_space<hbm>>) target(%arg24 : memref<40xi32, #tpu.memory_space<vmem>>) target_semaphore(%dma_start3A_532 : memref<!tpu.dma_semaphore, #tpu.memory_space<semaphore_mem>>)
      } else {
      }
    }
    %scan3A_184 = arith.constant 25 : i32
    %dma_wait3A_185 = arith.constant 0 : i32
    %dma_wait3A_186 = arith.constant 0 : i32
    %dma_wait3A_187 = arith.constant 0 : i32
    %dma_wait3A_188 = tpu.memref_slice %arg32[%dma_wait3A_186, %dma_wait3A_187] : memref<10240x128xf32, #tpu.memory_space<vmem_shared>> -> memref<10240x128xf32, #tpu.memory_space<vmem_shared>>
    %dma_wait3A_189 = tpu.memref_slice %arg35[%dma_wait3A_185] : memref<5x!tpu.dma_semaphore, #tpu.memory_space<semaphore_mem>> -> memref<1x!tpu.dma_semaphore, #tpu.memory_space<semaphore_mem>>
    %dma_wait3A_190 = tpu.memref_squeeze %dma_wait3A_189 : memref<1x!tpu.dma_semaphore, #tpu.memory_space<semaphore_mem>> -> memref<!tpu.dma_semaphore, #tpu.memory_space<semaphore_mem>>
    tpu.wait_indirect_dma semaphore(%dma_wait3A_190 : memref<!tpu.dma_semaphore, #tpu.memory_space<semaphore_mem>>) src(%arg27 : memref<40x128xf32, #tpu.memory_space<vmem>>) dst(%dma_wait3A_188 : memref<10240x128xf32, #tpu.memory_space<vmem_shared>>)
    %dma_wait3A_191 = arith.constant 1 : i32
    %dma_wait3A_192 = arith.constant 0 : i32
    %dma_wait3A_193 = arith.constant 0 : i32
    %dma_wait3A_194 = tpu.memref_slice %arg32[%dma_wait3A_192, %dma_wait3A_193] : memref<10240x128xf32, #tpu.memory_space<vmem_shared>> -> memref<10240x128xf32, #tpu.memory_space<vmem_shared>>
    %dma_wait3A_195 = tpu.memref_slice %arg35[%dma_wait3A_191] : memref<5x!tpu.dma_semaphore, #tpu.memory_space<semaphore_mem>> -> memref<1x!tpu.dma_semaphore, #tpu.memory_space<semaphore_mem>>
    %dma_wait3A_196 = tpu.memref_squeeze %dma_wait3A_195 : memref<1x!tpu.dma_semaphore, #tpu.memory_space<semaphore_mem>> -> memref<!tpu.dma_semaphore, #tpu.memory_space<semaphore_mem>>
    tpu.wait_indirect_dma semaphore(%dma_wait3A_196 : memref<!tpu.dma_semaphore, #tpu.memory_space<semaphore_mem>>) src(%arg28 : memref<40x128xf32, #tpu.memory_space<vmem>>) dst(%dma_wait3A_194 : memref<10240x128xf32, #tpu.memory_space<vmem_shared>>)
    %dma_wait3A_197 = arith.constant 2 : i32
    %dma_wait3A_198 = arith.constant 0 : i32
    %dma_wait3A_199 = arith.constant 0 : i32
    %dma_wait3A_200 = tpu.memref_slice %arg32[%dma_wait3A_198, %dma_wait3A_199] : memref<10240x128xf32, #tpu.memory_space<vmem_shared>> -> memref<10240x128xf32, #tpu.memory_space<vmem_shared>>
    %dma_wait3A_201 = tpu.memref_slice %arg35[%dma_wait3A_197] : memref<5x!tpu.dma_semaphore, #tpu.memory_space<semaphore_mem>> -> memref<1x!tpu.dma_semaphore, #tpu.memory_space<semaphore_mem>>
    %dma_wait3A_202 = tpu.memref_squeeze %dma_wait3A_201 : memref<1x!tpu.dma_semaphore, #tpu.memory_space<semaphore_mem>> -> memref<!tpu.dma_semaphore, #tpu.memory_space<semaphore_mem>>
    tpu.wait_indirect_dma semaphore(%dma_wait3A_202 : memref<!tpu.dma_semaphore, #tpu.memory_space<semaphore_mem>>) src(%arg29 : memref<40x128xf32, #tpu.memory_space<vmem>>) dst(%dma_wait3A_200 : memref<10240x128xf32, #tpu.memory_space<vmem_shared>>)
    %dma_wait3A_203 = arith.constant 3 : i32
    %dma_wait3A_204 = arith.constant 0 : i32
    %dma_wait3A_205 = arith.constant 0 : i32
    %dma_wait3A_206 = tpu.memref_slice %arg32[%dma_wait3A_204, %dma_wait3A_205] : memref<10240x128xf32, #tpu.memory_space<vmem_shared>> -> memref<10240x128xf32, #tpu.memory_space<vmem_shared>>
    %dma_wait3A_207 = tpu.memref_slice %arg35[%dma_wait3A_203] : memref<5x!tpu.dma_semaphore, #tpu.memory_space<semaphore_mem>> -> memref<1x!tpu.dma_semaphore, #tpu.memory_space<semaphore_mem>>
    %dma_wait3A_208 = tpu.memref_squeeze %dma_wait3A_207 : memref<1x!tpu.dma_semaphore, #tpu.memory_space<semaphore_mem>> -> memref<!tpu.dma_semaphore, #tpu.memory_space<semaphore_mem>>
    tpu.wait_indirect_dma semaphore(%dma_wait3A_208 : memref<!tpu.dma_semaphore, #tpu.memory_space<semaphore_mem>>) src(%arg30 : memref<40x128xf32, #tpu.memory_space<vmem>>) dst(%dma_wait3A_206 : memref<10240x128xf32, #tpu.memory_space<vmem_shared>>)
    %dma_wait3A_209 = arith.constant 4 : i32
    %dma_wait3A_210 = arith.constant 0 : i32
    %dma_wait3A_211 = arith.constant 0 : i32
    %dma_wait3A_212 = tpu.memref_slice %arg32[%dma_wait3A_210, %dma_wait3A_211] : memref<10240x128xf32, #tpu.memory_space<vmem_shared>> -> memref<10240x128xf32, #tpu.memory_space<vmem_shared>>
    %dma_wait3A_213 = tpu.memref_slice %arg35[%dma_wait3A_209] : memref<5x!tpu.dma_semaphore, #tpu.memory_space<semaphore_mem>> -> memref<1x!tpu.dma_semaphore, #tpu.memory_space<semaphore_mem>>
    %dma_wait3A_214 = tpu.memref_squeeze %dma_wait3A_213 : memref<1x!tpu.dma_semaphore, #tpu.memory_space<semaphore_mem>> -> memref<!tpu.dma_semaphore, #tpu.memory_space<semaphore_mem>>
    tpu.wait_indirect_dma semaphore(%dma_wait3A_214 : memref<!tpu.dma_semaphore, #tpu.memory_space<semaphore_mem>>) src(%arg31 : memref<40x128xf32, #tpu.memory_space<vmem>>) dst(%dma_wait3A_212 : memref<10240x128xf32, #tpu.memory_space<vmem_shared>>)
    %barrier3A_215 = arith.constant 0 : index
    tpu.barrier barrier_id(%barrier3A_215)
    "tpu.region"() ({
      %run_scoped3A = tpu.sem_alloc : memref<!tpu.dma_semaphore, #tpu.memory_space<semaphore_mem>>
      %dma_start3A_216 = arith.constant 0 : i32
      %dma_start3A_217 = tpu.memref_slice %arg6[%arg0, %mul3A_2, %dma_start3A_216] : memref<2x10240x128xf32, #tpu.memory_space<hbm>> -> memref<1x640x128xf32, #tpu.memory_space<hbm>>
      %dma_start3A_218 = tpu.memref_squeeze %dma_start3A_217 : memref<1x640x128xf32, #tpu.memory_space<hbm>> -> memref<640x128xf32, #tpu.memory_space<hbm>>
      %dma_start3A_219 = arith.constant 0 : i32
      %dma_start3A_220 = tpu.memref_slice %arg32[%mul3A_2, %dma_start3A_219] : memref<10240x128xf32, #tpu.memory_space<vmem_shared>> -> memref<640x128xf32, #tpu.memory_space<vmem_shared>>
      tpu.enqueue_dma source(%dma_start3A_220 : memref<640x128xf32, #tpu.memory_space<vmem_shared>>) target(%dma_start3A_218 : memref<640x128xf32, #tpu.memory_space<hbm>>) target_semaphore(%run_scoped3A : memref<!tpu.dma_semaphore, #tpu.memory_space<semaphore_mem>>)
      %dma_wait3A_221 = arith.constant 0 : i32
      %dma_wait3A_222 = tpu.memref_slice %arg6[%arg0, %mul3A_2, %dma_wait3A_221] : memref<2x10240x128xf32, #tpu.memory_space<hbm>> -> memref<1x640x128xf32, #tpu.memory_space<hbm>>
      %dma_wait3A_223 = tpu.memref_squeeze %dma_wait3A_222 : memref<1x640x128xf32, #tpu.memory_space<hbm>> -> memref<640x128xf32, #tpu.memory_space<hbm>>
      %dma_wait3A_224 = arith.constant 0 : i32
      %dma_wait3A_225 = tpu.memref_slice %arg32[%mul3A_2, %dma_wait3A_224] : memref<10240x128xf32, #tpu.memory_space<vmem_shared>> -> memref<640x128xf32, #tpu.memory_space<vmem_shared>>
      tpu.wait_dma2 semaphore(%run_scoped3A : memref<!tpu.dma_semaphore, #tpu.memory_space<semaphore_mem>>) src(%dma_wait3A_225 : memref<640x128xf32, #tpu.memory_space<vmem_shared>>) dst(%dma_wait3A_223 : memref<640x128xf32, #tpu.memory_space<hbm>>)
      tpu.yield
    }) : () -> ()
    return
  }
}

#map = affine_map<(d0, d1) -> (0)>
#map1 = affine_map<(d0, d1) -> (0, 0)>
#map2 = affine_map<(d0, d1) -> (0, 0, 0)>
module attributes {stable_mosaic.version = 14 : i64} {
  func.func @deg_kernel(%arg0: i32, %arg1: i32, %arg2: memref<320000xi32, #tpu.memory_space<hbm>>, %arg3: memref<80x128xf32, #tpu.memory_space<hbm>>, %arg4: memref<640x128xf32, #tpu.memory_space<hbm>>, %arg5: memref<2x10240x128xf32, #tpu.memory_space<hbm>>, %arg6: memref<80xi32, #tpu.memory_space<vmem>>, %arg7: memref<80xi32, #tpu.memory_space<vmem>>, %arg8: memref<80xi32, #tpu.memory_space<vmem>>, %arg9: memref<80xi32, #tpu.memory_space<vmem>>, %arg10: memref<80xi32, #tpu.memory_space<vmem>>, %arg11: memref<80x128xf32, #tpu.memory_space<vmem>>, %arg12: memref<10240x128xf32, #tpu.memory_space<vmem_shared>>, %arg13: memref<5x!tpu.dma_semaphore, #tpu.memory_space<semaphore_mem>>, %arg14: memref<5x!tpu.dma_semaphore, #tpu.memory_space<semaphore_mem>>) attributes {dimension_semantics = [#tpu.dimension_semantics<core_parallel>, #tpu.dimension_semantics<subcore_parallel>], iteration_bounds = array<i64: 2, 16>, scalar_prefetch = 0 : i64, scratch_operands = 9 : i64, tpu.core_type = #tpu.core_type<sc_vector_subcore>, window_params = [{transform_indices = #map}, {transform_indices = #map1}, {transform_indices = #map1}, {transform_indices = #map2}]} {
    %mul3A = arith.constant 16 : i32
    %mul3A_0 = arith.muli %arg0, %mul3A : i32
    %add3A = arith.addi %mul3A_0, %arg1 : i32
    %mul3A_1 = arith.constant 640 : i32
    %mul3A_2 = arith.muli %arg1, %mul3A_1 : i32
    %mul3A_3 = arith.constant 10000 : i32
    %mul3A_4 = arith.muli %add3A, %mul3A_3 : i32
    "tpu.region"() ({
      %run_scoped3A = tpu.sem_alloc : memref<!tpu.dma_semaphore, #tpu.memory_space<semaphore_mem>>
      tpu.enqueue_dma source(%arg3 : memref<80x128xf32, #tpu.memory_space<hbm>>) target(%arg11 : memref<80x128xf32, #tpu.memory_space<vmem>>) target_semaphore(%run_scoped3A : memref<!tpu.dma_semaphore, #tpu.memory_space<semaphore_mem>>)
      tpu.wait_dma2 semaphore(%run_scoped3A : memref<!tpu.dma_semaphore, #tpu.memory_space<semaphore_mem>>) src(%arg3 : memref<80x128xf32, #tpu.memory_space<hbm>>) dst(%arg11 : memref<80x128xf32, #tpu.memory_space<vmem>>)
      tpu.yield
    }) : () -> ()
    "tpu.region"() ({
      %run_scoped3A = tpu.sem_alloc : memref<!tpu.dma_semaphore, #tpu.memory_space<semaphore_mem>>
      %dma_start3A_59 = arith.constant 0 : i32
      %dma_start3A_60 = tpu.memref_slice %arg12[%mul3A_2, %dma_start3A_59] : memref<10240x128xf32, #tpu.memory_space<vmem_shared>> -> memref<640x128xf32, #tpu.memory_space<vmem_shared>>
      tpu.enqueue_dma source(%arg4 : memref<640x128xf32, #tpu.memory_space<hbm>>) target(%dma_start3A_60 : memref<640x128xf32, #tpu.memory_space<vmem_shared>>) target_semaphore(%run_scoped3A : memref<!tpu.dma_semaphore, #tpu.memory_space<semaphore_mem>>)
      %dma_wait3A_61 = arith.constant 0 : i32
      %dma_wait3A_62 = tpu.memref_slice %arg12[%mul3A_2, %dma_wait3A_61] : memref<10240x128xf32, #tpu.memory_space<vmem_shared>> -> memref<640x128xf32, #tpu.memory_space<vmem_shared>>
      tpu.wait_dma2 semaphore(%run_scoped3A : memref<!tpu.dma_semaphore, #tpu.memory_space<semaphore_mem>>) src(%arg4 : memref<640x128xf32, #tpu.memory_space<hbm>>) dst(%dma_wait3A_62 : memref<640x128xf32, #tpu.memory_space<vmem_shared>>)
      tpu.yield
    }) : () -> ()
    %barrier3A = arith.constant 0 : index
    tpu.barrier barrier_id(%barrier3A)
    %add3A_5 = arith.constant 0 : i32
    %add3A_6 = arith.addi %mul3A_4, %add3A_5 : i32
    %dma_start3A = arith.constant 0 : i32
    %dma_start3A_7 = tpu.memref_slice %arg2[%add3A_6] : memref<320000xi32, #tpu.memory_space<hbm>> -> memref<80xi32, #tpu.memory_space<hbm>>
    %dma_start3A_8 = tpu.memref_slice %arg13[%dma_start3A] : memref<5x!tpu.dma_semaphore, #tpu.memory_space<semaphore_mem>> -> memref<1x!tpu.dma_semaphore, #tpu.memory_space<semaphore_mem>>
    %dma_start3A_9 = tpu.memref_squeeze %dma_start3A_8 : memref<1x!tpu.dma_semaphore, #tpu.memory_space<semaphore_mem>> -> memref<!tpu.dma_semaphore, #tpu.memory_space<semaphore_mem>>
    %dma_start3A_10 = tpu.memref_slice %arg2[%add3A_6] : memref<320000xi32, #tpu.memory_space<hbm>> -> memref<80xi32, #tpu.memory_space<hbm>>
    tpu.enqueue_dma source(%dma_start3A_10 : memref<80xi32, #tpu.memory_space<hbm>>) target(%arg6 : memref<80xi32, #tpu.memory_space<vmem>>) target_semaphore(%dma_start3A_9 : memref<!tpu.dma_semaphore, #tpu.memory_space<semaphore_mem>>)
    %add3A_11 = arith.constant 80 : i32
    %add3A_12 = arith.addi %mul3A_4, %add3A_11 : i32
    %dma_start3A_13 = arith.constant 1 : i32
    %dma_start3A_14 = tpu.memref_slice %arg2[%add3A_12] : memref<320000xi32, #tpu.memory_space<hbm>> -> memref<80xi32, #tpu.memory_space<hbm>>
    %dma_start3A_15 = tpu.memref_slice %arg13[%dma_start3A_13] : memref<5x!tpu.dma_semaphore, #tpu.memory_space<semaphore_mem>> -> memref<1x!tpu.dma_semaphore, #tpu.memory_space<semaphore_mem>>
    %dma_start3A_16 = tpu.memref_squeeze %dma_start3A_15 : memref<1x!tpu.dma_semaphore, #tpu.memory_space<semaphore_mem>> -> memref<!tpu.dma_semaphore, #tpu.memory_space<semaphore_mem>>
    %dma_start3A_17 = tpu.memref_slice %arg2[%add3A_12] : memref<320000xi32, #tpu.memory_space<hbm>> -> memref<80xi32, #tpu.memory_space<hbm>>
    tpu.enqueue_dma source(%dma_start3A_17 : memref<80xi32, #tpu.memory_space<hbm>>) target(%arg7 : memref<80xi32, #tpu.memory_space<vmem>>) target_semaphore(%dma_start3A_16 : memref<!tpu.dma_semaphore, #tpu.memory_space<semaphore_mem>>)
    %add3A_18 = arith.constant 160 : i32
    %add3A_19 = arith.addi %mul3A_4, %add3A_18 : i32
    %dma_start3A_20 = arith.constant 2 : i32
    %dma_start3A_21 = tpu.memref_slice %arg2[%add3A_19] : memref<320000xi32, #tpu.memory_space<hbm>> -> memref<80xi32, #tpu.memory_space<hbm>>
    %dma_start3A_22 = tpu.memref_slice %arg13[%dma_start3A_20] : memref<5x!tpu.dma_semaphore, #tpu.memory_space<semaphore_mem>> -> memref<1x!tpu.dma_semaphore, #tpu.memory_space<semaphore_mem>>
    %dma_start3A_23 = tpu.memref_squeeze %dma_start3A_22 : memref<1x!tpu.dma_semaphore, #tpu.memory_space<semaphore_mem>> -> memref<!tpu.dma_semaphore, #tpu.memory_space<semaphore_mem>>
    %dma_start3A_24 = tpu.memref_slice %arg2[%add3A_19] : memref<320000xi32, #tpu.memory_space<hbm>> -> memref<80xi32, #tpu.memory_space<hbm>>
    tpu.enqueue_dma source(%dma_start3A_24 : memref<80xi32, #tpu.memory_space<hbm>>) target(%arg8 : memref<80xi32, #tpu.memory_space<vmem>>) target_semaphore(%dma_start3A_23 : memref<!tpu.dma_semaphore, #tpu.memory_space<semaphore_mem>>)
    %scan3A = arith.constant 0 : i32
    %scan3A_25 = arith.constant 25 : i32
    %scan3A_26 = arith.addi %scan3A, %scan3A_25 : i32
    %scan3A_27 = arith.constant 1 : i32
    scf.for %scan3A_59 = %scan3A to %scan3A_26 step %scan3A_27  : i32 {
      %mul3A_60 = arith.constant 5 : i32
      %mul3A_61 = arith.muli %scan3A_59, %mul3A_60 : i32
      %add3A_62 = arith.constant 0 : i32
      %add3A_63 = arith.addi %mul3A_61, %add3A_62 : i32
      %dma_wait3A_64 = arith.constant 0 : i32
      %dma_wait3A_65 = arith.constant 0 : i32
      %dma_wait3A_66 = tpu.memref_slice %arg2[%dma_wait3A_65] : memref<320000xi32, #tpu.memory_space<hbm>> -> memref<80xi32, #tpu.memory_space<hbm>>
      %dma_wait3A_67 = tpu.memref_slice %arg13[%dma_wait3A_64] : memref<5x!tpu.dma_semaphore, #tpu.memory_space<semaphore_mem>> -> memref<1x!tpu.dma_semaphore, #tpu.memory_space<semaphore_mem>>
      %dma_wait3A_68 = tpu.memref_squeeze %dma_wait3A_67 : memref<1x!tpu.dma_semaphore, #tpu.memory_space<semaphore_mem>> -> memref<!tpu.dma_semaphore, #tpu.memory_space<semaphore_mem>>
      %dma_wait3A_69 = arith.constant 0 : i32
      %dma_wait3A_70 = tpu.memref_slice %arg2[%dma_wait3A_69] : memref<320000xi32, #tpu.memory_space<hbm>> -> memref<80xi32, #tpu.memory_space<hbm>>
      tpu.wait_dma2 semaphore(%dma_wait3A_68 : memref<!tpu.dma_semaphore, #tpu.memory_space<semaphore_mem>>) src(%dma_wait3A_70 : memref<80xi32, #tpu.memory_space<hbm>>) dst(%arg6 : memref<80xi32, #tpu.memory_space<vmem>>)
      %dma_start3A_71 = arith.constant 0 : i32
      %dma_start3A_72 = arith.constant 0 : i32
      %dma_start3A_73 = arith.constant 0 : i32
      %dma_start3A_74 = tpu.memref_slice %arg12[%dma_start3A_72, %dma_start3A_73] : memref<10240x128xf32, #tpu.memory_space<vmem_shared>> -> memref<10240x128xf32, #tpu.memory_space<vmem_shared>>
      %dma_start3A_75 = tpu.memref_slice %arg14[%dma_start3A_71] : memref<5x!tpu.dma_semaphore, #tpu.memory_space<semaphore_mem>> -> memref<1x!tpu.dma_semaphore, #tpu.memory_space<semaphore_mem>>
      %dma_start3A_76 = tpu.memref_squeeze %dma_start3A_75 : memref<1x!tpu.dma_semaphore, #tpu.memory_space<semaphore_mem>> -> memref<!tpu.dma_semaphore, #tpu.memory_space<semaphore_mem>>
      tpu.enqueue_indirect_dma source(%arg11 : memref<80x128xf32, #tpu.memory_space<vmem>>) target(%dma_start3A_74 : memref<10240x128xf32, #tpu.memory_space<vmem_shared>>) offsets(%arg6 : memref<80xi32, #tpu.memory_space<vmem>>) semaphore(%dma_start3A_76 : memref<!tpu.dma_semaphore, #tpu.memory_space<semaphore_mem>>) {add = true}
      %add3A_77 = arith.constant 3 : i32
      %add3A_78 = arith.addi %add3A_63, %add3A_77 : i32
      %lt3A = arith.constant 125 : i32
      %lt3A_79 = arith.cmpi slt, %add3A_78, %lt3A : i32
      %convert_element_type3A = arith.extui %lt3A_79 : i1 to i32
      %cond3A = arith.constant 0 : i32
      %cond3A_80 = arith.cmpi ne, %convert_element_type3A, %cond3A : i32
      scf.if %cond3A_80 {
        %ge3A = arith.constant 2 : i32
        %ge3A_177 = arith.cmpi sge, %add3A_63, %ge3A : i32
        %convert_element_type3A_178 = arith.extui %ge3A_177 : i1 to i32
        %cond3A_179 = arith.constant 0 : i32
        %cond3A_180 = arith.cmpi ne, %convert_element_type3A_178, %cond3A_179 : i32
        scf.if %cond3A_180 {
          %dma_wait3A_191 = arith.constant 3 : i32
          %dma_wait3A_192 = arith.constant 0 : i32
          %dma_wait3A_193 = arith.constant 0 : i32
          %dma_wait3A_194 = tpu.memref_slice %arg12[%dma_wait3A_192, %dma_wait3A_193] : memref<10240x128xf32, #tpu.memory_space<vmem_shared>> -> memref<10240x128xf32, #tpu.memory_space<vmem_shared>>
          %dma_wait3A_195 = tpu.memref_slice %arg14[%dma_wait3A_191] : memref<5x!tpu.dma_semaphore, #tpu.memory_space<semaphore_mem>> -> memref<1x!tpu.dma_semaphore, #tpu.memory_space<semaphore_mem>>
          %dma_wait3A_196 = tpu.memref_squeeze %dma_wait3A_195 : memref<1x!tpu.dma_semaphore, #tpu.memory_space<semaphore_mem>> -> memref<!tpu.dma_semaphore, #tpu.memory_space<semaphore_mem>>
          tpu.wait_indirect_dma semaphore(%dma_wait3A_196 : memref<!tpu.dma_semaphore, #tpu.memory_space<semaphore_mem>>) src(%arg11 : memref<80x128xf32, #tpu.memory_space<vmem>>) dst(%dma_wait3A_194 : memref<10240x128xf32, #tpu.memory_space<vmem_shared>>)
        } else {
        }
        %add3A_181 = arith.constant 3 : i32
        %add3A_182 = arith.addi %add3A_63, %add3A_181 : i32
        %mul3A_183 = arith.constant 80 : i32
        %mul3A_184 = arith.muli %add3A_182, %mul3A_183 : i32
        %add3A_185 = arith.addi %mul3A_4, %mul3A_184 : i32
        %dma_start3A_186 = arith.constant 3 : i32
        %dma_start3A_187 = tpu.memref_slice %arg2[%add3A_185] : memref<320000xi32, #tpu.memory_space<hbm>> -> memref<80xi32, #tpu.memory_space<hbm>>
        %dma_start3A_188 = tpu.memref_slice %arg13[%dma_start3A_186] : memref<5x!tpu.dma_semaphore, #tpu.memory_space<semaphore_mem>> -> memref<1x!tpu.dma_semaphore, #tpu.memory_space<semaphore_mem>>
        %dma_start3A_189 = tpu.memref_squeeze %dma_start3A_188 : memref<1x!tpu.dma_semaphore, #tpu.memory_space<semaphore_mem>> -> memref<!tpu.dma_semaphore, #tpu.memory_space<semaphore_mem>>
        %dma_start3A_190 = tpu.memref_slice %arg2[%add3A_185] : memref<320000xi32, #tpu.memory_space<hbm>> -> memref<80xi32, #tpu.memory_space<hbm>>
        tpu.enqueue_dma source(%dma_start3A_190 : memref<80xi32, #tpu.memory_space<hbm>>) target(%arg9 : memref<80xi32, #tpu.memory_space<vmem>>) target_semaphore(%dma_start3A_189 : memref<!tpu.dma_semaphore, #tpu.memory_space<semaphore_mem>>)
      } else {
      }
      %mul3A_81 = arith.constant 5 : i32
      %mul3A_82 = arith.muli %scan3A_59, %mul3A_81 : i32
      %add3A_83 = arith.constant 1 : i32
      %add3A_84 = arith.addi %mul3A_82, %add3A_83 : i32
      %dma_wait3A_85 = arith.constant 1 : i32
      %dma_wait3A_86 = arith.constant 0 : i32
      %dma_wait3A_87 = tpu.memref_slice %arg2[%dma_wait3A_86] : memref<320000xi32, #tpu.memory_space<hbm>> -> memref<80xi32, #tpu.memory_space<hbm>>
      %dma_wait3A_88 = tpu.memref_slice %arg13[%dma_wait3A_85] : memref<5x!tpu.dma_semaphore, #tpu.memory_space<semaphore_mem>> -> memref<1x!tpu.dma_semaphore, #tpu.memory_space<semaphore_mem>>
      %dma_wait3A_89 = tpu.memref_squeeze %dma_wait3A_88 : memref<1x!tpu.dma_semaphore, #tpu.memory_space<semaphore_mem>> -> memref<!tpu.dma_semaphore, #tpu.memory_space<semaphore_mem>>
      %dma_wait3A_90 = arith.constant 0 : i32
      %dma_wait3A_91 = tpu.memref_slice %arg2[%dma_wait3A_90] : memref<320000xi32, #tpu.memory_space<hbm>> -> memref<80xi32, #tpu.memory_space<hbm>>
      tpu.wait_dma2 semaphore(%dma_wait3A_89 : memref<!tpu.dma_semaphore, #tpu.memory_space<semaphore_mem>>) src(%dma_wait3A_91 : memref<80xi32, #tpu.memory_space<hbm>>) dst(%arg7 : memref<80xi32, #tpu.memory_space<vmem>>)
      %dma_start3A_92 = arith.constant 1 : i32
      %dma_start3A_93 = arith.constant 0 : i32
      %dma_start3A_94 = arith.constant 0 : i32
      %dma_start3A_95 = tpu.memref_slice %arg12[%dma_start3A_93, %dma_start3A_94] : memref<10240x128xf32, #tpu.memory_space<vmem_shared>> -> memref<10240x128xf32, #tpu.memory_space<vmem_shared>>
      %dma_start3A_96 = tpu.memref_slice %arg14[%dma_start3A_92] : memref<5x!tpu.dma_semaphore, #tpu.memory_space<semaphore_mem>> -> memref<1x!tpu.dma_semaphore, #tpu.memory_space<semaphore_mem>>
      %dma_start3A_97 = tpu.memref_squeeze %dma_start3A_96 : memref<1x!tpu.dma_semaphore, #tpu.memory_space<semaphore_mem>> -> memref<!tpu.dma_semaphore, #tpu.memory_space<semaphore_mem>>
      tpu.enqueue_indirect_dma source(%arg11 : memref<80x128xf32, #tpu.memory_space<vmem>>) target(%dma_start3A_95 : memref<10240x128xf32, #tpu.memory_space<vmem_shared>>) offsets(%arg7 : memref<80xi32, #tpu.memory_space<vmem>>) semaphore(%dma_start3A_97 : memref<!tpu.dma_semaphore, #tpu.memory_space<semaphore_mem>>) {add = true}
      %add3A_98 = arith.constant 3 : i32
      %add3A_99 = arith.addi %add3A_84, %add3A_98 : i32
      %lt3A_100 = arith.constant 125 : i32
      %lt3A_101 = arith.cmpi slt, %add3A_99, %lt3A_100 : i32
      %convert_element_type3A_102 = arith.extui %lt3A_101 : i1 to i32
      %cond3A_103 = arith.constant 0 : i32
      %cond3A_104 = arith.cmpi ne, %convert_element_type3A_102, %cond3A_103 : i32
      scf.if %cond3A_104 {
        %ge3A = arith.constant 2 : i32
        %ge3A_177 = arith.cmpi sge, %add3A_84, %ge3A : i32
        %convert_element_type3A_178 = arith.extui %ge3A_177 : i1 to i32
        %cond3A_179 = arith.constant 0 : i32
        %cond3A_180 = arith.cmpi ne, %convert_element_type3A_178, %cond3A_179 : i32
        scf.if %cond3A_180 {
          %dma_wait3A_191 = arith.constant 4 : i32
          %dma_wait3A_192 = arith.constant 0 : i32
          %dma_wait3A_193 = arith.constant 0 : i32
          %dma_wait3A_194 = tpu.memref_slice %arg12[%dma_wait3A_192, %dma_wait3A_193] : memref<10240x128xf32, #tpu.memory_space<vmem_shared>> -> memref<10240x128xf32, #tpu.memory_space<vmem_shared>>
          %dma_wait3A_195 = tpu.memref_slice %arg14[%dma_wait3A_191] : memref<5x!tpu.dma_semaphore, #tpu.memory_space<semaphore_mem>> -> memref<1x!tpu.dma_semaphore, #tpu.memory_space<semaphore_mem>>
          %dma_wait3A_196 = tpu.memref_squeeze %dma_wait3A_195 : memref<1x!tpu.dma_semaphore, #tpu.memory_space<semaphore_mem>> -> memref<!tpu.dma_semaphore, #tpu.memory_space<semaphore_mem>>
          tpu.wait_indirect_dma semaphore(%dma_wait3A_196 : memref<!tpu.dma_semaphore, #tpu.memory_space<semaphore_mem>>) src(%arg11 : memref<80x128xf32, #tpu.memory_space<vmem>>) dst(%dma_wait3A_194 : memref<10240x128xf32, #tpu.memory_space<vmem_shared>>)
        } else {
        }
        %add3A_181 = arith.constant 3 : i32
        %add3A_182 = arith.addi %add3A_84, %add3A_181 : i32
        %mul3A_183 = arith.constant 80 : i32
        %mul3A_184 = arith.muli %add3A_182, %mul3A_183 : i32
        %add3A_185 = arith.addi %mul3A_4, %mul3A_184 : i32
        %dma_start3A_186 = arith.constant 4 : i32
        %dma_start3A_187 = tpu.memref_slice %arg2[%add3A_185] : memref<320000xi32, #tpu.memory_space<hbm>> -> memref<80xi32, #tpu.memory_space<hbm>>
        %dma_start3A_188 = tpu.memref_slice %arg13[%dma_start3A_186] : memref<5x!tpu.dma_semaphore, #tpu.memory_space<semaphore_mem>> -> memref<1x!tpu.dma_semaphore, #tpu.memory_space<semaphore_mem>>
        %dma_start3A_189 = tpu.memref_squeeze %dma_start3A_188 : memref<1x!tpu.dma_semaphore, #tpu.memory_space<semaphore_mem>> -> memref<!tpu.dma_semaphore, #tpu.memory_space<semaphore_mem>>
        %dma_start3A_190 = tpu.memref_slice %arg2[%add3A_185] : memref<320000xi32, #tpu.memory_space<hbm>> -> memref<80xi32, #tpu.memory_space<hbm>>
        tpu.enqueue_dma source(%dma_start3A_190 : memref<80xi32, #tpu.memory_space<hbm>>) target(%arg10 : memref<80xi32, #tpu.memory_space<vmem>>) target_semaphore(%dma_start3A_189 : memref<!tpu.dma_semaphore, #tpu.memory_space<semaphore_mem>>)
      } else {
      }
      %mul3A_105 = arith.constant 5 : i32
      %mul3A_106 = arith.muli %scan3A_59, %mul3A_105 : i32
      %add3A_107 = arith.constant 2 : i32
      %add3A_108 = arith.addi %mul3A_106, %add3A_107 : i32
      %dma_wait3A_109 = arith.constant 2 : i32
      %dma_wait3A_110 = arith.constant 0 : i32
      %dma_wait3A_111 = tpu.memref_slice %arg2[%dma_wait3A_110] : memref<320000xi32, #tpu.memory_space<hbm>> -> memref<80xi32, #tpu.memory_space<hbm>>
      %dma_wait3A_112 = tpu.memref_slice %arg13[%dma_wait3A_109] : memref<5x!tpu.dma_semaphore, #tpu.memory_space<semaphore_mem>> -> memref<1x!tpu.dma_semaphore, #tpu.memory_space<semaphore_mem>>
      %dma_wait3A_113 = tpu.memref_squeeze %dma_wait3A_112 : memref<1x!tpu.dma_semaphore, #tpu.memory_space<semaphore_mem>> -> memref<!tpu.dma_semaphore, #tpu.memory_space<semaphore_mem>>
      %dma_wait3A_114 = arith.constant 0 : i32
      %dma_wait3A_115 = tpu.memref_slice %arg2[%dma_wait3A_114] : memref<320000xi32, #tpu.memory_space<hbm>> -> memref<80xi32, #tpu.memory_space<hbm>>
      tpu.wait_dma2 semaphore(%dma_wait3A_113 : memref<!tpu.dma_semaphore, #tpu.memory_space<semaphore_mem>>) src(%dma_wait3A_115 : memref<80xi32, #tpu.memory_space<hbm>>) dst(%arg8 : memref<80xi32, #tpu.memory_space<vmem>>)
      %dma_start3A_116 = arith.constant 2 : i32
      %dma_start3A_117 = arith.constant 0 : i32
      %dma_start3A_118 = arith.constant 0 : i32
      %dma_start3A_119 = tpu.memref_slice %arg12[%dma_start3A_117, %dma_start3A_118] : memref<10240x128xf32, #tpu.memory_space<vmem_shared>> -> memref<10240x128xf32, #tpu.memory_space<vmem_shared>>
      %dma_start3A_120 = tpu.memref_slice %arg14[%dma_start3A_116] : memref<5x!tpu.dma_semaphore, #tpu.memory_space<semaphore_mem>> -> memref<1x!tpu.dma_semaphore, #tpu.memory_space<semaphore_mem>>
      %dma_start3A_121 = tpu.memref_squeeze %dma_start3A_120 : memref<1x!tpu.dma_semaphore, #tpu.memory_space<semaphore_mem>> -> memref<!tpu.dma_semaphore, #tpu.memory_space<semaphore_mem>>
      tpu.enqueue_indirect_dma source(%arg11 : memref<80x128xf32, #tpu.memory_space<vmem>>) target(%dma_start3A_119 : memref<10240x128xf32, #tpu.memory_space<vmem_shared>>) offsets(%arg8 : memref<80xi32, #tpu.memory_space<vmem>>) semaphore(%dma_start3A_121 : memref<!tpu.dma_semaphore, #tpu.memory_space<semaphore_mem>>) {add = true}
      %add3A_122 = arith.constant 3 : i32
      %add3A_123 = arith.addi %add3A_108, %add3A_122 : i32
      %lt3A_124 = arith.constant 125 : i32
      %lt3A_125 = arith.cmpi slt, %add3A_123, %lt3A_124 : i32
      %convert_element_type3A_126 = arith.extui %lt3A_125 : i1 to i32
      %cond3A_127 = arith.constant 0 : i32
      %cond3A_128 = arith.cmpi ne, %convert_element_type3A_126, %cond3A_127 : i32
      scf.if %cond3A_128 {
        %ge3A = arith.constant 2 : i32
        %ge3A_177 = arith.cmpi sge, %add3A_108, %ge3A : i32
        %convert_element_type3A_178 = arith.extui %ge3A_177 : i1 to i32
        %cond3A_179 = arith.constant 0 : i32
        %cond3A_180 = arith.cmpi ne, %convert_element_type3A_178, %cond3A_179 : i32
        scf.if %cond3A_180 {
          %dma_wait3A_191 = arith.constant 0 : i32
          %dma_wait3A_192 = arith.constant 0 : i32
          %dma_wait3A_193 = arith.constant 0 : i32
          %dma_wait3A_194 = tpu.memref_slice %arg12[%dma_wait3A_192, %dma_wait3A_193] : memref<10240x128xf32, #tpu.memory_space<vmem_shared>> -> memref<10240x128xf32, #tpu.memory_space<vmem_shared>>
          %dma_wait3A_195 = tpu.memref_slice %arg14[%dma_wait3A_191] : memref<5x!tpu.dma_semaphore, #tpu.memory_space<semaphore_mem>> -> memref<1x!tpu.dma_semaphore, #tpu.memory_space<semaphore_mem>>
          %dma_wait3A_196 = tpu.memref_squeeze %dma_wait3A_195 : memref<1x!tpu.dma_semaphore, #tpu.memory_space<semaphore_mem>> -> memref<!tpu.dma_semaphore, #tpu.memory_space<semaphore_mem>>
          tpu.wait_indirect_dma semaphore(%dma_wait3A_196 : memref<!tpu.dma_semaphore, #tpu.memory_space<semaphore_mem>>) src(%arg11 : memref<80x128xf32, #tpu.memory_space<vmem>>) dst(%dma_wait3A_194 : memref<10240x128xf32, #tpu.memory_space<vmem_shared>>)
        } else {
        }
        %add3A_181 = arith.constant 3 : i32
        %add3A_182 = arith.addi %add3A_108, %add3A_181 : i32
        %mul3A_183 = arith.constant 80 : i32
        %mul3A_184 = arith.muli %add3A_182, %mul3A_183 : i32
        %add3A_185 = arith.addi %mul3A_4, %mul3A_184 : i32
        %dma_start3A_186 = arith.constant 0 : i32
        %dma_start3A_187 = tpu.memref_slice %arg2[%add3A_185] : memref<320000xi32, #tpu.memory_space<hbm>> -> memref<80xi32, #tpu.memory_space<hbm>>
        %dma_start3A_188 = tpu.memref_slice %arg13[%dma_start3A_186] : memref<5x!tpu.dma_semaphore, #tpu.memory_space<semaphore_mem>> -> memref<1x!tpu.dma_semaphore, #tpu.memory_space<semaphore_mem>>
        %dma_start3A_189 = tpu.memref_squeeze %dma_start3A_188 : memref<1x!tpu.dma_semaphore, #tpu.memory_space<semaphore_mem>> -> memref<!tpu.dma_semaphore, #tpu.memory_space<semaphore_mem>>
        %dma_start3A_190 = tpu.memref_slice %arg2[%add3A_185] : memref<320000xi32, #tpu.memory_space<hbm>> -> memref<80xi32, #tpu.memory_space<hbm>>
        tpu.enqueue_dma source(%dma_start3A_190 : memref<80xi32, #tpu.memory_space<hbm>>) target(%arg6 : memref<80xi32, #tpu.memory_space<vmem>>) target_semaphore(%dma_start3A_189 : memref<!tpu.dma_semaphore, #tpu.memory_space<semaphore_mem>>)
      } else {
      }
      %mul3A_129 = arith.constant 5 : i32
      %mul3A_130 = arith.muli %scan3A_59, %mul3A_129 : i32
      %add3A_131 = arith.constant 3 : i32
      %add3A_132 = arith.addi %mul3A_130, %add3A_131 : i32
      %dma_wait3A_133 = arith.constant 3 : i32
      %dma_wait3A_134 = arith.constant 0 : i32
      %dma_wait3A_135 = tpu.memref_slice %arg2[%dma_wait3A_134] : memref<320000xi32, #tpu.memory_space<hbm>> -> memref<80xi32, #tpu.memory_space<hbm>>
      %dma_wait3A_136 = tpu.memref_slice %arg13[%dma_wait3A_133] : memref<5x!tpu.dma_semaphore, #tpu.memory_space<semaphore_mem>> -> memref<1x!tpu.dma_semaphore, #tpu.memory_space<semaphore_mem>>
      %dma_wait3A_137 = tpu.memref_squeeze %dma_wait3A_136 : memref<1x!tpu.dma_semaphore, #tpu.memory_space<semaphore_mem>> -> memref<!tpu.dma_semaphore, #tpu.memory_space<semaphore_mem>>
      %dma_wait3A_138 = arith.constant 0 : i32
      %dma_wait3A_139 = tpu.memref_slice %arg2[%dma_wait3A_138] : memref<320000xi32, #tpu.memory_space<hbm>> -> memref<80xi32, #tpu.memory_space<hbm>>
      tpu.wait_dma2 semaphore(%dma_wait3A_137 : memref<!tpu.dma_semaphore, #tpu.memory_space<semaphore_mem>>) src(%dma_wait3A_139 : memref<80xi32, #tpu.memory_space<hbm>>) dst(%arg9 : memref<80xi32, #tpu.memory_space<vmem>>)
      %dma_start3A_140 = arith.constant 3 : i32
      %dma_start3A_141 = arith.constant 0 : i32
      %dma_start3A_142 = arith.constant 0 : i32
      %dma_start3A_143 = tpu.memref_slice %arg12[%dma_start3A_141, %dma_start3A_142] : memref<10240x128xf32, #tpu.memory_space<vmem_shared>> -> memref<10240x128xf32, #tpu.memory_space<vmem_shared>>
      %dma_start3A_144 = tpu.memref_slice %arg14[%dma_start3A_140] : memref<5x!tpu.dma_semaphore, #tpu.memory_space<semaphore_mem>> -> memref<1x!tpu.dma_semaphore, #tpu.memory_space<semaphore_mem>>
      %dma_start3A_145 = tpu.memref_squeeze %dma_start3A_144 : memref<1x!tpu.dma_semaphore, #tpu.memory_space<semaphore_mem>> -> memref<!tpu.dma_semaphore, #tpu.memory_space<semaphore_mem>>
      tpu.enqueue_indirect_dma source(%arg11 : memref<80x128xf32, #tpu.memory_space<vmem>>) target(%dma_start3A_143 : memref<10240x128xf32, #tpu.memory_space<vmem_shared>>) offsets(%arg9 : memref<80xi32, #tpu.memory_space<vmem>>) semaphore(%dma_start3A_145 : memref<!tpu.dma_semaphore, #tpu.memory_space<semaphore_mem>>) {add = true}
      %add3A_146 = arith.constant 3 : i32
      %add3A_147 = arith.addi %add3A_132, %add3A_146 : i32
      %lt3A_148 = arith.constant 125 : i32
      %lt3A_149 = arith.cmpi slt, %add3A_147, %lt3A_148 : i32
      %convert_element_type3A_150 = arith.extui %lt3A_149 : i1 to i32
      %cond3A_151 = arith.constant 0 : i32
      %cond3A_152 = arith.cmpi ne, %convert_element_type3A_150, %cond3A_151 : i32
      scf.if %cond3A_152 {
        %ge3A = arith.constant 2 : i32
        %ge3A_177 = arith.cmpi sge, %add3A_132, %ge3A : i32
        %convert_element_type3A_178 = arith.extui %ge3A_177 : i1 to i32
        %cond3A_179 = arith.constant 0 : i32
        %cond3A_180 = arith.cmpi ne, %convert_element_type3A_178, %cond3A_179 : i32
        scf.if %cond3A_180 {
          %dma_wait3A_191 = arith.constant 1 : i32
          %dma_wait3A_192 = arith.constant 0 : i32
          %dma_wait3A_193 = arith.constant 0 : i32
          %dma_wait3A_194 = tpu.memref_slice %arg12[%dma_wait3A_192, %dma_wait3A_193] : memref<10240x128xf32, #tpu.memory_space<vmem_shared>> -> memref<10240x128xf32, #tpu.memory_space<vmem_shared>>
          %dma_wait3A_195 = tpu.memref_slice %arg14[%dma_wait3A_191] : memref<5x!tpu.dma_semaphore, #tpu.memory_space<semaphore_mem>> -> memref<1x!tpu.dma_semaphore, #tpu.memory_space<semaphore_mem>>
          %dma_wait3A_196 = tpu.memref_squeeze %dma_wait3A_195 : memref<1x!tpu.dma_semaphore, #tpu.memory_space<semaphore_mem>> -> memref<!tpu.dma_semaphore, #tpu.memory_space<semaphore_mem>>
          tpu.wait_indirect_dma semaphore(%dma_wait3A_196 : memref<!tpu.dma_semaphore, #tpu.memory_space<semaphore_mem>>) src(%arg11 : memref<80x128xf32, #tpu.memory_space<vmem>>) dst(%dma_wait3A_194 : memref<10240x128xf32, #tpu.memory_space<vmem_shared>>)
        } else {
        }
        %add3A_181 = arith.constant 3 : i32
        %add3A_182 = arith.addi %add3A_132, %add3A_181 : i32
        %mul3A_183 = arith.constant 80 : i32
        %mul3A_184 = arith.muli %add3A_182, %mul3A_183 : i32
        %add3A_185 = arith.addi %mul3A_4, %mul3A_184 : i32
        %dma_start3A_186 = arith.constant 1 : i32
        %dma_start3A_187 = tpu.memref_slice %arg2[%add3A_185] : memref<320000xi32, #tpu.memory_space<hbm>> -> memref<80xi32, #tpu.memory_space<hbm>>
        %dma_start3A_188 = tpu.memref_slice %arg13[%dma_start3A_186] : memref<5x!tpu.dma_semaphore, #tpu.memory_space<semaphore_mem>> -> memref<1x!tpu.dma_semaphore, #tpu.memory_space<semaphore_mem>>
        %dma_start3A_189 = tpu.memref_squeeze %dma_start3A_188 : memref<1x!tpu.dma_semaphore, #tpu.memory_space<semaphore_mem>> -> memref<!tpu.dma_semaphore, #tpu.memory_space<semaphore_mem>>
        %dma_start3A_190 = tpu.memref_slice %arg2[%add3A_185] : memref<320000xi32, #tpu.memory_space<hbm>> -> memref<80xi32, #tpu.memory_space<hbm>>
        tpu.enqueue_dma source(%dma_start3A_190 : memref<80xi32, #tpu.memory_space<hbm>>) target(%arg7 : memref<80xi32, #tpu.memory_space<vmem>>) target_semaphore(%dma_start3A_189 : memref<!tpu.dma_semaphore, #tpu.memory_space<semaphore_mem>>)
      } else {
      }
      %mul3A_153 = arith.constant 5 : i32
      %mul3A_154 = arith.muli %scan3A_59, %mul3A_153 : i32
      %add3A_155 = arith.constant 4 : i32
      %add3A_156 = arith.addi %mul3A_154, %add3A_155 : i32
      %dma_wait3A_157 = arith.constant 4 : i32
      %dma_wait3A_158 = arith.constant 0 : i32
      %dma_wait3A_159 = tpu.memref_slice %arg2[%dma_wait3A_158] : memref<320000xi32, #tpu.memory_space<hbm>> -> memref<80xi32, #tpu.memory_space<hbm>>
      %dma_wait3A_160 = tpu.memref_slice %arg13[%dma_wait3A_157] : memref<5x!tpu.dma_semaphore, #tpu.memory_space<semaphore_mem>> -> memref<1x!tpu.dma_semaphore, #tpu.memory_space<semaphore_mem>>
      %dma_wait3A_161 = tpu.memref_squeeze %dma_wait3A_160 : memref<1x!tpu.dma_semaphore, #tpu.memory_space<semaphore_mem>> -> memref<!tpu.dma_semaphore, #tpu.memory_space<semaphore_mem>>
      %dma_wait3A_162 = arith.constant 0 : i32
      %dma_wait3A_163 = tpu.memref_slice %arg2[%dma_wait3A_162] : memref<320000xi32, #tpu.memory_space<hbm>> -> memref<80xi32, #tpu.memory_space<hbm>>
      tpu.wait_dma2 semaphore(%dma_wait3A_161 : memref<!tpu.dma_semaphore, #tpu.memory_space<semaphore_mem>>) src(%dma_wait3A_163 : memref<80xi32, #tpu.memory_space<hbm>>) dst(%arg10 : memref<80xi32, #tpu.memory_space<vmem>>)
      %dma_start3A_164 = arith.constant 4 : i32
      %dma_start3A_165 = arith.constant 0 : i32
      %dma_start3A_166 = arith.constant 0 : i32
      %dma_start3A_167 = tpu.memref_slice %arg12[%dma_start3A_165, %dma_start3A_166] : memref<10240x128xf32, #tpu.memory_space<vmem_shared>> -> memref<10240x128xf32, #tpu.memory_space<vmem_shared>>
      %dma_start3A_168 = tpu.memref_slice %arg14[%dma_start3A_164] : memref<5x!tpu.dma_semaphore, #tpu.memory_space<semaphore_mem>> -> memref<1x!tpu.dma_semaphore, #tpu.memory_space<semaphore_mem>>
      %dma_start3A_169 = tpu.memref_squeeze %dma_start3A_168 : memref<1x!tpu.dma_semaphore, #tpu.memory_space<semaphore_mem>> -> memref<!tpu.dma_semaphore, #tpu.memory_space<semaphore_mem>>
      tpu.enqueue_indirect_dma source(%arg11 : memref<80x128xf32, #tpu.memory_space<vmem>>) target(%dma_start3A_167 : memref<10240x128xf32, #tpu.memory_space<vmem_shared>>) offsets(%arg10 : memref<80xi32, #tpu.memory_space<vmem>>) semaphore(%dma_start3A_169 : memref<!tpu.dma_semaphore, #tpu.memory_space<semaphore_mem>>) {add = true}
      %add3A_170 = arith.constant 3 : i32
      %add3A_171 = arith.addi %add3A_156, %add3A_170 : i32
      %lt3A_172 = arith.constant 125 : i32
      %lt3A_173 = arith.cmpi slt, %add3A_171, %lt3A_172 : i32
      %convert_element_type3A_174 = arith.extui %lt3A_173 : i1 to i32
      %cond3A_175 = arith.constant 0 : i32
      %cond3A_176 = arith.cmpi ne, %convert_element_type3A_174, %cond3A_175 : i32
      scf.if %cond3A_176 {
        %ge3A = arith.constant 2 : i32
        %ge3A_177 = arith.cmpi sge, %add3A_156, %ge3A : i32
        %convert_element_type3A_178 = arith.extui %ge3A_177 : i1 to i32
        %cond3A_179 = arith.constant 0 : i32
        %cond3A_180 = arith.cmpi ne, %convert_element_type3A_178, %cond3A_179 : i32
        scf.if %cond3A_180 {
          %dma_wait3A_191 = arith.constant 2 : i32
          %dma_wait3A_192 = arith.constant 0 : i32
          %dma_wait3A_193 = arith.constant 0 : i32
          %dma_wait3A_194 = tpu.memref_slice %arg12[%dma_wait3A_192, %dma_wait3A_193] : memref<10240x128xf32, #tpu.memory_space<vmem_shared>> -> memref<10240x128xf32, #tpu.memory_space<vmem_shared>>
          %dma_wait3A_195 = tpu.memref_slice %arg14[%dma_wait3A_191] : memref<5x!tpu.dma_semaphore, #tpu.memory_space<semaphore_mem>> -> memref<1x!tpu.dma_semaphore, #tpu.memory_space<semaphore_mem>>
          %dma_wait3A_196 = tpu.memref_squeeze %dma_wait3A_195 : memref<1x!tpu.dma_semaphore, #tpu.memory_space<semaphore_mem>> -> memref<!tpu.dma_semaphore, #tpu.memory_space<semaphore_mem>>
          tpu.wait_indirect_dma semaphore(%dma_wait3A_196 : memref<!tpu.dma_semaphore, #tpu.memory_space<semaphore_mem>>) src(%arg11 : memref<80x128xf32, #tpu.memory_space<vmem>>) dst(%dma_wait3A_194 : memref<10240x128xf32, #tpu.memory_space<vmem_shared>>)
        } else {
        }
        %add3A_181 = arith.constant 3 : i32
        %add3A_182 = arith.addi %add3A_156, %add3A_181 : i32
        %mul3A_183 = arith.constant 80 : i32
        %mul3A_184 = arith.muli %add3A_182, %mul3A_183 : i32
        %add3A_185 = arith.addi %mul3A_4, %mul3A_184 : i32
        %dma_start3A_186 = arith.constant 2 : i32
        %dma_start3A_187 = tpu.memref_slice %arg2[%add3A_185] : memref<320000xi32, #tpu.memory_space<hbm>> -> memref<80xi32, #tpu.memory_space<hbm>>
        %dma_start3A_188 = tpu.memref_slice %arg13[%dma_start3A_186] : memref<5x!tpu.dma_semaphore, #tpu.memory_space<semaphore_mem>> -> memref<1x!tpu.dma_semaphore, #tpu.memory_space<semaphore_mem>>
        %dma_start3A_189 = tpu.memref_squeeze %dma_start3A_188 : memref<1x!tpu.dma_semaphore, #tpu.memory_space<semaphore_mem>> -> memref<!tpu.dma_semaphore, #tpu.memory_space<semaphore_mem>>
        %dma_start3A_190 = tpu.memref_slice %arg2[%add3A_185] : memref<320000xi32, #tpu.memory_space<hbm>> -> memref<80xi32, #tpu.memory_space<hbm>>
        tpu.enqueue_dma source(%dma_start3A_190 : memref<80xi32, #tpu.memory_space<hbm>>) target(%arg8 : memref<80xi32, #tpu.memory_space<vmem>>) target_semaphore(%dma_start3A_189 : memref<!tpu.dma_semaphore, #tpu.memory_space<semaphore_mem>>)
      } else {
      }
    }
    %scan3A_28 = arith.constant 25 : i32
    %dma_wait3A = arith.constant 0 : i32
    %dma_wait3A_29 = arith.constant 0 : i32
    %dma_wait3A_30 = arith.constant 0 : i32
    %dma_wait3A_31 = tpu.memref_slice %arg12[%dma_wait3A_29, %dma_wait3A_30] : memref<10240x128xf32, #tpu.memory_space<vmem_shared>> -> memref<10240x128xf32, #tpu.memory_space<vmem_shared>>
    %dma_wait3A_32 = tpu.memref_slice %arg14[%dma_wait3A] : memref<5x!tpu.dma_semaphore, #tpu.memory_space<semaphore_mem>> -> memref<1x!tpu.dma_semaphore, #tpu.memory_space<semaphore_mem>>
    %dma_wait3A_33 = tpu.memref_squeeze %dma_wait3A_32 : memref<1x!tpu.dma_semaphore, #tpu.memory_space<semaphore_mem>> -> memref<!tpu.dma_semaphore, #tpu.memory_space<semaphore_mem>>
    tpu.wait_indirect_dma semaphore(%dma_wait3A_33 : memref<!tpu.dma_semaphore, #tpu.memory_space<semaphore_mem>>) src(%arg11 : memref<80x128xf32, #tpu.memory_space<vmem>>) dst(%dma_wait3A_31 : memref<10240x128xf32, #tpu.memory_space<vmem_shared>>)
    %dma_wait3A_34 = arith.constant 1 : i32
    %dma_wait3A_35 = arith.constant 0 : i32
    %dma_wait3A_36 = arith.constant 0 : i32
    %dma_wait3A_37 = tpu.memref_slice %arg12[%dma_wait3A_35, %dma_wait3A_36] : memref<10240x128xf32, #tpu.memory_space<vmem_shared>> -> memref<10240x128xf32, #tpu.memory_space<vmem_shared>>
    %dma_wait3A_38 = tpu.memref_slice %arg14[%dma_wait3A_34] : memref<5x!tpu.dma_semaphore, #tpu.memory_space<semaphore_mem>> -> memref<1x!tpu.dma_semaphore, #tpu.memory_space<semaphore_mem>>
    %dma_wait3A_39 = tpu.memref_squeeze %dma_wait3A_38 : memref<1x!tpu.dma_semaphore, #tpu.memory_space<semaphore_mem>> -> memref<!tpu.dma_semaphore, #tpu.memory_space<semaphore_mem>>
    tpu.wait_indirect_dma semaphore(%dma_wait3A_39 : memref<!tpu.dma_semaphore, #tpu.memory_space<semaphore_mem>>) src(%arg11 : memref<80x128xf32, #tpu.memory_space<vmem>>) dst(%dma_wait3A_37 : memref<10240x128xf32, #tpu.memory_space<vmem_shared>>)
    %dma_wait3A_40 = arith.constant 2 : i32
    %dma_wait3A_41 = arith.constant 0 : i32
    %dma_wait3A_42 = arith.constant 0 : i32
    %dma_wait3A_43 = tpu.memref_slice %arg12[%dma_wait3A_41, %dma_wait3A_42] : memref<10240x128xf32, #tpu.memory_space<vmem_shared>> -> memref<10240x128xf32, #tpu.memory_space<vmem_shared>>
    %dma_wait3A_44 = tpu.memref_slice %arg14[%dma_wait3A_40] : memref<5x!tpu.dma_semaphore, #tpu.memory_space<semaphore_mem>> -> memref<1x!tpu.dma_semaphore, #tpu.memory_space<semaphore_mem>>
    %dma_wait3A_45 = tpu.memref_squeeze %dma_wait3A_44 : memref<1x!tpu.dma_semaphore, #tpu.memory_space<semaphore_mem>> -> memref<!tpu.dma_semaphore, #tpu.memory_space<semaphore_mem>>
    tpu.wait_indirect_dma semaphore(%dma_wait3A_45 : memref<!tpu.dma_semaphore, #tpu.memory_space<semaphore_mem>>) src(%arg11 : memref<80x128xf32, #tpu.memory_space<vmem>>) dst(%dma_wait3A_43 : memref<10240x128xf32, #tpu.memory_space<vmem_shared>>)
    %dma_wait3A_46 = arith.constant 3 : i32
    %dma_wait3A_47 = arith.constant 0 : i32
    %dma_wait3A_48 = arith.constant 0 : i32
    %dma_wait3A_49 = tpu.memref_slice %arg12[%dma_wait3A_47, %dma_wait3A_48] : memref<10240x128xf32, #tpu.memory_space<vmem_shared>> -> memref<10240x128xf32, #tpu.memory_space<vmem_shared>>
    %dma_wait3A_50 = tpu.memref_slice %arg14[%dma_wait3A_46] : memref<5x!tpu.dma_semaphore, #tpu.memory_space<semaphore_mem>> -> memref<1x!tpu.dma_semaphore, #tpu.memory_space<semaphore_mem>>
    %dma_wait3A_51 = tpu.memref_squeeze %dma_wait3A_50 : memref<1x!tpu.dma_semaphore, #tpu.memory_space<semaphore_mem>> -> memref<!tpu.dma_semaphore, #tpu.memory_space<semaphore_mem>>
    tpu.wait_indirect_dma semaphore(%dma_wait3A_51 : memref<!tpu.dma_semaphore, #tpu.memory_space<semaphore_mem>>) src(%arg11 : memref<80x128xf32, #tpu.memory_space<vmem>>) dst(%dma_wait3A_49 : memref<10240x128xf32, #tpu.memory_space<vmem_shared>>)
    %dma_wait3A_52 = arith.constant 4 : i32
    %dma_wait3A_53 = arith.constant 0 : i32
    %dma_wait3A_54 = arith.constant 0 : i32
    %dma_wait3A_55 = tpu.memref_slice %arg12[%dma_wait3A_53, %dma_wait3A_54] : memref<10240x128xf32, #tpu.memory_space<vmem_shared>> -> memref<10240x128xf32, #tpu.memory_space<vmem_shared>>
    %dma_wait3A_56 = tpu.memref_slice %arg14[%dma_wait3A_52] : memref<5x!tpu.dma_semaphore, #tpu.memory_space<semaphore_mem>> -> memref<1x!tpu.dma_semaphore, #tpu.memory_space<semaphore_mem>>
    %dma_wait3A_57 = tpu.memref_squeeze %dma_wait3A_56 : memref<1x!tpu.dma_semaphore, #tpu.memory_space<semaphore_mem>> -> memref<!tpu.dma_semaphore, #tpu.memory_space<semaphore_mem>>
    tpu.wait_indirect_dma semaphore(%dma_wait3A_57 : memref<!tpu.dma_semaphore, #tpu.memory_space<semaphore_mem>>) src(%arg11 : memref<80x128xf32, #tpu.memory_space<vmem>>) dst(%dma_wait3A_55 : memref<10240x128xf32, #tpu.memory_space<vmem_shared>>)
    %barrier3A_58 = arith.constant 0 : index
    tpu.barrier barrier_id(%barrier3A_58)
    "tpu.region"() ({
      %run_scoped3A = tpu.sem_alloc : memref<!tpu.dma_semaphore, #tpu.memory_space<semaphore_mem>>
      %dma_start3A_59 = arith.constant 0 : i32
      %dma_start3A_60 = tpu.memref_slice %arg5[%arg0, %mul3A_2, %dma_start3A_59] : memref<2x10240x128xf32, #tpu.memory_space<hbm>> -> memref<1x640x128xf32, #tpu.memory_space<hbm>>
      %dma_start3A_61 = tpu.memref_squeeze %dma_start3A_60 : memref<1x640x128xf32, #tpu.memory_space<hbm>> -> memref<640x128xf32, #tpu.memory_space<hbm>>
      %dma_start3A_62 = arith.constant 0 : i32
      %dma_start3A_63 = tpu.memref_slice %arg12[%mul3A_2, %dma_start3A_62] : memref<10240x128xf32, #tpu.memory_space<vmem_shared>> -> memref<640x128xf32, #tpu.memory_space<vmem_shared>>
      tpu.enqueue_dma source(%dma_start3A_63 : memref<640x128xf32, #tpu.memory_space<vmem_shared>>) target(%dma_start3A_61 : memref<640x128xf32, #tpu.memory_space<hbm>>) target_semaphore(%run_scoped3A : memref<!tpu.dma_semaphore, #tpu.memory_space<semaphore_mem>>)
      %dma_wait3A_64 = arith.constant 0 : i32
      %dma_wait3A_65 = tpu.memref_slice %arg5[%arg0, %mul3A_2, %dma_wait3A_64] : memref<2x10240x128xf32, #tpu.memory_space<hbm>> -> memref<1x640x128xf32, #tpu.memory_space<hbm>>
      %dma_wait3A_66 = tpu.memref_squeeze %dma_wait3A_65 : memref<1x640x128xf32, #tpu.memory_space<hbm>> -> memref<640x128xf32, #tpu.memory_space<hbm>>
      %dma_wait3A_67 = arith.constant 0 : i32
      %dma_wait3A_68 = tpu.memref_slice %arg12[%mul3A_2, %dma_wait3A_67] : memref<10240x128xf32, #tpu.memory_space<vmem_shared>> -> memref<640x128xf32, #tpu.memory_space<vmem_shared>>
      tpu.wait_dma2 semaphore(%run_scoped3A : memref<!tpu.dma_semaphore, #tpu.memory_space<semaphore_mem>>) src(%dma_wait3A_68 : memref<640x128xf32, #tpu.memory_space<vmem_shared>>) dst(%dma_wait3A_66 : memref<640x128xf32, #tpu.memory_space<hbm>>)
      tpu.yield
    }) : () -> ()
    return
  }
}

module attributes {stable_mosaic.version = 14 : i64} {
  func.func @body(%arg0: i32, %arg1: memref<1024x128xf32, #tpu.memory_space<vmem>>, %arg2: memref<128x128xf32, #tpu.memory_space<vmem>>, %arg3: memref<1024x128xf32, #tpu.memory_space<vmem>>) attributes {dimension_semantics = [#tpu.dimension_semantics<arbitrary>], iteration_bounds = array<i64: 10>, scalar_prefetch = 0 : i64, scratch_operands = 0 : i64, tpu.core_type = #tpu.core_type<tc>, window_params = [{transform_indices = @transform_0, window_bounds = array<i64: 1024, 128>}, {pipeline_mode = #tpu.pipeline_mode<synchronous>, transform_indices = @transform_1, window_bounds = array<i64: 128, 128>}, {transform_indices = @transform_2, window_bounds = array<i64: 1024, 128>}]} {
    %get3A = arith.constant 0 : index
    %get3A_0 = arith.constant 0 : index
    %get3A_1 = vector.load %arg1[%get3A, %get3A_0] : memref<1024x128xf32, #tpu.memory_space<vmem>>, vector<1024x128xf32>
    %get3A_2 = arith.constant 0 : index
    %get3A_3 = arith.constant 0 : index
    %get3A_4 = vector.load %arg2[%get3A_2, %get3A_3] : memref<128x128xf32, #tpu.memory_space<vmem>>, vector<128x128xf32>
    %dot_general3A = arith.constant dense<0.000000e+00> : vector<1024x128xf32>
    %dot_general3A_5 = tpu.matmul %get3A_1, %get3A_4, %dot_general3A {dimension_numbers = #tpu.dot_dimension_numbers<[1], [0], [0], [1], [0, 0, 1, 1], [], []>, precision = #tpu.contract_precision<fp32>, transpose_lhs_hint = false} : vector<1024x128xf32>, vector<128x128xf32>, vector<1024x128xf32> -> vector<1024x128xf32>
    %swap3A = arith.constant 0 : index
    %swap3A_6 = arith.constant 0 : index
    %swap3A_7 = vector.load %arg3[%swap3A, %swap3A_6] : memref<1024x128xf32, #tpu.memory_space<vmem>>, vector<1024x128xf32>
    tpu.vector_store %arg3[%swap3A, %swap3A_6], %dot_general3A_5 {strides = array<i32>} : memref<1024x128xf32, #tpu.memory_space<vmem>>, vector<1024x128xf32>,
    return
  }
  func.func @transform_0(%arg0: i32) -> (i32, i32) {
    %c0_i32 = arith.constant 0 : i32
    %c0_i32_0 = arith.constant 0 : i32
    return %arg0, %c0_i32 : i32, i32
  }
  func.func @transform_1(%arg0: i32) -> (i32, i32) {
    %c0_i32 = arith.constant 0 : i32
    %c0_i32_0 = arith.constant 0 : i32
    %c0_i32_1 = arith.constant 0 : i32
    return %c0_i32, %c0_i32_0 : i32, i32
  }
  func.func @transform_2(%arg0: i32) -> (i32, i32) {
    %c0_i32 = arith.constant 0 : i32
    %c0_i32_0 = arith.constant 0 : i32
    return %arg0, %c0_i32 : i32, i32
  }
}

module attributes {stable_mosaic.version = 14 : i64} {
  func.func @body(%arg0: i32, %arg1: memref<2x1024x128xf32, #tpu.memory_space<vmem>>, %arg2: memref<1024x128xf32, #tpu.memory_space<vmem>>, %arg3: memref<1024x128xf32, #tpu.memory_space<vmem>>) attributes {dimension_semantics = [#tpu.dimension_semantics<arbitrary>], iteration_bounds = array<i64: 10>, scalar_prefetch = 0 : i64, scratch_operands = 0 : i64, tpu.core_type = #tpu.core_type<tc>, window_params = [{transform_indices = @transform_0, window_bounds = array<i64: 2, 1024, 128>}, {transform_indices = @transform_1, window_bounds = array<i64: 1024, 128>}, {transform_indices = @transform_2, window_bounds = array<i64: 1024, 128>}]} {
    %get3A = arith.constant 0 : index
    %get3A_0 = arith.constant 0 : index
    %get3A_1 = arith.constant 0 : index
    %get3A_2 = vector.load %arg1[%get3A, %get3A_0, %get3A_1] : memref<2x1024x128xf32, #tpu.memory_space<vmem>>, vector<1x1024x128xf32>
    %get3A_3 = vector.shape_cast %get3A_2 : vector<1x1024x128xf32> to vector<1024x128xf32>
    %slice3A = vector.extract_strided_slice %get3A_3 {offsets = [0, 0], sizes = [1024, 1], strides = [1, 1]} : vector<1024x128xf32> to vector<1024x1xf32>
    %get3A_4 = arith.constant 1 : index
    %get3A_5 = arith.constant 0 : index
    %get3A_6 = arith.constant 0 : index
    %get3A_7 = vector.load %arg1[%get3A_4, %get3A_5, %get3A_6] : memref<2x1024x128xf32, #tpu.memory_space<vmem>>, vector<1x1024x128xf32>
    %get3A_8 = vector.shape_cast %get3A_7 : vector<1x1024x128xf32> to vector<1024x128xf32>
    %slice3A_9 = vector.extract_strided_slice %get3A_8 {offsets = [0, 0], sizes = [1024, 1], strides = [1, 1]} : vector<1024x128xf32> to vector<1024x1xf32>
    %add3A = arith.addf %slice3A, %slice3A_9 : vector<1024x1xf32>
    %add3A_10 = arith.constant 1.000000e+00 : f32
    %add3A_11 = vector.broadcast %add3A_10 : f32 to vector<1024x1xf32>
    %add3A_12 = arith.addf %add3A, %add3A_11 : vector<1024x1xf32>
    %get3A_13 = arith.constant 0 : index
    %get3A_14 = arith.constant 0 : index
    %get3A_15 = vector.load %arg2[%get3A_13, %get3A_14] : memref<1024x128xf32, #tpu.memory_space<vmem>>, vector<1024x128xf32>
    %rsqrt3A = math.rsqrt %add3A_12 : vector<1024x1xf32>
    %mul3A = vector.broadcast %rsqrt3A : vector<1024x1xf32> to vector<1024x128xf32>
    %mul3A_16 = arith.mulf %get3A_15, %mul3A : vector<1024x128xf32>
    %swap3A = arith.constant 0 : index
    %swap3A_17 = arith.constant 0 : index
    %swap3A_18 = vector.load %arg3[%swap3A, %swap3A_17] : memref<1024x128xf32, #tpu.memory_space<vmem>>, vector<1024x128xf32>
    tpu.vector_store %arg3[%swap3A, %swap3A_17], %mul3A_16 {strides = array<i32>} : memref<1024x128xf32, #tpu.memory_space<vmem>>, vector<1024x128xf32>,
    return
  }
  func.func @transform_0(%arg0: i32) -> (i32, i32, i32) {
    %c0_i32 = arith.constant 0 : i32
    %c0_i32_0 = arith.constant 0 : i32
    %c0_i32_1 = arith.constant 0 : i32
    return %c0_i32, %arg0, %c0_i32_0 : i32, i32, i32
  }
  func.func @transform_1(%arg0: i32) -> (i32, i32) {
    %c0_i32 = arith.constant 0 : i32
    %c0_i32_0 = arith.constant 0 : i32
    return %arg0, %c0_i32 : i32, i32
  }
  func.func @transform_2(%arg0: i32) -> (i32, i32) {
    %c0_i32 = arith.constant 0 : i32
    %c0_i32_0 = arith.constant 0 : i32
    return %arg0, %c0_i32 : i32, i32
  }
}

module attributes {stable_mosaic.version = 14 : i64} {
  func.func @body(%arg0: i32, %arg1: memref<2x1024x128xf32, #tpu.memory_space<vmem>>, %arg2: memref<2x1024x128xf32, #tpu.memory_space<vmem>>, %arg3: memref<128x128xf32, #tpu.memory_space<vmem>>, %arg4: memref<1x128xf32, #tpu.memory_space<vmem>>, %arg5: memref<1x128xf32, #tpu.memory_space<vmem>>, %arg6: memref<1x128xf32, #tpu.memory_space<vmem>>, %arg7: memref<1024x128xf32, #tpu.memory_space<vmem>>, %arg8: memref<1024x128xf32, #tpu.memory_space<vmem>>) attributes {dimension_semantics = [#tpu.dimension_semantics<arbitrary>], iteration_bounds = array<i64: 10>, scalar_prefetch = 0 : i64, scratch_operands = 0 : i64, tpu.core_type = #tpu.core_type<tc>, window_params = [{transform_indices = @transform_0, window_bounds = array<i64: 2, 1024, 128>}, {transform_indices = @transform_1, window_bounds = array<i64: 2, 1024, 128>}, {pipeline_mode = #tpu.pipeline_mode<synchronous>, transform_indices = @transform_2, window_bounds = array<i64: 128, 128>}, {pipeline_mode = #tpu.pipeline_mode<synchronous>, transform_indices = @transform_3, window_bounds = array<i64: 1, 128>}, {pipeline_mode = #tpu.pipeline_mode<synchronous>, transform_indices = @transform_4, window_bounds = array<i64: 1, 128>}, {pipeline_mode = #tpu.pipeline_mode<synchronous>, transform_indices = @transform_5, window_bounds = array<i64: 1, 128>}, {transform_indices = @transform_6, window_bounds = array<i64: 1024, 128>}, {transform_indices = @transform_7, window_bounds = array<i64: 1024, 128>}]} {
    %get3A = arith.constant 0 : index
    %get3A_0 = arith.constant 0 : index
    %get3A_1 = arith.constant 0 : index
    %get3A_2 = vector.load %arg2[%get3A, %get3A_0, %get3A_1] : memref<2x1024x128xf32, #tpu.memory_space<vmem>>, vector<1x1024x128xf32>
    %get3A_3 = vector.shape_cast %get3A_2 : vector<1x1024x128xf32> to vector<1024x128xf32>
    %slice3A = vector.extract_strided_slice %get3A_3 {offsets = [0, 0], sizes = [1024, 1], strides = [1, 1]} : vector<1024x128xf32> to vector<1024x1xf32>
    %get3A_4 = arith.constant 1 : index
    %get3A_5 = arith.constant 0 : index
    %get3A_6 = arith.constant 0 : index
    %get3A_7 = vector.load %arg2[%get3A_4, %get3A_5, %get3A_6] : memref<2x1024x128xf32, #tpu.memory_space<vmem>>, vector<1x1024x128xf32>
    %get3A_8 = vector.shape_cast %get3A_7 : vector<1x1024x128xf32> to vector<1024x128xf32>
    %slice3A_9 = vector.extract_strided_slice %get3A_8 {offsets = [0, 0], sizes = [1024, 1], strides = [1, 1]} : vector<1024x128xf32> to vector<1024x1xf32>
    %add3A = arith.addf %slice3A, %slice3A_9 : vector<1024x1xf32>
    %add3A_10 = arith.constant 1.000000e+00 : f32
    %add3A_11 = vector.broadcast %add3A_10 : f32 to vector<1024x1xf32>
    %add3A_12 = arith.addf %add3A, %add3A_11 : vector<1024x1xf32>
    %rsqrt3A = math.rsqrt %add3A_12 : vector<1024x1xf32>
    %get3A_13 = arith.constant 0 : index
    %get3A_14 = arith.constant 0 : index
    %get3A_15 = arith.constant 0 : index
    %get3A_16 = vector.load %arg1[%get3A_13, %get3A_14, %get3A_15] : memref<2x1024x128xf32, #tpu.memory_space<vmem>>, vector<1x1024x128xf32>
    %get3A_17 = vector.shape_cast %get3A_16 : vector<1x1024x128xf32> to vector<1024x128xf32>
    %get3A_18 = arith.constant 1 : index
    %get3A_19 = arith.constant 0 : index
    %get3A_20 = arith.constant 0 : index
    %get3A_21 = vector.load %arg1[%get3A_18, %get3A_19, %get3A_20] : memref<2x1024x128xf32, #tpu.memory_space<vmem>>, vector<1x1024x128xf32>
    %get3A_22 = vector.shape_cast %get3A_21 : vector<1x1024x128xf32> to vector<1024x128xf32>
    %add3A_23 = arith.addf %get3A_17, %get3A_22 : vector<1024x128xf32>
    %mul3A = vector.broadcast %rsqrt3A : vector<1024x1xf32> to vector<1024x128xf32>
    %mul3A_24 = arith.mulf %add3A_23, %mul3A : vector<1024x128xf32>
    %get3A_25 = arith.constant 0 : index
    %get3A_26 = arith.constant 0 : index
    %get3A_27 = vector.load %arg4[%get3A_25, %get3A_26] : memref<1x128xf32, #tpu.memory_space<vmem>>, vector<1x128xf32>
    %add3A_28 = vector.broadcast %get3A_27 : vector<1x128xf32> to vector<1024x128xf32>
    %add3A_29 = arith.addf %mul3A_24, %add3A_28 : vector<1024x128xf32>
    %reduce_sum3A = arith.constant dense<0.000000e+00> : vector<1024xf32>
    %reduce_sum3A_30 = vector.multi_reduction <add>, %add3A_29, %reduce_sum3A [1] : vector<1024x128xf32> to vector<1024xf32>
    %broadcast_in_dim3A = vector.shape_cast %reduce_sum3A_30 : vector<1024xf32> to vector<1024x1xf32>
    %div3A = arith.constant 1.280000e+02 : f32
    %div3A_31 = vector.broadcast %div3A : f32 to vector<1024x1xf32>
    %div3A_32 = arith.divf %broadcast_in_dim3A, %div3A_31 : vector<1024x1xf32>
    %sub3A = vector.broadcast %div3A_32 : vector<1024x1xf32> to vector<1024x128xf32>
    %sub3A_33 = arith.subf %add3A_29, %sub3A : vector<1024x128xf32>
    %mul3A_34 = arith.mulf %sub3A_33, %sub3A_33 : vector<1024x128xf32>
    %reduce_sum3A_35 = arith.constant dense<0.000000e+00> : vector<1024xf32>
    %reduce_sum3A_36 = vector.multi_reduction <add>, %mul3A_34, %reduce_sum3A_35 [1] : vector<1024x128xf32> to vector<1024xf32>
    %broadcast_in_dim3A_37 = vector.shape_cast %reduce_sum3A_36 : vector<1024xf32> to vector<1024x1xf32>
    %div3A_38 = arith.constant 1.280000e+02 : f32
    %div3A_39 = vector.broadcast %div3A_38 : f32 to vector<1024x1xf32>
    %div3A_40 = arith.divf %broadcast_in_dim3A_37, %div3A_39 : vector<1024x1xf32>
    %add3A_41 = arith.constant 9.99999974E-6 : f32
    %add3A_42 = vector.broadcast %add3A_41 : f32 to vector<1024x1xf32>
    %add3A_43 = arith.addf %div3A_40, %add3A_42 : vector<1024x1xf32>
    %rsqrt3A_44 = math.rsqrt %add3A_43 : vector<1024x1xf32>
    %mul3A_45 = vector.broadcast %rsqrt3A_44 : vector<1024x1xf32> to vector<1024x128xf32>
    %mul3A_46 = arith.mulf %sub3A_33, %mul3A_45 : vector<1024x128xf32>
    %get3A_47 = arith.constant 0 : index
    %get3A_48 = arith.constant 0 : index
    %get3A_49 = vector.load %arg5[%get3A_47, %get3A_48] : memref<1x128xf32, #tpu.memory_space<vmem>>, vector<1x128xf32>
    %mul3A_50 = vector.broadcast %get3A_49 : vector<1x128xf32> to vector<1024x128xf32>
    %mul3A_51 = arith.mulf %mul3A_46, %mul3A_50 : vector<1024x128xf32>
    %get3A_52 = arith.constant 0 : index
    %get3A_53 = arith.constant 0 : index
    %get3A_54 = vector.load %arg6[%get3A_52, %get3A_53] : memref<1x128xf32, #tpu.memory_space<vmem>>, vector<1x128xf32>
    %add3A_55 = vector.broadcast %get3A_54 : vector<1x128xf32> to vector<1024x128xf32>
    %add3A_56 = arith.addf %mul3A_51, %add3A_55 : vector<1024x128xf32>
    %swap3A = arith.constant 0 : index
    %swap3A_57 = arith.constant 0 : index
    %swap3A_58 = vector.load %arg7[%swap3A, %swap3A_57] : memref<1024x128xf32, #tpu.memory_space<vmem>>, vector<1024x128xf32>
    tpu.vector_store %arg7[%swap3A, %swap3A_57], %add3A_56 {strides = array<i32>} : memref<1024x128xf32, #tpu.memory_space<vmem>>, vector<1024x128xf32>,
    %get3A_59 = arith.constant 0 : index
    %get3A_60 = arith.constant 0 : index
    %get3A_61 = vector.load %arg3[%get3A_59, %get3A_60] : memref<128x128xf32, #tpu.memory_space<vmem>>, vector<128x128xf32>
    %dot_general3A = arith.constant dense<0.000000e+00> : vector<1024x128xf32>
    %dot_general3A_62 = tpu.matmul %add3A_56, %get3A_61, %dot_general3A {dimension_numbers = #tpu.dot_dimension_numbers<[1], [0], [0], [1], [0, 0, 1, 1], [], []>, precision = #tpu.contract_precision<fp32>, transpose_lhs_hint = false} : vector<1024x128xf32>, vector<128x128xf32>, vector<1024x128xf32> -> vector<1024x128xf32>
    %mul3A_63 = vector.broadcast %rsqrt3A : vector<1024x1xf32> to vector<1024x128xf32>
    %mul3A_64 = arith.mulf %dot_general3A_62, %mul3A_63 : vector<1024x128xf32>
    %swap3A_65 = arith.constant 0 : index
    %swap3A_66 = arith.constant 0 : index
    %swap3A_67 = vector.load %arg8[%swap3A_65, %swap3A_66] : memref<1024x128xf32, #tpu.memory_space<vmem>>, vector<1024x128xf32>
    tpu.vector_store %arg8[%swap3A_65, %swap3A_66], %mul3A_64 {strides = array<i32>} : memref<1024x128xf32, #tpu.memory_space<vmem>>, vector<1024x128xf32>,
    return
  }
  func.func @transform_0(%arg0: i32) -> (i32, i32, i32) {
    %c0_i32 = arith.constant 0 : i32
    %c0_i32_0 = arith.constant 0 : i32
    %c0_i32_1 = arith.constant 0 : i32
    return %c0_i32, %arg0, %c0_i32_0 : i32, i32, i32
  }
  func.func @transform_1(%arg0: i32) -> (i32, i32, i32) {
    %c0_i32 = arith.constant 0 : i32
    %c0_i32_0 = arith.constant 0 : i32
    %c0_i32_1 = arith.constant 0 : i32
    return %c0_i32, %arg0, %c0_i32_0 : i32, i32, i32
  }
  func.func @transform_2(%arg0: i32) -> (i32, i32) {
    %c0_i32 = arith.constant 0 : i32
    %c0_i32_0 = arith.constant 0 : i32
    %c0_i32_1 = arith.constant 0 : i32
    return %c0_i32, %c0_i32_0 : i32, i32
  }
  func.func @transform_3(%arg0: i32) -> (i32, i32) {
    %c0_i32 = arith.constant 0 : i32
    %c0_i32_0 = arith.constant 0 : i32
    %c0_i32_1 = arith.constant 0 : i32
    return %c0_i32, %c0_i32_0 : i32, i32
  }
  func.func @transform_4(%arg0: i32) -> (i32, i32) {
    %c0_i32 = arith.constant 0 : i32
    %c0_i32_0 = arith.constant 0 : i32
    %c0_i32_1 = arith.constant 0 : i32
    return %c0_i32, %c0_i32_0 : i32, i32
  }
  func.func @transform_5(%arg0: i32) -> (i32, i32) {
    %c0_i32 = arith.constant 0 : i32
    %c0_i32_0 = arith.constant 0 : i32
    %c0_i32_1 = arith.constant 0 : i32
    return %c0_i32, %c0_i32_0 : i32, i32
  }
  func.func @transform_6(%arg0: i32) -> (i32, i32) {
    %c0_i32 = arith.constant 0 : i32
    %c0_i32_0 = arith.constant 0 : i32
    return %arg0, %c0_i32 : i32, i32
  }
  func.func @transform_7(%arg0: i32) -> (i32, i32) {
    %c0_i32 = arith.constant 0 : i32
    %c0_i32_0 = arith.constant 0 : i32
    return %arg0, %c0_i32 : i32, i32
  }
}

</mosaic_0001>

<sc_bundles>
// kernel: body.8.cloned.1.call-start
scs
__scs_entry_jumppad:
0x0: {  	(pc) =	sbr.rel $0x88, $3  }
0x1: {  	(tag) =	ssettag $0x0;
	lr =	simm.s32 $0x1  }
0x2: {  	[smem:$0x3F9A] =	sst lr;
	_ =	strace $0xD0000000  }
0x3: {  	_ = 	snop  }
0x4: {  	_ = 	snop  }
0x5: {  	_ = 	snop  }
0x6: {  	_ = 	snop  }
0x7: {  	_ = 	snop  }
__scs_overlays_trampoline_lowered:
0x8: {  	[smem:$0x3FA9] =	sst s0  }
0x9: {  	[smem:$0x3FAA] =	sst s1  }
0xa: {  	[smem:$0x3FAB] =	sst s2  }
0xb: {  	[smem:$0x3FAC] =	sst s3  }
0xc: {  	[smem:$0x3FAD] =	sst s4  }
0xd: {  	[smem:$0x3FAE] =	sst s5  }
0xe: {  	[smem:$0x3FAF] =	sst s6  }
0xf: {  	[smem:$0x3FB0] =	sst s7  }
0x10: {  	[smem:$0x3FB1] =	sst s8  }
0x11: {  	[smem:$0x3FB2] =	sst s9;
	s0 =	simm.s32 @!p0 $0x0  }
0x12: {  	s1 =	sld [smem:$0x3F98];
	s0 =	simm.s32 @p0 $0x1  }
0x13: {  	[smem:$0x3FB3] =	sst s0;
	s0 =	simm.s32 @!p1 $0x0  }
0x14: {  	s2 =	sld [smem:$0x3F97];
	s0 =	simm.s32 @p1 $0x1  }
0x15: {  	[smem:$0x3FB4] =	sst s0;
	s0 =	simm.s32 @!p2 $0x0  }
0x16: {  	s3 =	sld [smem:$0x3FDB];
	s0 =	simm.s32 @p2 $0x1  }
0x17: {  	s4 =	simm.s32 $0x1BF5;
	[smem:$0x3FB6] =	sst s0  }
0x18: {  	s0 =	sld [smem:$0x3F99];
	_ =	swait.ge [sflag:s4], $0x0  }
0x19: {  	s7 =	sld [smem:$0x3F9A]  }
0x1a: {  	s8 =	sadd.s32 $0xFFFFE003, lr  }
0x1b: {  	s9 =	sadd.s32 $0xFFFFFEF7, lr;
	s5 =	simm.s32 $0xFFFFFFFF;
	p2 =	slt.u32 s8, $0xFFFFF086  }
0x1c: {  	p1 =	slt.u32 s9, $0xF7A;
	s5 =	simm.s32 @!p2 $0x0  }
0x1d: {  	s5 =	simm.s32 @p1 $0x1;
	p0 =	seq.s32 s7, s2  }
0x1e: {  	s7 =	smul.u32 @!p0 $0xF7A, s2;
	p2 =	seq.s32 @!p0 s5, $0x0  }
0x1f: {  	s9 =	smul.u32 $0xF7A, s1;
	s8 =	simm.s32 @!p0 $0x1BF5;
	p2 =	por !p2, p0  }
0x20: {  	[sflag:s8] =	ssyncset.s32 @!p0 $0xFFFFF086;
	s6 =	sadd.s32 @!p0 s3, s7;
	s7 =	simm.s32 @!p0 $0x108  }
0x21: {  	s3 =	sadd.s32 s3, s9;
	s6 =	sadd.s32 @!p0 $0x88, s6;
	s7 =	simm.s32 @p2 $0x1082  }
0x22: {  	[simem:s7], [sflag:s8] =	dma.local @!p0 [hbm:s6], $0xF7A  }
0x23: {  	s9 =	sor.u32 $0xD0000000, s2;
	s6 =	simm.s32 $0x108;
	_ =	swait.ge @!p0 [sflag:s8], $0x0  }
0x24: {  	s3 =	sadd.s32 $0x88, s3;
	s6 =	simm.s32 @!p1 $0x1082;
	[sflag:s4] =	ssyncset.s32 $0xFFFFF086  }
0x25: {  	[simem:s6], [sflag:s4] =	dma.local [hbm:s3], $0xF7A  }
0x26: {  	[smem:$0x3F9A] =	sst s1;
	(tag) =	ssettag s2;
	_ =	strace s9  }
0x27: {  	s1 =	sld [smem:$0x3FAA]  }
0x28: {  	s2 =	sld [smem:$0x3FAB]  }
0x29: {  	s4 =	sld [smem:$0x3FAD]  }
0x2a: {  	p0 =	seq.s32 s5, $0x0;
	s5 =	sld [smem:$0x3FAE]  }
0x2b: {  	s6 =	sld [smem:$0x3FAF]  }
0x2c: {  	s7 =	sld [smem:$0x3FB0]  }
0x2d: {  	s3 =	simm.s32 $0x108;
	s8 =	sld [smem:$0x3FB1]  }
0x2e: {  	s3 =	simm.s32 @!p0 $0x1082;
	s9 =	sld [smem:$0x3FB2]  }
0x2f: {  	lr =	sadd.s32 s0, s3;
	s0 =	sld [smem:$0x3FA9]  }
0x30: {  	s3 =	sld [smem:$0x3FAC]  }
0x31: {  	[smem:$0x3FB5] =	sst s10  }
0x32: {  	s10 =	sld [smem:$0x3FB3];
	_ =	sdelay $0x3  }
0x33: {  	p0 =	seq.s32 s10, $0x1;
	s10 =	sld [smem:$0x3FB5];
	_ =	sdelay $0x3  }
0x34: {  	[smem:$0x3FB5] =	sst s10  }
0x35: {  	s10 =	sld [smem:$0x3FB4];
	_ =	sdelay $0x3  }
0x36: {  	p1 =	seq.s32 s10, $0x1;
	s10 =	sld [smem:$0x3FB5];
	_ =	sdelay $0x3  }
0x37: {  	[smem:$0x3FB5] =	sst s10  }
0x38: {  	s10 =	sld [smem:$0x3FB6]  }
0x39: {  	_ = 	snop;
	(pc) =	sbr.ind lr, $3  }
0x3a: {  	_ = 	snop  }
0x3b: {  	_ = 	snop  }
0x3c: {  	p2 =	seq.s32 s10, $0x1;
	s10 =	sld [smem:$0x3FB5]  }
0x3d: {  	_ =	shalt  }
0x3e: {  	_ =	shalt  }
0x3f: {  	_ =	shalt  }
0x40: {  	_ =	shalt  }
0x41: {  	_ =	shalt  }
0x42: {  	_ =	shalt  }
0x43: {  	_ =	shalt  }
0x44: {  	_ =	shalt  }
0x45: {  	_ =	shalt  }
0x46: {  	_ =	shalt  }
0x47: {  	_ =	shalt  }
0x48: {  	_ =	shalt  }
0x49: {  	_ =	shalt  }
0x4a: {  	_ =	shalt  }
0x4b: {  	_ =	shalt  }
0x4c: {  	_ =	shalt  }
0x4d: {  	_ =	shalt  }
0x4e: {  	_ =	shalt  }
0x4f: {  	_ =	shalt  }
0x50: {  	_ =	shalt  }
0x51: {  	_ =	shalt  }
0x52: {  	_ =	shalt  }
0x53: {  	_ =	shalt  }
0x54: {  	_ =	shalt  }
0x55: {  	_ =	shalt  }
0x56: {  	_ =	shalt  }
0x57: {  	_ =	shalt  }
0x58: {  	_ =	shalt  }
0x59: {  	_ =	shalt  }
0x5a: {  	_ =	shalt  }
0x5b: {  	_ =	shalt  }
0x5c: {  	_ =	shalt  }
0x5d: {  	_ =	shalt  }
0x5e: {  	_ =	shalt  }
0x5f: {  	_ =	shalt  }
0x60: {  	_ =	shalt  }
0x61: {  	_ =	shalt  }
0x62: {  	_ =	shalt  }
0x63: {  	_ =	shalt  }
0x64: {  	_ =	shalt  }
0x65: {  	_ =	shalt  }
0x66: {  	_ =	shalt  }
0x67: {  	_ =	shalt  }
0x68: {  	_ =	shalt  }
0x69: {  	_ =	shalt  }
0x6a: {  	_ =	shalt  }
0x6b: {  	_ =	shalt  }
0x6c: {  	_ =	shalt  }
0x6d: {  	_ =	shalt  }
0x6e: {  	_ =	shalt  }
0x6f: {  	_ =	shalt  }
0x70: {  	_ =	shalt  }
0x71: {  	_ =	shalt  }
0x72: {  	_ =	shalt  }
0x73: {  	_ =	shalt  }
0x74: {  	_ =	shalt  }
0x75: {  	_ =	shalt  }
0x76: {  	_ =	shalt  }
0x77: {  	_ =	shalt  }
0x78: {  	_ =	shalt  }
0x79: {  	_ =	shalt  }
0x7a: {  	_ =	shalt  }
0x7b: {  	_ =	shalt  }
0x7c: {  	_ =	shalt  }
0x7d: {  	_ =	shalt  }
0x7e: {  	_ =	shalt  }
0x7f: {  	_ =	shalt  }
0x80: {  	_ =	shalt  }
0x81: {  	_ =	shalt  }
0x82: {  	_ =	shalt  }
0x83: {  	_ =	shalt  }
0x84: {  	_ =	shalt  }
0x85: {  	_ =	shalt  }
0x86: {  	_ =	shalt  }
0x87: {  	_ =	shalt  }
.Lfunc_end0:
.L_simem_size_0:
called_computation_lowered:
.L_overlay_start_0:
0x88: {  	s2 =	sld [smem:$0x3FD9]  }
0x89: {  	s3 =	sld [smem:$0x3FFE];
	_ =	sdelay $0x1  }
0x8a: {  	s1 =	srdreg.scid  }
0x8b: {  	s0 =	sand.u32 $0x1, s1  }
0x8c: {  	s17 =	sshll.u32 s0, $0xA;
	s2 =	sadd.s32 s3, s2  }
0x8d: {  	s2 =	sadd.s32 s2, s17  }
0x8e: {  	[smem:$0x3FC1] =	sst s2  }
0x8f: {  	_ = 	snop  }
0x90: {  	s2 =	sld [smem:$0x3FD0];
	(tm) =	ssettm $0x1  }
0x91: {  	s18 =	sld [smem:$0x3FFB];
	_ =	sdelay $0x3  }
0x92: {  	_ =	strace s18  }
0x93: {  	s3 =	sld [smem:$0x3FFC];
	_ =	sdelay $0x3  }
0x94: {  	_ =	strace s3  }
0x95: {  	s3 =	sld [smem:$0x3FFD];
	_ =	sdelay $0x3  }
0x96: {  	_ =	strace s3  }
0x97: {  	_ =	strace $0x8FFFFFFF  }
0x98: {  	s19 =	sld [smem:$0x3FDB];
	_ =	sdelay $0x1  }
0x99: {  	s4 =	simm.s32 $_scs_section_size  }
0x9a: {  	s5 =	simm.s32 $_size__tile_overlayer_lowered;
	s6 =	simm.s32 $_tile_overlayer_lowered  }
0x9b: {  	s22 =	simm.s32 $0x1BFF;
	s21 =	sshll.u32 s6, $0x1;
	s3 =	sadd.s32 s4, s19  }
0x9c: {  	s7 =	simm.s32 $0x0;
	s20 =	sshll.u32 s5, $0x1;
	s5 =	sadd.s32 s21, s3  }
0x9d: {  	[timem:s7], [sflag:s22] =	dma.local [hbm:s5], s20  }
0x9e: {  	_ =	swait.ge [sflag:s22], s20  }
0x9f: {  	s4 =	ssub.s32 $0x0, s20;
	[sflag:s22] =	ssyncset.done $0x0  }
0xa0: {  	[sflag:s22] =	ssyncadd.s32 s4;
	_ =	sdelay $0x1  }
0xa1: {  	s23 =	simm.s32 $0x1B8B  }
0xa2: {  	_ =	swait.ge [sflag:s23], $0x1  }
0xa3: {  	[sflag:s23] =	ssyncset.done $0x0  }
0xa4: {  	s25 =	simm.s32 $0x1B8E;
	s24 =	sld [smem:$0x3FFE];
	[sflag:s23] =	ssyncadd.s32 $0xFFFFFFFF  }
0xa5: {  	s26 =	simm.s32 $execute0_lowered;
	[smem:$0x3FD2] =	sst s25  }
0xa6: {  	s5 =	sshll.u32 s26, $0x1;
	_ =	strace $0x80000049;
	[dreg:$0x1] =	wrdreg $0xFFFFFFFF  }
0xa7: {  	s28 =	simm.s32 $_size_execute0_lowered;
	s3 =	sadd.s32 s3, s5;
	[dreg:$0x0] =	wrdreg $0x0  }
0xa8: {  	s5 =	sshll.u32 s28, $0x1;
	[dreg:$0x2] =	wrdreg s3  }
0xa9: {  	[dreg:$0x3] =	wrdreg s5  }
0xaa: {  	[dreg:$0x4] =	wrdreg $0xC0  }
0xab: {  	_ =	task [dreg:s7], $0x5FFFF  }
0xac: {  	[dreg:$0x1] =	wrdreg $0xFFFFFFFF  }
0xad: {  	[dreg:$0x0] =	wrdreg $0x60  }
0xae: {  	[dreg:$0x2] =	wrdreg s24  }
0xaf: {  	[dreg:$0x3] =	wrdreg s2  }
0xb0: {  	[dreg:$0x4] =	wrdreg $0x6E000  }
0xb1: {  	[dreg:$0x5] =	wrdreg $0x9  }
0xb2: {  	_ =	task.clear_ibuf [dreg:s7], $0x6FFFF;
	_ =	strace $0x90000049  }
0xb3: {  	s29 =	simm.s32 $0x9;
	_ =	strace $0x8000004B  }
0xb4: {  	_ =	swait.ge [sflag:s29], $0x1  }
0xb5: {  	[sflag:s29] =	ssyncadd.s32 $0xFFFFFFFF  }
0xb6: {  	_ =	strace $0x9000004B  }
0xb7: {  	_ =	sfence  }
0xb8: {  	s30 =	sld [smem:$0x0];
	_ =	sdelay $0x2  }
0xb9: {  	s31 =	sshll.u32 s1, $0xD;
	s1 =	sshrl.u32 s1, $0x2  }
0xba: {  	s3 =	sand.u32 $0x4000, s31;
	s1 =	sadd.s32 s1, s30  }
0xbb: {  	s0 =	sor.u32 s3, s0;
	s1 =	sshll.u32 s1, $0x11  }
0xbc: {  	s0 =	sor.u32 s1, s0  }
0xbd: {  	s0 =	sadd.s32 $0x8F2B, s0  }
0xbe: {  	[sflag:s0] =	ssyncadd.remote.s32 $0x1  }
0xbf: {  	_ =	sfence.sel $0xFFFF  }
0xc0: {  	[dreg:$0x0] =	wrdreg $0xFFFFFFFF;
	(pc) =	sbr.abs _section_cstart, $3  }
0xc1: {  	[dreg:$0x1] =	wrdreg $0xFFFFFFFF  }
0xc2: {  	_ =	task.clear_ibuf [dreg:s7], $0x2FFFF;
	_ =	strace $0x9FFFFFFF  }
0xc3: {  	(tm) =	ssettm $0x7FFFFFFF  }
tec
execute0_lowered:
.L_overlay_start_1:
0x0: {  	(tag) =	ssettag $0x1  }
0x1: {  	s0 =	rddreg [dreg:$0x0]  }
0x2: {  	s12 =	rddreg [dreg:$0x1]  }
0x3: {  	s2 =	rddreg [dreg:$0x2]  }
0x4: {  	s4 =	simm.s32 $0x0;
	s1 =	srdreg.scid;
	s13 =	stileid.u32  }
0x5: {  	s31 =	simm.s32 $0x800;
	s28 =	simm.s32 $0x4;
	s6 =	smul.u32 $0x14000, s13  }
0x6: {  	s30 =	simm.s32 $0xA;
	[smem:$0x7FF] =	sst s4;
	s26 =	smul.u32 $0x50000, s13  }
0x7: {  	s1 =	sand.u32 $0x1, s1;
	s5 =	sadd.s32 $0x2000, s0;
	s11 =	smul.u32 $0x2800, s13  }
0x8: {  	s14 =	sadd.s32 $0x2A000, s0;
	s7 =	sadd.s32 $0x33E00, s0;
	s23 =	smul.u32 $0x2710, s13  }
0x9: {  	s3 =	smul.u32 $0x140000, s1;
	_ =	strace $0x8000004A;
	s8 =	sshll.u32 s1, $0x4  }
0xa: {  	s9 =	ssub.s32 $0x2, s1;
	s21 =	smul.u32 $0x27100, s1;
	p0 =	sne.s32 s1, $0x0  }
0xb: {  	[dreg:$0x4] =	wrdreg s14;
	s25 =	sor.u32 s13, s8;
	s8 =	sshrl.u32 s26, $0x2  }
0xc: {  	s15 =	sadd.s32 s5, s11;
	s3 =	sadd.s32 s6, s3;
	s8 =	sadd.s32 s8, s2  }
0xd: {  	s6 =	smul.u32 $0x2710, s25;
	s15 =	smov.u32 @p0 s7;
	[dreg:$0x5] =	wrdreg s8  }
0xe: {  	s10 =	sshrl.u32 s9, $0x1;
	s3 =	sshrl.u32 s3, $0x3;
	[dreg:$0x6] =	wrdreg s15  }
0xf: {  	s0 =	sadd.s32 s3, s0;
	s3 =	ssub.s32 s9, s10;
	s8 =	sshrl.u32 s6, $0x3  }
0x10: {  	s29 =	sadd.s32 $0x28, s6;
	s20 =	sadd.s32 $0x78, s6;
	s10 =	sadd.s32 s23, s21  }
0x11: {  	s26 =	sadd.s32 $0xC8, s6;
	s6 =	sadd.s32 $0x118, s6;
	s11 =	sadd.s32 s14, s8  }
0x12: {  	s16 =	sadd.s32 s12, s8;
	s9 =	sshrl.u32 s29, $0x3;
	[dreg:$0x7] =	wrdreg s11  }
0x13: {  	s18 =	sadd.s32 $0xA, s8;
	s0 =	sadd.s32 $0x7D000, s0;
	[dreg:$0x8] =	wrdreg s16  }
0x14: {  	s22 =	sshrl.u32 s20, $0x3;
	s17 =	sadd.s32 s14, s9;
	[dreg:$0x17] =	wrdreg s0  }
0x15: {  	s25 =	sadd.s32 $0x14, s8;
	s9 =	sadd.s32 s12, s9;
	[dreg:$0x9] =	wrdreg s17  }
0x16: {  	s13 =	sshrl.u32 s26, $0x3;
	s19 =	sadd.s32 s14, s18;
	[dreg:$0xa] =	wrdreg s9  }
0x17: {  	s6 =	sshrl.u32 s6, $0x3;
	s24 =	sadd.s32 s14, s22;
	[dreg:$0xb] =	wrdreg s19  }
0x18: {  	s21 =	sadd.s32 $0x2A8, s10;
	s29 =	sadd.s32 s14, s25;
	[dreg:$0xd] =	wrdreg s24  }
0x19: {  	s23 =	sadd.s32 $0x280, s10;
	s16 =	sadd.s32 s14, s13;
	[dreg:$0xf] =	wrdreg s29  }
0x1a: {  	s7 =	sadd.s32 $0x230, s10;
	s1 =	sadd.s32 s12, s13;
	[dreg:$0x11] =	wrdreg s16  }
0x1b: {  	s15 =	sadd.s32 $0x1E0, s10;
	s20 =	sadd.s32 s12, s6;
	[dreg:$0x12] =	wrdreg s1  }
0x1c: {  	s0 =	sshrl.u32 s21, $0x3;
	s9 =	sadd.s32 s12, s18;
	[dreg:$0x16] =	wrdreg s20  }
0x1d: {  	s17 =	sadd.s32 $0x1E, s8;
	s19 =	sadd.s32 s14, s6;
	[dreg:$0xc] =	wrdreg s9  }
0x1e: {  	s24 =	sadd.s32 s0, s12;
	s0 =	sadd.s32 s0, s14;
	[dreg:$0x15] =	wrdreg s19  }
0x1f: {  	s8 =	sshrl.u32 s7, $0x3;
	s16 =	sadd.s32 $0x1B8, s10;
	[dreg:$0x19] =	wrdreg s24  }
0x20: {  	s9 =	sadd.s32 s12, s22;
	s18 =	sadd.s32 s14, s17;
	[dreg:$0x1a] =	wrdreg s0  }
0x21: {  	s1 =	sadd.s32 s12, s17;
	s22 =	smax.u32 s3, $0x1;
	[dreg:$0xe] =	wrdreg s9  }
0x22: {  	s11 =	sadd.s32 s8, s12;
	s17 =	sshrl.u32 s15, $0x3;
	[dreg:$0x13] =	wrdreg s18  }
0x23: {  	s24 =	sadd.s32 $0x190, s10;
	s3 =	simm.s32 $0x5;
	[dreg:$0x14] =	wrdreg s1  }
0x24: {  	s15 =	simm.s32 $0x11;
	s9 =	sadd.s32 s12, s25;
	[dreg:$0x18] =	wrdreg s22  }
0x25: {  	s1 =	sshrl.u32 s23, $0x3;
	s25 =	sadd.s32 $0x258, s10;
	[dreg:$0x1f] =	wrdreg s11  }
0x26: {  	s18 =	sshrl.u32 s16, $0x3;
	s19 =	sadd.s32 s17, s12;
	[smem:$0x7F9] =	sst s24  }
0x27: {  	s22 =	sadd.s32 $0x168, s10;
	s23 =	sadd.s32 $0x140, s10;
	[dreg:$0x10] =	wrdreg s9  }
0x28: {  	s24 =	simm.s32 $0x9;
	s29 =	sadd.s32 s1, s12;
	[smem:$0x7F5] =	sst s19  }
0x29: {  	s26 =	sshrl.u32 s25, $0x3;
	s1 =	sadd.s32 s1, s14;
	[dreg:$0x1b] =	wrdreg s29  }
0x2a: {  	s9 =	sadd.s32 $0x208, s10;
	s20 =	sadd.s32 s18, s12;
	[dreg:$0x1c] =	wrdreg s1  }
0x2b: {  	s21 =	sadd.s32 s18, s14;
	s10 =	simm.s32 $0x15;
	[smem:$0x7F7] =	sst s20  }
0x2c: {  	s18 =	simm.s32 $0xF;
	s6 =	sadd.s32 s26, s12;
	[smem:$0x7F8] =	sst s21  }
0x2d: {  	s19 =	simm.s32 $0x12;
	s0 =	sadd.s32 s26, s14;
	[dreg:$0x1d] =	wrdreg s6  }
0x2e: {  	s13 =	sshrl.u32 s9, $0x3;
	[dreg:$0x1e] =	wrdreg s0;
	s0 =	sadd.s32 s8, s14  }
0x2f: {  	s21 =	simm.s32 $0x480;
	s1 =	sadd.s32 s13, s12;
	[smem:$0x7F2] =	sst s0  }
0x30: {  	s8 =	simm.s32 $0x8;
	s6 =	simm.s32 $0x0;
	[smem:$0x7F3] =	sst s1  }
0x31: {  	s0 =	sadd.s32 s13, s14;
	s1 =	sshrl.u32 s23, $0x3;
	s13 =	simm.s32 $0x6  }
0x32: {  	s23 =	simm.s32 $0xA00;
	[smem:$0x7F4] =	sst s0;
	s0 =	sadd.s32 s17, s14  }
0x33: {  	s26 =	sadd.s32 s1, s12;
	s29 =	sadd.s32 s1, s14;
	[smem:$0x7F6] =	sst s0  }
.Ltmp0:
0x34: {  	s1 =	simm.s32 $0x1E00;
	[smem:$0x7FC] =	sst s26;
	(pc) =	sbr.rel .LBB2_1-.Ltmp0, $4  }
0x35: {  	s17 =	simm.s32 $0x7;
	s0 =	sshrl.u32 s22, $0x3;
	[smem:$0x7FD] =	sst s29  }
0x36: {  	s22 =	simm.s32 $0x300;
	s26 =	simm.s32 $0x28;
	s25 =	sadd.s32 s0, s12  }
0x37: {  	s0 =	sadd.s32 s0, s14;
	s12 =	simm.s32 $0xA00;
	[smem:$0x7FA] =	sst s25  }
0x38: {  	s14 =	simm.s32 $0xE;
	[smem:$0x7FB] =	sst s0;
	s0 =	simm.s32 $0xC  }
.LBB2_4:
0x39: {  	_ =	swait.ge [sflag:s18], $0x1400  }
0x3a: {  	[sflag:s18] =	ssyncset.done $0x0  }
0x3b: {  	s10 =	simm.s32 $0x10;
	[sflag:s18] =	ssyncadd.s32 $0xFFFFEC00  }
0x3c: {  	[spmem:s2] =	stream.indirect.scatter.add.f32 [tilespmem:s7], [sflag:$0x14], $0x80, s6, s26, $0xb8;
	[tilespmem:$0x1AE00] =	vst v63  }
0x3d: {  	_ =	swait.ge [sflag:s10], $0x1400  }
0x3e: {  	[sflag:s10] =	ssyncset.done $0x0  }
0x3f: {  	[sflag:s10] =	ssyncadd.s32 $0xFFFFEC00  }
0x40: {  	_ =	swait.ge [sflag:s15], $0x1400  }
0x41: {  	[sflag:s15] =	ssyncset.done $0x0  }
0x42: {  	[sflag:s15] =	ssyncadd.s32 $0xFFFFEC00  }
0x43: {  	_ =	swait.ge [sflag:s19], $0x1400  }
0x44: {  	[sflag:s19] =	ssyncset.done $0x0  }
0x45: {  	s11 =	simm.s32 $0x13;
	[sflag:s19] =	ssyncadd.s32 $0xFFFFEC00  }
0x46: {  	_ =	swait.ge [sflag:s11], $0x1400  }
0x47: {  	[sflag:s11] =	ssyncset.done $0x0  }
0x48: {  	s16 =	simm.s32 $0x14;
	[sflag:s11] =	ssyncadd.s32 $0xFFFFEC00  }
0x49: {  	_ =	swait.ge [sflag:s16], $0x1400  }
0x4a: {  	[sflag:s16] =	ssyncset.done $0x0  }
0x4b: {  	[sflag:s16] =	ssyncadd.s32 $0xFFFFEC00  }
0x4c: {  	[bflag:$0x0] =	sbarrier.arrive $0xFFFF  }
0x4d: {  	s20 =	sld [smem:$0x7F0]  }
0x4e: {  	s22 =	sld [smem:$0x7F1];
	_ =	sdelay $0x1  }
0x4f: {  	s10 =	simm.s32 $0x15;
	s9 =	rddreg [dreg:$0x17]  }
0x50: {  	[hbm:s9], [sflag:s20] =	dma.local [spmem:s22], $0x2800  }
0x51: {  	_ =	swait.ge [sflag:s10], $0x2800  }
0x52: {  	s25 =	sld [smem:$0x7EF];
	_ =	sdelay $0x2  }
0x53: {  	s29 =	rddreg [dreg:$0x18];
	s6 =	sadd.s32 $0x1, s25  }
0x54: {  	p0 =	sne.s32 s6, s29  }
.Ltmp1:
0x55: {  	_ = 	snop;
	(pc) =	sbr.rel @!p0 .LBB2_5-.Ltmp1, $3  }
0x56: {  	_ =	sdelay $0x1  }
0x57: {  	[sflag:s10] =	ssyncset.done $0x0  }
0x58: {  	s31 =	simm.s32 $0x800;
	s22 =	simm.s32 $0x300;
	[sflag:s10] =	ssyncadd.s32 $0xFFFFD800  }
.LBB2_1:
0x59: {  	[smem:$0x7EF] =	sst s6  }
0x5a: {  	s9 =	stileid.u32;
	s20 =	rddreg [dreg:$0x5]  }
0x5b: {  	s25 =	rddreg [dreg:$0x6];
	s9 =	sshll.u32 s9, $0x6;
	s7 =	sshrl.u32 s20, $0x3  }
0x5c: {  	s16 =	sor.u32 $0x1C15, s9;
	[smem:$0x7F1] =	sst s7  }
0x5d: {  	[smem:$0x7F0] =	sst s16  }
0x5e: {  	[spmem:s7], [sflag:s16] =	dma.local [hbm:s25], $0x2800  }
0x5f: {  	_ =	swait.ge [sflag:s10], $0x2800  }
0x60: {  	[sflag:s10] =	ssyncset.done $0x0  }
0x61: {  	[sflag:s10] =	ssyncadd.s32 $0xFFFFD800  }
0x62: {  	[bflag:$0x0] =	sbarrier.arrive $0xFFFF  }
0x63: {  	s10 =	rddreg [dreg:$0x7]  }
0x64: {  	[tilespmem:s4], [sflag:$0x1] =	stream.linear.gather [hbm4b:s10+s4], $0x28, $0x38;
	[tilespmem:$0x1AE00] =	vst v63  }
0x65: {  	s16 =	simm.s32 $0x500;
	s11 =	rddreg [dreg:$0x8]  }
0x66: {  	[tilespmem:s16], [sflag:$0x1] =	stream.linear.gather [hbm4b:s11+s4], $0x28, $0x38;
	[tilespmem:$0x1AE00] =	vst v63  }
0x67: {  	s20 =	rddreg [dreg:$0x9];
	s10 =	simm.s32 $0x80  }
0x68: {  	[tilespmem:s10], [sflag:$0x2] =	stream.linear.gather [hbm4b:s20+s4], $0x28, $0x38;
	[tilespmem:$0x1AE00] =	vst v63  }
0x69: {  	s25 =	rddreg [dreg:$0xa];
	s11 =	simm.s32 $0x580  }
0x6a: {  	[tilespmem:s11], [sflag:$0x2] =	stream.linear.gather [hbm4b:s25+s4], $0x28, $0x38;
	[tilespmem:$0x1AE00] =	vst v63  }
0x6b: {  	s6 =	rddreg [dreg:$0xb];
	s11 =	simm.s32 $0x100  }
0x6c: {  	[tilespmem:s11], [sflag:$0x3] =	stream.linear.gather [hbm4b:s6+s4], $0x28, $0x38;
	[tilespmem:$0x1AE00] =	vst v63  }
0x6d: {  	s7 =	rddreg [dreg:$0xc];
	s16 =	simm.s32 $0x600  }
0x6e: {  	[tilespmem:s16], [sflag:$0x3] =	stream.linear.gather [hbm4b:s7+s4], $0x28, $0x38;
	[tilespmem:$0x1AE00] =	vst v63  }
0x6f: {  	s20 =	rddreg [dreg:$0xd];
	s25 =	simm.s32 $0x180  }
0x70: {  	[tilespmem:s25], [sflag:$0x4] =	stream.linear.gather [hbm4b:s20+s4], $0x28, $0x38;
	[tilespmem:$0x1AE00] =	vst v63  }
0x71: {  	s6 =	rddreg [dreg:$0xe];
	s7 =	simm.s32 $0x680  }
0x72: {  	[tilespmem:s7], [sflag:$0x4] =	stream.linear.gather [hbm4b:s6+s4], $0x28, $0x38;
	[tilespmem:$0x1AE00] =	vst v63  }
0x73: {  	s20 =	rddreg [dreg:$0xf];
	s25 =	simm.s32 $0x200  }
0x74: {  	[tilespmem:s25], [sflag:$0x5] =	stream.linear.gather [hbm4b:s20+s4], $0x28, $0x38;
	[tilespmem:$0x1AE00] =	vst v63  }
0x75: {  	s6 =	rddreg [dreg:$0x10];
	s7 =	simm.s32 $0x700  }
0x76: {  	[tilespmem:s7], [sflag:$0x5] =	stream.linear.gather [hbm4b:s6+s4], $0x28, $0x38;
	[tilespmem:$0x1AE00] =	vst v63  }
0x77: {  	s20 =	rddreg [dreg:$0x11];
	s25 =	simm.s32 $0x280  }
0x78: {  	[tilespmem:s25], [sflag:$0x6] =	stream.linear.gather [hbm4b:s20+s4], $0x28, $0x38;
	[tilespmem:$0x1AE00] =	vst v63  }
0x79: {  	s6 =	rddreg [dreg:$0x12];
	s7 =	simm.s32 $0x780  }
0x7a: {  	[tilespmem:s7], [sflag:$0x6] =	stream.linear.gather [hbm4b:s6+s4], $0x28, $0x38;
	[tilespmem:$0x1AE00] =	vst v63  }
0x7b: {  	s16 =	rddreg [dreg:$0x13]  }
0x7c: {  	[tilespmem:s22], [sflag:$0x7] =	stream.linear.gather [hbm4b:s16+s4], $0x28, $0x38;
	[tilespmem:$0x1AE00] =	vst v63  }
0x7d: {  	s20 =	rddreg [dreg:$0x14]  }
0x7e: {  	[tilespmem:s31], [sflag:$0x7] =	stream.linear.gather [hbm4b:s20+s4], $0x28, $0x38;
	[tilespmem:$0x1AE00] =	vst v63  }
0x7f: {  	s25 =	simm.s32 $0x380;
	s22 =	rddreg [dreg:$0x15]  }
0x80: {  	[tilespmem:s25], [sflag:$0x8] =	stream.linear.gather [hbm4b:s22+s4], $0x28, $0x38;
	[tilespmem:$0x1AE00] =	vst v63  }
0x81: {  	s6 =	rddreg [dreg:$0x16];
	s7 =	simm.s32 $0x880;
	s20 =	simm.s32 $0x1  }
0x82: {  	[tilespmem:s7], [sflag:$0x8] =	stream.linear.gather [hbm4b:s6+s4], $0x28, $0x38;
	[tilespmem:$0x1AE00] =	vst v63  }
0x83: {  	_ =	swait.ge [sflag:s20], $0x28  }
0x84: {  	[sflag:s20] =	ssyncset.done $0x0  }
0x85: {  	[sflag:s20] =	ssyncadd.s32 $0xFFFFFFD8  }
0x86: {  	_ =	swait.ge [sflag:s20], $0x28  }
0x87: {  	[sflag:s20] =	ssyncset.done $0x0  }
0x88: {  	s22 =	simm.s32 $0x2;
	[sflag:s20] =	ssyncadd.s32 $0xFFFFFFD8  }
0x89: {  	[tilespmem:s12], [sflag:$0xB] =	stream.indirect.gather [hbm4b:s5+s26], $0x80, s4, s26, $0xb8;
	[tilespmem:$0x1AE00] =	vst v63  }
0x8a: {  	_ =	swait.ge [sflag:s22], $0x28  }
0x8b: {  	[sflag:s22] =	ssyncset.done $0x0  }
0x8c: {  	[sflag:s22] =	ssyncadd.s32 $0xFFFFFFD8  }
0x8d: {  	_ =	swait.ge [sflag:s22], $0x28  }
0x8e: {  	[sflag:s22] =	ssyncset.done $0x0  }
0x8f: {  	s25 =	simm.s32 $0x3;
	[sflag:s22] =	ssyncadd.s32 $0xFFFFFFD8  }
0x90: {  	[tilespmem:s1], [sflag:$0xC] =	stream.indirect.gather [hbm4b:s5+s26], $0x80, s10, s26, $0xb8;
	[tilespmem:$0x1AE00] =	vst v63  }
0x91: {  	_ =	swait.ge [sflag:s25], $0x28  }
0x92: {  	[sflag:s25] =	ssyncset.done $0x0  }
0x93: {  	[sflag:s25] =	ssyncadd.s32 $0xFFFFFFD8  }
0x94: {  	s29 =	simm.s32 $0x1E00;
	s9 =	simm.s32 $0x0;
	_ =	swait.ge [sflag:s25], $0x28  }
0x95: {  	s6 =	simm.s32 $0x980;
	s20 =	simm.s32 $0x5A00;
	[sflag:s25] =	ssyncset.done $0x0  }
0x96: {  	s12 =	simm.s32 $0x3200;
	s31 =	sld [smem:$0x7F9];
	[sflag:s25] =	ssyncadd.s32 $0xFFFFFFD8  }
0x97: {  	[tilespmem:s12], [sflag:$0xD] =	stream.indirect.gather [hbm4b:s5+s26], $0x80, s11, s26, $0xb8;
	[tilespmem:$0x1AE00] =	vst v63  }
.LBB2_2:
0x98: {  	s25 =	simm.s32 $0xB  }
0x99: {  	_ =	swait.ge [sflag:s25], $0x1400  }
0x9a: {  	[sflag:s25] =	ssyncset.done $0x0  }
0x9b: {  	s10 =	simm.s32 $0x500;
	p0 =	seq.s32 s9, $0x0;
	[sflag:s25] =	ssyncadd.s32 $0xFFFFEC00  }
0x9c: {  	[spmem:s2] =	stream.indirect.scatter.add.f32 [tilespmem:s23], [sflag:$0x10], $0x80, s10, s26, $0xb8;
	[tilespmem:$0x1AE00] =	vst v63  }
0x9d: {  	s10 =	simm.s32 @!p0 $0x13  }
0x9e: {  	_ =	swait.ge @!p0 [sflag:s10], $0x1400  }
0x9f: {  	[sflag:s10] =	ssyncset.done @!p0 $0x0  }
0xa0: {  	[sflag:s10] =	ssyncadd.s32 @!p0 $0xFFFFEC00  }
0xa1: {  	_ =	swait.ge [sflag:s28], $0x28  }
0xa2: {  	[sflag:s28] =	ssyncset.done $0x0  }
0xa3: {  	[sflag:s28] =	ssyncadd.s32 $0xFFFFFFD8  }
0xa4: {  	_ =	swait.ge [sflag:s28], $0x28  }
0xa5: {  	s22 =	simm.s32 $0x180;
	[sflag:s28] =	ssyncset.done $0x0;
	s1 =	sld [smem:$0x7FD]  }
0xa6: {  	s7 =	simm.s32 $0x4600;
	s11 =	sld [smem:$0x7FC];
	[sflag:s28] =	ssyncadd.s32 $0xFFFFFFD8  }
0xa7: {  	[tilespmem:s7], [sflag:$0xE] =	stream.indirect.gather [hbm4b:s5+s26], $0x80, s22, s26, $0xb8;
	[tilespmem:$0x1AE00] =	vst v63  }
0xa8: {  	s10 =	sadd.s32 s9, s1;
	s1 =	simm.s32 $0x400  }
0xa9: {  	[tilespmem:s1], [sflag:$0x9] =	stream.linear.gather [hbm4b:s10+s4], $0x28, $0x38;
	[tilespmem:$0x1AE00] =	vst v63  }
0xaa: {  	s10 =	sadd.s32 s9, s11;
	s11 =	simm.s32 $0x900  }
0xab: {  	[tilespmem:s11], [sflag:$0x9] =	stream.linear.gather [hbm4b:s10+s4], $0x28, $0x38;
	[tilespmem:$0x1AE00] =	vst v63  }
0xac: {  	_ =	swait.ge [sflag:s0], $0x1400  }
0xad: {  	[sflag:s0] =	ssyncset.done $0x0  }
0xae: {  	s16 =	simm.s32 $0x580;
	s10 =	simm.s32 @!p0 $0x14;
	[sflag:s0] =	ssyncadd.s32 $0xFFFFEC00  }
0xaf: {  	[spmem:s2] =	stream.indirect.scatter.add.f32 [tilespmem:s29], [sflag:$0x11], $0x80, s16, s26, $0xb8;
	[tilespmem:$0x1AE00] =	vst v63  }
0xb0: {  	_ =	swait.ge @!p0 [sflag:s10], $0x1400  }
0xb1: {  	[sflag:s10] =	ssyncset.done @!p0 $0x0  }
0xb2: {  	[sflag:s10] =	ssyncadd.s32 @!p0 $0xFFFFEC00  }
0xb3: {  	_ =	swait.ge [sflag:s3], $0x28  }
0xb4: {  	[sflag:s3] =	ssyncset.done $0x0  }
0xb5: {  	[sflag:s3] =	ssyncadd.s32 $0xFFFFFFD8  }
0xb6: {  	_ =	swait.ge [sflag:s3], $0x28  }
0xb7: {  	[sflag:s3] =	ssyncset.done $0x0;
	s11 =	sld [smem:$0x7FB]  }
0xb8: {  	s22 =	simm.s32 $0x200;
	s16 =	sld [smem:$0x7FA];
	[sflag:s3] =	ssyncadd.s32 $0xFFFFFFD8  }
0xb9: {  	[tilespmem:s20], [sflag:$0xF] =	stream.indirect.gather [hbm4b:s5+s26], $0x80, s22, s26, $0xb8;
	[tilespmem:$0x1AE00] =	vst v63  }
0xba: {  	s10 =	sadd.s32 s9, s11  }
0xbb: {  	[tilespmem:s21], [sflag:$0xA] =	stream.linear.gather [hbm4b:s10+s4], $0x28, $0x38;
	[tilespmem:$0x1AE00] =	vst v63  }
0xbc: {  	s22 =	simm.s32 $0xD;
	s10 =	sadd.s32 s9, s16  }
0xbd: {  	[tilespmem:s6], [sflag:$0xA] =	stream.linear.gather [hbm4b:s10+s4], $0x28, $0x38;
	[tilespmem:$0x1AE00] =	vst v63  }
0xbe: {  	_ =	swait.ge [sflag:s22], $0x1400  }
0xbf: {  	[sflag:s22] =	ssyncset.done $0x0  }
0xc0: {  	s6 =	simm.s32 $0x600;
	s10 =	simm.s32 $0x10;
	[sflag:s22] =	ssyncadd.s32 $0xFFFFEC00  }
0xc1: {  	[spmem:s2] =	stream.indirect.scatter.add.f32 [tilespmem:s12], [sflag:$0x12], $0x80, s6, s26, $0xb8;
	[tilespmem:$0x1AE00] =	vst v63  }
0xc2: {  	_ =	swait.ge [sflag:s10], $0x1400  }
0xc3: {  	[sflag:s10] =	ssyncset.done $0x0  }
0xc4: {  	[sflag:s10] =	ssyncadd.s32 $0xFFFFEC00  }
0xc5: {  	_ =	swait.ge [sflag:s13], $0x28  }
0xc6: {  	[sflag:s13] =	ssyncset.done $0x0  }
0xc7: {  	[sflag:s13] =	ssyncadd.s32 $0xFFFFFFD8  }
0xc8: {  	_ =	swait.ge [sflag:s13], $0x28  }
0xc9: {  	p0 =	seq.s32 s9, $0x4B0;
	s11 =	simm.s32 $0x280;
	[sflag:s13] =	ssyncset.done $0x0  }
0xca: {  	s16 =	sshrl.u32 @!p0 s31, $0x3;
	s10 =	rddreg [dreg:$0x4];
	[sflag:s13] =	ssyncadd.s32 $0xFFFFFFD8  }
0xcb: {  	[tilespmem:s23], [sflag:$0xB] =	stream.indirect.gather [hbm4b:s5+s26], $0x80, s11, s26, $0xb8;
	[tilespmem:$0x1AE00] =	vst v63  }
0xcc: {  	s22 =	sadd.s32 @!p0 s10, s16;
	s10 =	simm.s32 @!p0 $0x0;
	s11 =	rddreg [dreg:$0x1]  }
0xcd: {  	[tilespmem:s10], [sflag:$0x1] =	stream.linear.gather @!p0 [hbm4b:s22+s10], $0x28, $0x38;
	[tilespmem:$0x1AE00] =	vst v63  }
0xce: {  	s16 =	sadd.s32 @!p0 s11, s16;
	s22 =	simm.s32 @!p0 $0x500  }
0xcf: {  	[tilespmem:s22], [sflag:$0x1] =	stream.linear.gather @!p0 [hbm4b:s16+s10], $0x28, $0x38;
	[tilespmem:$0x1AE00] =	vst v63  }
0xd0: {  	_ =	swait.ge [sflag:s14], $0x1400  }
0xd1: {  	[sflag:s14] =	ssyncset.done $0x0  }
0xd2: {  	s16 =	simm.s32 $0x680;
	[sflag:s14] =	ssyncadd.s32 $0xFFFFEC00  }
0xd3: {  	[spmem:s2] =	stream.indirect.scatter.add.f32 [tilespmem:s7], [sflag:$0x13], $0x80, s16, s26, $0xb8;
	[tilespmem:$0x1AE00] =	vst v63  }
0xd4: {  	_ =	swait.ge [sflag:s15], $0x1400  }
0xd5: {  	[sflag:s15] =	ssyncset.done $0x0  }
0xd6: {  	[sflag:s15] =	ssyncadd.s32 $0xFFFFEC00  }
0xd7: {  	_ =	swait.ge [sflag:s17], $0x28  }
0xd8: {  	[sflag:s17] =	ssyncset.done $0x0  }
0xd9: {  	[sflag:s17] =	ssyncadd.s32 $0xFFFFFFD8  }
0xda: {  	_ =	swait.ge [sflag:s17], $0x28  }
0xdb: {  	[sflag:s17] =	ssyncset.done $0x0;
	s11 =	sld [smem:$0x7F8]  }
0xdc: {  	s22 =	simm.s32 $0x300;
	[sflag:s17] =	ssyncadd.s32 $0xFFFFFFD8  }
0xdd: {  	[tilespmem:s29], [sflag:$0xC] =	stream.indirect.gather [hbm4b:s5+s26], $0x80, s22, s26, $0xb8;
	[tilespmem:$0x1AE00] =	vst v63  }
0xde: {  	s16 =	sadd.s32 @!p0 s9, s11;
	s11 =	sld [smem:$0x7F7]  }
0xdf: {  	s22 =	simm.s32 @!p0 $0x80  }
0xe0: {  	[tilespmem:s22], [sflag:$0x2] =	stream.linear.gather @!p0 [hbm4b:s16+s10], $0x28, $0x38;
	[tilespmem:$0x1AE00] =	vst v63  }
0xe1: {  	s22 =	simm.s32 @!p0 $0x580;
	s16 =	sadd.s32 @!p0 s9, s11  }
0xe2: {  	[tilespmem:s22], [sflag:$0x2] =	stream.linear.gather @!p0 [hbm4b:s16+s10], $0x28, $0x38;
	[tilespmem:$0x1AE00] =	vst v63  }
0xe3: {  	_ =	swait.ge [sflag:s18], $0x1400  }
0xe4: {  	[sflag:s18] =	ssyncset.done $0x0  }
0xe5: {  	s16 =	simm.s32 $0x700;
	[sflag:s18] =	ssyncadd.s32 $0xFFFFEC00  }
0xe6: {  	[spmem:s2] =	stream.indirect.scatter.add.f32 [tilespmem:s20], [sflag:$0x14], $0x80, s16, s26, $0xb8;
	[tilespmem:$0x1AE00] =	vst v63  }
0xe7: {  	_ =	swait.ge [sflag:s19], $0x1400  }
0xe8: {  	[sflag:s19] =	ssyncset.done $0x0  }
0xe9: {  	[sflag:s19] =	ssyncadd.s32 $0xFFFFEC00  }
0xea: {  	_ =	swait.ge [sflag:s8], $0x28  }
0xeb: {  	[sflag:s8] =	ssyncset.done $0x0  }
0xec: {  	[sflag:s8] =	ssyncadd.s32 $0xFFFFFFD8  }
0xed: {  	_ =	swait.ge [sflag:s8], $0x28  }
0xee: {  	[sflag:s8] =	ssyncset.done $0x0;
	s11 =	sld [smem:$0x7F6]  }
0xef: {  	s22 =	simm.s32 $0x380;
	[sflag:s8] =	ssyncadd.s32 $0xFFFFFFD8  }
0xf0: {  	[tilespmem:s12], [sflag:$0xD] =	stream.indirect.gather [hbm4b:s5+s26], $0x80, s22, s26, $0xb8;
	[tilespmem:$0x1AE00] =	vst v63  }
0xf1: {  	s16 =	sadd.s32 @!p0 s9, s11;
	s11 =	sld [smem:$0x7F5]  }
0xf2: {  	s22 =	simm.s32 @!p0 $0x100  }
0xf3: {  	[tilespmem:s22], [sflag:$0x3] =	stream.linear.gather @!p0 [hbm4b:s16+s10], $0x28, $0x38;
	[tilespmem:$0x1AE00] =	vst v63  }
0xf4: {  	s22 =	simm.s32 @!p0 $0x600;
	s16 =	sadd.s32 @!p0 s9, s11  }
0xf5: {  	[tilespmem:s22], [sflag:$0x3] =	stream.linear.gather @!p0 [hbm4b:s16+s10], $0x28, $0x38;
	[tilespmem:$0x1AE00] =	vst v63  }
0xf6: {  	_ =	swait.ge [sflag:s25], $0x1400  }
0xf7: {  	[sflag:s25] =	ssyncset.done $0x0  }
0xf8: {  	s16 =	simm.s32 $0x780;
	s22 =	simm.s32 $0x13;
	[sflag:s25] =	ssyncadd.s32 $0xFFFFEC00  }
0xf9: {  	[spmem:s2] =	stream.indirect.scatter.add.f32 [tilespmem:s23], [sflag:$0x10], $0x80, s16, s26, $0xb8;
	[tilespmem:$0x1AE00] =	vst v63  }
0xfa: {  	_ =	swait.ge [sflag:s22], $0x1400  }
0xfb: {  	[sflag:s22] =	ssyncset.done $0x0  }
0xfc: {  	[sflag:s22] =	ssyncadd.s32 $0xFFFFEC00  }
0xfd: {  	_ =	swait.ge [sflag:s24], $0x28  }
0xfe: {  	[sflag:s24] =	ssyncset.done $0x0  }
0xff: {  	[sflag:s24] =	ssyncadd.s32 $0xFFFFFFD8  }
0x100: {  	_ =	swait.ge [sflag:s24], $0x28  }
0x101: {  	[sflag:s24] =	ssyncset.done $0x0;
	s11 =	sld [smem:$0x7F4]  }
0x102: {  	[sflag:s24] =	ssyncadd.s32 $0xFFFFFFD8  }
0x103: {  	[tilespmem:s7], [sflag:$0xE] =	stream.indirect.gather [hbm4b:s5+s26], $0x80, s1, s26, $0xb8;
	[tilespmem:$0x1AE00] =	vst v63  }
0x104: {  	s16 =	sadd.s32 @!p0 s9, s11;
	s11 =	sld [smem:$0x7F3]  }
0x105: {  	s22 =	simm.s32 @!p0 $0x180  }
0x106: {  	[tilespmem:s22], [sflag:$0x4] =	stream.linear.gather @!p0 [hbm4b:s16+s10], $0x28, $0x38;
	[tilespmem:$0x1AE00] =	vst v63  }
0x107: {  	s22 =	simm.s32 @!p0 $0x680;
	s16 =	sadd.s32 @!p0 s9, s11  }
0x108: {  	[tilespmem:s22], [sflag:$0x4] =	stream.linear.gather @!p0 [hbm4b:s16+s10], $0x28, $0x38;
	[tilespmem:$0x1AE00] =	vst v63  }
0x109: {  	_ =	swait.ge [sflag:s0], $0x1400  }
0x10a: {  	[sflag:s0] =	ssyncset.done $0x0  }
0x10b: {  	s16 =	simm.s32 $0x800;
	s22 =	simm.s32 $0x14;
	[sflag:s0] =	ssyncadd.s32 $0xFFFFEC00  }
0x10c: {  	[spmem:s2] =	stream.indirect.scatter.add.f32 [tilespmem:s29], [sflag:$0x11], $0x80, s16, s26, $0xb8;
	[tilespmem:$0x1AE00] =	vst v63  }
0x10d: {  	_ =	swait.ge [sflag:s22], $0x1400  }
0x10e: {  	[sflag:s22] =	ssyncset.done $0x0  }
0x10f: {  	[sflag:s22] =	ssyncadd.s32 $0xFFFFEC00  }
0x110: {  	_ =	swait.ge [sflag:s30], $0x28  }
0x111: {  	[sflag:s30] =	ssyncset.done $0x0  }
0x112: {  	[sflag:s30] =	ssyncadd.s32 $0xFFFFFFD8  }
0x113: {  	_ =	swait.ge [sflag:s30], $0x28  }
0x114: {  	[sflag:s30] =	ssyncset.done $0x0  }
0x115: {  	s16 =	simm.s32 @p0 $0xD;
	[sflag:s30] =	ssyncadd.s32 $0xFFFFFFD8  }
0x116: {  	[tilespmem:s20], [sflag:$0xF] =	stream.indirect.gather [hbm4b:s5+s26], $0x80, s21, s26, $0xb8;
	[tilespmem:$0x1AE00] =	vst v63  }
0x117: {  	_ =	swait.ge @p0 [sflag:s16], $0x1400  }
0x118: {  	s11 =	simm.s32 @p0 $0x3200;
	[sflag:s16] =	ssyncset.done @p0 $0x0  }
0x119: {  	s22 =	simm.s32 @p0 $0x880;
	[sflag:s16] =	ssyncadd.s32 @p0 $0xFFFFEC00;
	s16 =	simm.s32 @p0 $0x28  }
0x11a: {  	[spmem:s2] =	stream.indirect.scatter.add.f32 @p0 [tilespmem:s11], [sflag:$0x12], $0x80, s22, s16, $0xb8;
	[tilespmem:$0x1AE00] =	vst v63  }
0x11b: {  	s11 =	sld [smem:$0x7F2];
	_ =	sdelay $0x2  }
0x11c: {  	s16 =	simm.s32 @!p0 $0x200;
	s11 =	sadd.s32 @!p0 s9, s11  }
0x11d: {  	[tilespmem:s16], [sflag:$0x5] =	stream.linear.gather @!p0 [hbm4b:s11+s10], $0x28, $0x38;
	[tilespmem:$0x1AE00] =	vst v63  }
0x11e: {  	s11 =	rddreg [dreg:$0x1f]  }
0x11f: {  	s16 =	simm.s32 @!p0 $0x700;
	s11 =	sadd.s32 @!p0 s9, s11  }
0x120: {  	[tilespmem:s16], [sflag:$0x5] =	stream.linear.gather @!p0 [hbm4b:s11+s10], $0x28, $0x38;
	[tilespmem:$0x1AE00] =	vst v63  }
0x121: {  	s11 =	simm.s32 @!p0 $0xD  }
0x122: {  	_ =	swait.ge @!p0 [sflag:s11], $0x1400  }
0x123: {  	s22 =	simm.s32 @!p0 $0x3200;
	[sflag:s11] =	ssyncset.done @!p0 $0x0  }
0x124: {  	s16 =	simm.s32 @!p0 $0x880;
	[sflag:s11] =	ssyncadd.s32 @!p0 $0xFFFFEC00;
	s11 =	simm.s32 @!p0 $0x28  }
0x125: {  	[spmem:s2] =	stream.indirect.scatter.add.f32 @!p0 [tilespmem:s22], [sflag:$0x12], $0x80, s16, s11, $0xb8;
	[tilespmem:$0x1AE00] =	vst v63  }
0x126: {  	s16 =	simm.s32 @!p0 $0x10  }
0x127: {  	_ =	swait.ge @!p0 [sflag:s16], $0x1400  }
0x128: {  	[sflag:s16] =	ssyncset.done @!p0 $0x0  }
0x129: {  	[sflag:s16] =	ssyncadd.s32 @!p0 $0xFFFFEC00;
	s16 =	simm.s32 @!p0 $0x1  }
0x12a: {  	_ =	swait.ge @!p0 [sflag:s16], $0x28  }
0x12b: {  	[sflag:s16] =	ssyncset.done @!p0 $0x0  }
0x12c: {  	[sflag:s16] =	ssyncadd.s32 @!p0 $0xFFFFFFD8  }
0x12d: {  	_ =	swait.ge @!p0 [sflag:s16], $0x28  }
0x12e: {  	[sflag:s16] =	ssyncset.done @!p0 $0x0  }
0x12f: {  	[sflag:s16] =	ssyncadd.s32 @!p0 $0xFFFFFFD8;
	s16 =	simm.s32 @!p0 $0xA00  }
0x130: {  	[tilespmem:s16], [sflag:$0xB] =	stream.indirect.gather @!p0 [hbm4b:s5+s11], $0x80, s10, s11, $0xb8;
	[tilespmem:$0x1AE00] =	vst v63  }
0x131: {  	s11 =	rddreg [dreg:$0x1e]  }
0x132: {  	s16 =	simm.s32 @!p0 $0x280;
	s11 =	sadd.s32 @!p0 s9, s11  }
0x133: {  	[tilespmem:s16], [sflag:$0x6] =	stream.linear.gather @!p0 [hbm4b:s11+s10], $0x28, $0x38;
	[tilespmem:$0x1AE00] =	vst v63  }
0x134: {  	s11 =	rddreg [dreg:$0x1d]  }
0x135: {  	s16 =	simm.s32 @!p0 $0x780;
	s11 =	sadd.s32 @!p0 s9, s11  }
0x136: {  	[tilespmem:s16], [sflag:$0x6] =	stream.linear.gather @!p0 [hbm4b:s11+s10], $0x28, $0x38;
	[tilespmem:$0x1AE00] =	vst v63  }
.Ltmp2:
0x137: {  	_ =	swait.ge [sflag:s14], $0x1400;
	(pc) =	sbr.rel @p0 .LBB2_4-.Ltmp2, $4  }
0x138: {  	s6 =	simm.s32 $0x980;
	[sflag:s14] =	ssyncset.done $0x0  }
0x139: {  	s12 =	simm.s32 $0xA00;
	s29 =	simm.s32 $0x900;
	[sflag:s14] =	ssyncadd.s32 $0xFFFFEC00  }
0x13a: {  	[spmem:s2] =	stream.indirect.scatter.add.f32 [tilespmem:s7], [sflag:$0x13], $0x80, s29, s26, $0xb8;
	[tilespmem:$0x1AE00] =	vst v63  }
0x13b: {  	s25 =	simm.s32 $0x3200;
	s1 =	simm.s32 $0x1E00;
	s7 =	simm.s32 $0x5A00  }
0x13c: {  	_ =	swait.ge [sflag:s15], $0x1400  }
0x13d: {  	[sflag:s15] =	ssyncset.done $0x0  }
0x13e: {  	s10 =	simm.s32 $0x2;
	[sflag:s15] =	ssyncadd.s32 $0xFFFFEC00  }
0x13f: {  	_ =	swait.ge [sflag:s10], $0x28  }
0x140: {  	[sflag:s10] =	ssyncset.done $0x0  }
0x141: {  	[sflag:s10] =	ssyncadd.s32 $0xFFFFFFD8  }
0x142: {  	_ =	swait.ge [sflag:s10], $0x28  }
0x143: {  	[sflag:s10] =	ssyncset.done $0x0  }
0x144: {  	s16 =	simm.s32 $0x80;
	s20 =	rddreg [dreg:$0x1c];
	[sflag:s10] =	ssyncadd.s32 $0xFFFFFFD8  }
0x145: {  	[tilespmem:s1], [sflag:$0xC] =	stream.indirect.gather [hbm4b:s5+s26], $0x80, s16, s26, $0xb8;
	[tilespmem:$0x1AE00] =	vst v63  }
0x146: {  	s22 =	simm.s32 $0x300;
	s10 =	sadd.s32 s9, s20;
	s1 =	rddreg [dreg:$0x1b]  }
0x147: {  	[tilespmem:s22], [sflag:$0x7] =	stream.linear.gather [hbm4b:s10+s4], $0x28, $0x38;
	[tilespmem:$0x1AE00] =	vst v63  }
0x148: {  	s11 =	simm.s32 $0x800;
	s10 =	sadd.s32 s9, s1  }
0x149: {  	[tilespmem:s11], [sflag:$0x7] =	stream.linear.gather [hbm4b:s10+s4], $0x28, $0x38;
	[tilespmem:$0x1AE00] =	vst v63  }
0x14a: {  	_ =	swait.ge [sflag:s18], $0x1400  }
0x14b: {  	[sflag:s18] =	ssyncset.done $0x0  }
0x14c: {  	[sflag:s18] =	ssyncadd.s32 $0xFFFFEC00  }
0x14d: {  	[spmem:s2] =	stream.indirect.scatter.add.f32 [tilespmem:s7], [sflag:$0x14], $0x80, s6, s26, $0xb8;
	[tilespmem:$0x1AE00] =	vst v63  }
0x14e: {  	_ =	swait.ge [sflag:s19], $0x1400  }
0x14f: {  	[sflag:s19] =	ssyncset.done $0x0  }
0x150: {  	s12 =	simm.s32 $0x3;
	[sflag:s19] =	ssyncadd.s32 $0xFFFFEC00  }
0x151: {  	_ =	swait.ge [sflag:s12], $0x28  }
0x152: {  	[sflag:s12] =	ssyncset.done $0x0  }
0x153: {  	[sflag:s12] =	ssyncadd.s32 $0xFFFFFFD8  }
0x154: {  	s31 =	sadd.s32 $0x190, s31;
	_ =	swait.ge [sflag:s12], $0x28  }
0x155: {  	s29 =	simm.s32 $0x1E00;
	s16 =	simm.s32 $0x100;
	[sflag:s12] =	ssyncset.done $0x0  }
0x156: {  	s22 =	simm.s32 $0x380;
	s11 =	simm.s32 $0x880;
	[sflag:s12] =	ssyncadd.s32 $0xFFFFFFD8  }
0x157: {  	[tilespmem:s25], [sflag:$0xD] =	stream.indirect.gather [hbm4b:s5+s26], $0x80, s16, s26, $0xb8;
	[tilespmem:$0x1AE00] =	vst v63  }
.Ltmp3:
0x158: {  	s6 =	simm.s32 $0x980;
	s20 =	rddreg [dreg:$0x1a];
	(pc) =	sbr.rel .LBB2_2-.Ltmp3, $4  }
0x159: {  	s10 =	sadd.s32 s9, s20;
	s12 =	simm.s32 $0x3200;
	s25 =	rddreg [dreg:$0x19]  }
0x15a: {  	[tilespmem:s22], [sflag:$0x8] =	stream.linear.gather [hbm4b:s10+s4], $0x28, $0x38;
	[tilespmem:$0x1AE00] =	vst v63  }
0x15b: {  	s20 =	simm.s32 $0x5A00;
	s10 =	sadd.s32 s9, s25;
	s9 =	sadd.s32 $0x32, s9  }
0x15c: {  	[tilespmem:s11], [sflag:$0x8] =	stream.linear.gather [hbm4b:s10+s4], $0x28, $0x38;
	[tilespmem:$0x1AE00] =	vst v63  }
.LBB2_5:
0x15d: {  	_ =	sfence.sel $0x180000  }
0x15e: {  	[bflag:$0x0] =	sbarrier.arrive $0xFFFF  }
0x15f: {  	_ =	strace $0x9000004A  }
0x160: {  	s0 =	stileid.u32;
	[bflag:$0x2] =	sbarrier.arrive $0xFFFF  }
0x161: {  	p0 =	sne.s32 s0, $0x0;
	s0 =	rddreg [dreg:$0x3]  }
0x162: {  	s0 =	sadd.s32 @!p0 $0x100000, s0  }
0x163: {  	[sflag:s0] =	ssyncadd.tile.s32 @!p0 $0x1;
	_ =	shalt  }
.Lfunc_end2:
_tile_overlayer_lowered:
.L_overlay_start_2:
0x164: {  	(tag) =	ssettag $0x2  }
0x165: {  	s0 =	rddreg [dreg:$0x0];
	s2 =	stileid.u32  }
0x166: {  	s1 =	rddreg [dreg:$0x1];
	p0 =	sne.s32 s2, $0x0  }
0x167: {  	s3 =	rddreg [dreg:$0x2];
	[bflag:$0x3] =	sbarrier.arrive $0xFFFF;
	s2 =	simm.s32 @!p0 $0x1C15  }
0x168: {  	[timem:s3], [sflag:s2] =	dma.local @!p0 [hbm:s0], s1  }
0x169: {  	s0 =	simm.s32 @!p0 $0x15  }
0x16a: {  	_ =	swait.ge @!p0 [sflag:s0], s1  }
0x16b: {  	s1 =	ssub.s32 @!p0 $0x0, s1;
	[sflag:s0] =	ssyncset.done @!p0 $0x0  }
0x16c: {  	[sflag:s0] =	ssyncadd.s32 @!p0 s1  }
0x16d: {  	[bflag:$0x3] =	sbarrier.arrive $0xFFFF  }
0x16e: {  	_ =	shalt  }

// kernel: kernel.5.cloned.1.call-start
scs
__scs_entry_jumppad:
0x0: {  	(pc) =	sbr.rel $0x88, $3  }
0x1: {  	(tag) =	ssettag $0x0;
	lr =	simm.s32 $0x1  }
0x2: {  	[smem:$0x3F9A] =	sst lr;
	_ =	strace $0xD0000000  }
0x3: {  	_ = 	snop  }
0x4: {  	_ = 	snop  }
0x5: {  	_ = 	snop  }
0x6: {  	_ = 	snop  }
0x7: {  	_ = 	snop  }
__scs_overlays_trampoline_lowered:
0x8: {  	[smem:$0x3FA9] =	sst s0  }
0x9: {  	[smem:$0x3FAA] =	sst s1  }
0xa: {  	[smem:$0x3FAB] =	sst s2  }
0xb: {  	[smem:$0x3FAC] =	sst s3  }
0xc: {  	[smem:$0x3FAD] =	sst s4  }
0xd: {  	[smem:$0x3FAE] =	sst s5  }
0xe: {  	[smem:$0x3FAF] =	sst s6  }
0xf: {  	[smem:$0x3FB0] =	sst s7  }
0x10: {  	[smem:$0x3FB1] =	sst s8  }
0x11: {  	[smem:$0x3FB2] =	sst s9;
	s0 =	simm.s32 @!p0 $0x0  }
0x12: {  	s1 =	sld [smem:$0x3F98];
	s0 =	simm.s32 @p0 $0x1  }
0x13: {  	[smem:$0x3FB3] =	sst s0;
	s0 =	simm.s32 @!p1 $0x0  }
0x14: {  	s2 =	sld [smem:$0x3F97];
	s0 =	simm.s32 @p1 $0x1  }
0x15: {  	[smem:$0x3FB4] =	sst s0;
	s0 =	simm.s32 @!p2 $0x0  }
0x16: {  	s3 =	sld [smem:$0x3FDB];
	s0 =	simm.s32 @p2 $0x1  }
0x17: {  	s4 =	simm.s32 $0x1BF5;
	[smem:$0x3FB6] =	sst s0  }
0x18: {  	s0 =	sld [smem:$0x3F99];
	_ =	swait.ge [sflag:s4], $0x0  }
0x19: {  	s7 =	sld [smem:$0x3F9A]  }
0x1a: {  	s8 =	sadd.s32 $0xFFFFE003, lr  }
0x1b: {  	s9 =	sadd.s32 $0xFFFFFEF7, lr;
	s5 =	simm.s32 $0xFFFFFFFF;
	p2 =	slt.u32 s8, $0xFFFFF086  }
0x1c: {  	p1 =	slt.u32 s9, $0xF7A;
	s5 =	simm.s32 @!p2 $0x0  }
0x1d: {  	s5 =	simm.s32 @p1 $0x1;
	p0 =	seq.s32 s7, s2  }
0x1e: {  	s7 =	smul.u32 @!p0 $0xF7A, s2;
	p2 =	seq.s32 @!p0 s5, $0x0  }
0x1f: {  	s9 =	smul.u32 $0xF7A, s1;
	s8 =	simm.s32 @!p0 $0x1BF5;
	p2 =	por !p2, p0  }
0x20: {  	[sflag:s8] =	ssyncset.s32 @!p0 $0xFFFFF086;
	s6 =	sadd.s32 @!p0 s3, s7;
	s7 =	simm.s32 @!p0 $0x108  }
0x21: {  	s3 =	sadd.s32 s3, s9;
	s6 =	sadd.s32 @!p0 $0x88, s6;
	s7 =	simm.s32 @p2 $0x1082  }
0x22: {  	[simem:s7], [sflag:s8] =	dma.local @!p0 [hbm:s6], $0xF7A  }
0x23: {  	s9 =	sor.u32 $0xD0000000, s2;
	s6 =	simm.s32 $0x108;
	_ =	swait.ge @!p0 [sflag:s8], $0x0  }
0x24: {  	s3 =	sadd.s32 $0x88, s3;
	s6 =	simm.s32 @!p1 $0x1082;
	[sflag:s4] =	ssyncset.s32 $0xFFFFF086  }
0x25: {  	[simem:s6], [sflag:s4] =	dma.local [hbm:s3], $0xF7A  }
0x26: {  	[smem:$0x3F9A] =	sst s1;
	(tag) =	ssettag s2;
	_ =	strace s9  }
0x27: {  	s1 =	sld [smem:$0x3FAA]  }
0x28: {  	s2 =	sld [smem:$0x3FAB]  }
0x29: {  	s4 =	sld [smem:$0x3FAD]  }
0x2a: {  	p0 =	seq.s32 s5, $0x0;
	s5 =	sld [smem:$0x3FAE]  }
0x2b: {  	s6 =	sld [smem:$0x3FAF]  }
0x2c: {  	s7 =	sld [smem:$0x3FB0]  }
0x2d: {  	s3 =	simm.s32 $0x108;
	s8 =	sld [smem:$0x3FB1]  }
0x2e: {  	s3 =	simm.s32 @!p0 $0x1082;
	s9 =	sld [smem:$0x3FB2]  }
0x2f: {  	lr =	sadd.s32 s0, s3;
	s0 =	sld [smem:$0x3FA9]  }
0x30: {  	s3 =	sld [smem:$0x3FAC]  }
0x31: {  	[smem:$0x3FB5] =	sst s10  }
0x32: {  	s10 =	sld [smem:$0x3FB3];
	_ =	sdelay $0x3  }
0x33: {  	p0 =	seq.s32 s10, $0x1;
	s10 =	sld [smem:$0x3FB5];
	_ =	sdelay $0x3  }
0x34: {  	[smem:$0x3FB5] =	sst s10  }
0x35: {  	s10 =	sld [smem:$0x3FB4];
	_ =	sdelay $0x3  }
0x36: {  	p1 =	seq.s32 s10, $0x1;
	s10 =	sld [smem:$0x3FB5];
	_ =	sdelay $0x3  }
0x37: {  	[smem:$0x3FB5] =	sst s10  }
0x38: {  	s10 =	sld [smem:$0x3FB6]  }
0x39: {  	_ = 	snop;
	(pc) =	sbr.ind lr, $3  }
0x3a: {  	_ = 	snop  }
0x3b: {  	_ = 	snop  }
0x3c: {  	p2 =	seq.s32 s10, $0x1;
	s10 =	sld [smem:$0x3FB5]  }
0x3d: {  	_ =	shalt  }
0x3e: {  	_ =	shalt  }
0x3f: {  	_ =	shalt  }
0x40: {  	_ =	shalt  }
0x41: {  	_ =	shalt  }
0x42: {  	_ =	shalt  }
0x43: {  	_ =	shalt  }
0x44: {  	_ =	shalt  }
0x45: {  	_ =	shalt  }
0x46: {  	_ =	shalt  }
0x47: {  	_ =	shalt  }
0x48: {  	_ =	shalt  }
0x49: {  	_ =	shalt  }
0x4a: {  	_ =	shalt  }
0x4b: {  	_ =	shalt  }
0x4c: {  	_ =	shalt  }
0x4d: {  	_ =	shalt  }
0x4e: {  	_ =	shalt  }
0x4f: {  	_ =	shalt  }
0x50: {  	_ =	shalt  }
0x51: {  	_ =	shalt  }
0x52: {  	_ =	shalt  }
0x53: {  	_ =	shalt  }
0x54: {  	_ =	shalt  }
0x55: {  	_ =	shalt  }
0x56: {  	_ =	shalt  }
0x57: {  	_ =	shalt  }
0x58: {  	_ =	shalt  }
0x59: {  	_ =	shalt  }
0x5a: {  	_ =	shalt  }
0x5b: {  	_ =	shalt  }
0x5c: {  	_ =	shalt  }
0x5d: {  	_ =	shalt  }
0x5e: {  	_ =	shalt  }
0x5f: {  	_ =	shalt  }
0x60: {  	_ =	shalt  }
0x61: {  	_ =	shalt  }
0x62: {  	_ =	shalt  }
0x63: {  	_ =	shalt  }
0x64: {  	_ =	shalt  }
0x65: {  	_ =	shalt  }
0x66: {  	_ =	shalt  }
0x67: {  	_ =	shalt  }
0x68: {  	_ =	shalt  }
0x69: {  	_ =	shalt  }
0x6a: {  	_ =	shalt  }
0x6b: {  	_ =	shalt  }
0x6c: {  	_ =	shalt  }
0x6d: {  	_ =	shalt  }
0x6e: {  	_ =	shalt  }
0x6f: {  	_ =	shalt  }
0x70: {  	_ =	shalt  }
0x71: {  	_ =	shalt  }
0x72: {  	_ =	shalt  }
0x73: {  	_ =	shalt  }
0x74: {  	_ =	shalt  }
0x75: {  	_ =	shalt  }
0x76: {  	_ =	shalt  }
0x77: {  	_ =	shalt  }
0x78: {  	_ =	shalt  }
0x79: {  	_ =	shalt  }
0x7a: {  	_ =	shalt  }
0x7b: {  	_ =	shalt  }
0x7c: {  	_ =	shalt  }
0x7d: {  	_ =	shalt  }
0x7e: {  	_ =	shalt  }
0x7f: {  	_ =	shalt  }
0x80: {  	_ =	shalt  }
0x81: {  	_ =	shalt  }
0x82: {  	_ =	shalt  }
0x83: {  	_ =	shalt  }
0x84: {  	_ =	shalt  }
0x85: {  	_ =	shalt  }
0x86: {  	_ =	shalt  }
0x87: {  	_ =	shalt  }
.Lfunc_end0:
.L_simem_size_0:
called_computation.1_lowered:
.L_overlay_start_0:
0x88: {  	s2 =	sld [smem:$0x3FD9]  }
0x89: {  	s3 =	sld [smem:$0x3FFE];
	_ =	sdelay $0x1  }
0x8a: {  	s1 =	srdreg.scid  }
0x8b: {  	s0 =	sand.u32 $0x1, s1  }
0x8c: {  	s17 =	sshll.u32 s0, $0xA;
	s2 =	sadd.s32 s3, s2  }
0x8d: {  	s2 =	sadd.s32 s2, s17  }
0x8e: {  	[smem:$0x3FC1] =	sst s2  }
0x8f: {  	_ = 	snop  }
0x90: {  	s2 =	sld [smem:$0x3FD0];
	(tm) =	ssettm $0x1  }
0x91: {  	s18 =	sld [smem:$0x3FFB];
	_ =	sdelay $0x3  }
0x92: {  	_ =	strace s18  }
0x93: {  	s3 =	sld [smem:$0x3FFC];
	_ =	sdelay $0x3  }
0x94: {  	_ =	strace s3  }
0x95: {  	s3 =	sld [smem:$0x3FFD];
	_ =	sdelay $0x3  }
0x96: {  	_ =	strace s3  }
0x97: {  	_ =	strace $0x8FFFFFFF  }
0x98: {  	s19 =	sld [smem:$0x3FDB];
	_ =	sdelay $0x1  }
0x99: {  	s4 =	simm.s32 $_scs_section_size  }
0x9a: {  	s5 =	simm.s32 $_size__tile_overlayer_lowered;
	s6 =	simm.s32 $_tile_overlayer_lowered  }
0x9b: {  	s22 =	simm.s32 $0x1BFF;
	s21 =	sshll.u32 s6, $0x1;
	s3 =	sadd.s32 s4, s19  }
0x9c: {  	s7 =	simm.s32 $0x0;
	s20 =	sshll.u32 s5, $0x1;
	s5 =	sadd.s32 s21, s3  }
0x9d: {  	[timem:s7], [sflag:s22] =	dma.local [hbm:s5], s20  }
0x9e: {  	_ =	swait.ge [sflag:s22], s20  }
0x9f: {  	s4 =	ssub.s32 $0x0, s20;
	[sflag:s22] =	ssyncset.done $0x0  }
0xa0: {  	[sflag:s22] =	ssyncadd.s32 s4;
	_ =	sdelay $0x1  }
0xa1: {  	s23 =	simm.s32 $0x1B8B  }
0xa2: {  	_ =	swait.ge [sflag:s23], $0x1  }
0xa3: {  	[sflag:s23] =	ssyncset.done $0x0  }
0xa4: {  	s25 =	simm.s32 $0x1B8E;
	s24 =	sld [smem:$0x3FFE];
	[sflag:s23] =	ssyncadd.s32 $0xFFFFFFFF  }
0xa5: {  	s26 =	simm.s32 $execute0_lowered;
	[smem:$0x3FD2] =	sst s25  }
0xa6: {  	s5 =	sshll.u32 s26, $0x1;
	_ =	strace $0x80000046;
	[dreg:$0x1] =	wrdreg $0xFFFFFFFF  }
0xa7: {  	s28 =	simm.s32 $_size_execute0_lowered;
	s3 =	sadd.s32 s3, s5;
	[dreg:$0x0] =	wrdreg $0x0  }
0xa8: {  	s5 =	sshll.u32 s28, $0x1;
	[dreg:$0x2] =	wrdreg s3  }
0xa9: {  	[dreg:$0x3] =	wrdreg s5  }
0xaa: {  	[dreg:$0x4] =	wrdreg $0xC0  }
0xab: {  	_ =	task [dreg:s7], $0x5FFFF  }
0xac: {  	[dreg:$0x1] =	wrdreg $0xFFFFFFFF  }
0xad: {  	[dreg:$0x0] =	wrdreg $0x60  }
0xae: {  	[dreg:$0x2] =	wrdreg s2  }
0xaf: {  	[dreg:$0x3] =	wrdreg s24  }
0xb0: {  	[dreg:$0x4] =	wrdreg $0x2A800  }
0xb1: {  	[dreg:$0x5] =	wrdreg $0x9  }
0xb2: {  	_ =	task.clear_ibuf [dreg:s7], $0x6FFFF;
	_ =	strace $0x90000046  }
0xb3: {  	s29 =	simm.s32 $0x9;
	_ =	strace $0x80000048  }
0xb4: {  	_ =	swait.ge [sflag:s29], $0x1  }
0xb5: {  	[sflag:s29] =	ssyncadd.s32 $0xFFFFFFFF  }
0xb6: {  	_ =	strace $0x90000048  }
0xb7: {  	_ =	sfence  }
0xb8: {  	s30 =	sld [smem:$0x0];
	_ =	sdelay $0x2  }
0xb9: {  	s31 =	sshll.u32 s1, $0xD;
	s1 =	sshrl.u32 s1, $0x2  }
0xba: {  	s3 =	sand.u32 $0x4000, s31;
	s1 =	sadd.s32 s1, s30  }
0xbb: {  	s0 =	sor.u32 s3, s0;
	s1 =	sshll.u32 s1, $0x11  }
0xbc: {  	s0 =	sor.u32 s1, s0  }
0xbd: {  	s0 =	sadd.s32 $0x8F2B, s0  }
0xbe: {  	[sflag:s0] =	ssyncadd.remote.s32 $0x1  }
0xbf: {  	_ =	sfence.sel $0xFFFF  }
0xc0: {  	[dreg:$0x0] =	wrdreg $0xFFFFFFFF;
	(pc) =	sbr.abs _section_cstart, $3  }
0xc1: {  	[dreg:$0x1] =	wrdreg $0xFFFFFFFF  }
0xc2: {  	_ =	task.clear_ibuf [dreg:s7], $0x2FFFF;
	_ =	strace $0x9FFFFFFF  }
0xc3: {  	(tm) =	ssettm $0x7FFFFFFF  }
tec
execute0_lowered:
.L_overlay_start_1:
0x0: {  	(tag) =	ssettag $0x1  }
0x1: {  	s1 =	rddreg [dreg:$0x0]  }
0x2: {  	s0 =	rddreg [dreg:$0x1]  }
0x3: {  	s2 =	rddreg [dreg:$0x2]  }
0x4: {  	s3 =	srdreg.scid;
	s4 =	simm.s32 $0x0;
	s10 =	stileid.u32  }
0x5: {  	s17 =	simm.s32 $0x280;
	s18 =	simm.s32 $0xB;
	s28 =	simm.s32 $0x200  }
0x6: {  	s29 =	simm.s32 $0x3;
	s30 =	simm.s32 $0x5;
	s6 =	smul.u32 $0x14000, s10  }
0x7: {  	s3 =	sand.u32 $0x1, s3;
	[smem:$0x7FF] =	sst s4;
	s31 =	smul.u32 $0x50000, s10  }
0x8: {  	s8 =	sadd.s32 $0x2000, s0;
	s26 =	sadd.s32 $0x2600, s0;
	s9 =	smul.u32 $0x2710, s10  }
0x9: {  	s5 =	smul.u32 $0x140000, s3;
	_ =	strace $0x80000047;
	[dreg:$0x4] =	wrdreg s8  }
0xa: {  	s7 =	sshll.u32 s3, $0x4;
	[dreg:$0x5] =	wrdreg s26;
	s8 =	ssub.s32 $0x2, s3  }
0xb: {  	s3 =	smul.u32 $0x27100, s3;
	s7 =	sor.u32 s10, s7;
	s11 =	sshrl.u32 s8, $0x1  }
0xc: {  	s12 =	sshrl.u32 s31, $0x2;
	s31 =	sshll.u32 s10, $0x6;
	s5 =	sadd.s32 s6, s5  }
0xd: {  	s25 =	smul.u32 $0x2710, s7;
	s14 =	sadd.s32 s12, s2;
	s3 =	sadd.s32 s9, s3  }
0xe: {  	s5 =	sshrl.u32 s5, $0x3;
	s20 =	sadd.s32 $0x230, s3;
	s21 =	sadd.s32 $0x1E0, s3  }
0xf: {  	s23 =	sadd.s32 $0x140, s3;
	s0 =	sadd.s32 s5, s0;
	s6 =	sshrl.u32 s25, $0x3  }
0x10: {  	s5 =	ssub.s32 s8, s11;
	s22 =	sshrl.u32 s21, $0x3;
	s24 =	sshrl.u32 s23, $0x3  }
0x11: {  	s25 =	sadd.s32 $0xF0, s3;
	s3 =	sadd.s32 $0x190, s3;
	s21 =	simm.s32 $0x80  }
0x12: {  	s23 =	simm.s32 $0x1;
	s8 =	simm.s32 $0x0;
	s13 =	sadd.s32 s1, s6  }
0x13: {  	s0 =	sadd.s32 $0x4E00, s0;
	s5 =	smax.u32 s5, $0x1;
	[dreg:$0xb] =	wrdreg s3  }
0x14: {  	s15 =	sadd.s32 s24, s1;
	s26 =	sshrl.u32 s25, $0x3;
	s24 =	simm.s32 $0x50  }
0x15: {  	s25 =	simm.s32 $0x180;
	s3 =	simm.s32 $0x8;
	[dreg:$0x6] =	wrdreg s13  }
0x16: {  	s6 =	simm.s32 $0xA;
	s19 =	sadd.s32 $0xA, s13;
	[dreg:$0x9] =	wrdreg s0  }
.Ltmp0:
0x17: {  	s7 =	sadd.s32 $0x14, s13;
	[dreg:$0xa] =	wrdreg s5;
	(pc) =	sbr.rel .LBB2_1-.Ltmp0, $4  }
0x18: {  	s0 =	sshrl.u32 s20, $0x3;
	s13 =	sadd.s32 s22, s1;
	s16 =	sadd.s32 s26, s1  }
0x19: {  	s20 =	sshrl.u32 s14, $0x3;
	s22 =	simm.s32 $0x100;
	[dreg:$0x7] =	wrdreg s19  }
0x1a: {  	s26 =	simm.s32 $0x2;
	s5 =	simm.s32 $0x9;
	[dreg:$0x8] =	wrdreg s7  }
0x1b: {  	s12 =	sadd.s32 s0, s1;
	s19 =	sor.u32 $0x1C0B, s31;
	s0 =	simm.s32 $0x7  }
.LBB2_4:
0x1c: {  	s7 =	simm.s32 $0x6  }
0x1d: {  	_ =	swait.ge [sflag:s7], $0x2800  }
0x1e: {  	[sflag:s7] =	ssyncset.done $0x0  }
0x1f: {  	[sflag:s7] =	ssyncadd.s32 $0xFFFFD800  }
0x20: {  	_ =	swait.ge [sflag:s0], $0x2800  }
0x21: {  	[sflag:s0] =	ssyncset.done $0x0  }
0x22: {  	[sflag:s0] =	ssyncadd.s32 $0xFFFFD800  }
0x23: {  	_ =	swait.ge [sflag:s3], $0x2800  }
0x24: {  	[sflag:s3] =	ssyncset.done $0x0  }
0x25: {  	[sflag:s3] =	ssyncadd.s32 $0xFFFFD800  }
0x26: {  	_ =	swait.ge [sflag:s5], $0x2800  }
0x27: {  	[sflag:s5] =	ssyncset.done $0x0  }
0x28: {  	[sflag:s5] =	ssyncadd.s32 $0xFFFFD800  }
0x29: {  	_ =	swait.ge [sflag:s6], $0x2800  }
0x2a: {  	[sflag:s6] =	ssyncset.done $0x0  }
0x2b: {  	[sflag:s6] =	ssyncadd.s32 $0xFFFFD800  }
0x2c: {  	[bflag:$0x0] =	sbarrier.arrive $0xFFFF  }
0x2d: {  	s14 =	rddreg [dreg:$0x9]  }
0x2e: {  	[hbm:s14], [sflag:s19] =	dma.local [spmem:s20], $0x2800  }
0x2f: {  	_ =	swait.ge [sflag:s18], $0x2800  }
0x30: {  	s8 =	sadd.s32 $0x1, s8;
	s31 =	rddreg [dreg:$0xa]  }
0x31: {  	p0 =	sne.s32 s8, s31  }
.Ltmp1:
0x32: {  	_ = 	snop;
	(pc) =	sbr.rel @!p0 .LBB2_5-.Ltmp1, $3  }
0x33: {  	_ =	sdelay $0x1  }
0x34: {  	[sflag:s18] =	ssyncset.done $0x0  }
0x35: {  	[sflag:s18] =	ssyncadd.s32 $0xFFFFD800  }
.LBB2_1:
0x36: {  	s7 =	rddreg [dreg:$0x4]  }
0x37: {  	[tilespmem:s17], [sflag:$0xB] =	stream.linear.gather [hbm4b:s7+s4], $0x2800, $0x38;
	[tilespmem:$0x16A80] =	vst v63  }
0x38: {  	_ =	swait.ge [sflag:s18], $0x2800  }
0x39: {  	[sflag:s18] =	ssyncset.done $0x0  }
0x3a: {  	s10 =	rddreg [dreg:$0x5];
	[sflag:s18] =	ssyncadd.s32 $0xFFFFD800  }
0x3b: {  	[spmem:s20], [sflag:s19] =	dma.local [hbm:s10], $0x2800  }
0x3c: {  	_ =	swait.ge [sflag:s18], $0x2800  }
0x3d: {  	[sflag:s18] =	ssyncset.done $0x0  }
0x3e: {  	[sflag:s18] =	ssyncadd.s32 $0xFFFFD800  }
0x3f: {  	[bflag:$0x0] =	sbarrier.arrive $0xFFFF  }
0x40: {  	s11 =	rddreg [dreg:$0x6]  }
0x41: {  	s14 =	rddreg [dreg:$0x7]  }
0x42: {  	[tilespmem:s4], [sflag:$0x1] =	stream.linear.gather [hbm4b:s11+s4], $0x50, $0x38;
	[tilespmem:$0x16A80] =	vst v63  }
0x43: {  	s31 =	rddreg [dreg:$0x8]  }
0x44: {  	[tilespmem:s21], [sflag:$0x2] =	stream.linear.gather [hbm4b:s14+s4], $0x50, $0x38;
	[tilespmem:$0x16A80] =	vst v63  }
0x45: {  	s10 =	simm.s32 $0x0;
	s14 =	rddreg [dreg:$0xb]  }
0x46: {  	[tilespmem:s22], [sflag:$0x3] =	stream.linear.gather [hbm4b:s31+s4], $0x50, $0x38;
	[tilespmem:$0x16A80] =	vst v63  }
.LBB2_2:
0x47: {  	_ =	swait.ge [sflag:s23], $0x50  }
0x48: {  	p0 =	seq.s32 s10, $0x0;
	[sflag:s23] =	ssyncset.done $0x0  }
0x49: {  	s11 =	simm.s32 @!p0 $0x9;
	[sflag:s23] =	ssyncadd.s32 $0xFFFFFFB0  }
0x4a: {  	[spmem:s2] =	stream.indirect.scatter.add.f32 [tilespmem:s17], [sflag:$0x6], $0x80, s4, s24, $0xb8;
	[tilespmem:$0x16A80] =	vst v63  }
0x4b: {  	_ =	swait.ge @!p0 [sflag:s11], $0x2800  }
0x4c: {  	[sflag:s11] =	ssyncset.done @!p0 $0x0  }
0x4d: {  	s9 =	sadd.s32 s10, s16;
	[sflag:s11] =	ssyncadd.s32 @!p0 $0xFFFFD800  }
0x4e: {  	[tilespmem:s25], [sflag:$0x4] =	stream.linear.gather [hbm4b:s9+s4], $0x50, $0x38;
	[tilespmem:$0x16A80] =	vst v63  }
0x4f: {  	_ =	swait.ge [sflag:s26], $0x50  }
0x50: {  	[sflag:s26] =	ssyncset.done $0x0  }
0x51: {  	s11 =	simm.s32 @!p0 $0xA;
	[sflag:s26] =	ssyncadd.s32 $0xFFFFFFB0  }
0x52: {  	[spmem:s2] =	stream.indirect.scatter.add.f32 [tilespmem:s17], [sflag:$0x7], $0x80, s21, s24, $0xb8;
	[tilespmem:$0x16A80] =	vst v63  }
0x53: {  	_ =	swait.ge @!p0 [sflag:s11], $0x2800  }
0x54: {  	[sflag:s11] =	ssyncset.done @!p0 $0x0  }
0x55: {  	s31 =	sadd.s32 s10, s15;
	[sflag:s11] =	ssyncadd.s32 @!p0 $0xFFFFD800  }
0x56: {  	[tilespmem:s28], [sflag:$0x5] =	stream.linear.gather [hbm4b:s31+s4], $0x50, $0x38;
	[tilespmem:$0x16A80] =	vst v63  }
0x57: {  	_ =	swait.ge [sflag:s29], $0x50  }
0x58: {  	p0 =	seq.s32 s10, $0x4B0;
	[sflag:s29] =	ssyncset.done $0x0  }
0x59: {  	s11 =	simm.s32 @p0 $0x4;
	[sflag:s29] =	ssyncadd.s32 $0xFFFFFFB0  }
0x5a: {  	[spmem:s2] =	stream.indirect.scatter.add.f32 [tilespmem:s17], [sflag:$0x8], $0x80, s22, s24, $0xb8;
	[tilespmem:$0x16A80] =	vst v63  }
0x5b: {  	_ =	swait.ge @p0 [sflag:s11], $0x50  }
0x5c: {  	s7 =	simm.s32 @p0 $0x180;
	[sflag:s11] =	ssyncset.done @p0 $0x0  }
0x5d: {  	s9 =	simm.s32 @p0 $0x280;
	[sflag:s11] =	ssyncadd.s32 @p0 $0xFFFFFFB0;
	s11 =	simm.s32 @p0 $0x50  }
0x5e: {  	[spmem:s2] =	stream.indirect.scatter.add.f32 @p0 [tilespmem:s9], [sflag:$0x9], $0x80, s7, s11, $0xb8;
	[tilespmem:$0x16A80] =	vst v63  }
0x5f: {  	s7 =	simm.s32 @!p0 $0x6  }
0x60: {  	_ =	swait.ge @!p0 [sflag:s7], $0x2800  }
0x61: {  	s9 =	sshrl.u32 @!p0 s14, $0x3;
	[sflag:s7] =	ssyncset.done @!p0 $0x0  }
0x62: {  	[sflag:s7] =	ssyncadd.s32 @!p0 $0xFFFFD800;
	s7 =	sadd.s32 @!p0 s1, s9;
	s9 =	simm.s32 @!p0 $0x0  }
0x63: {  	[tilespmem:s9], [sflag:$0x1] =	stream.linear.gather @!p0 [hbm4b:s7+s9], $0x50, $0x38;
	[tilespmem:$0x16A80] =	vst v63  }
0x64: {  	s7 =	simm.s32 @!p0 $0x4  }
0x65: {  	_ =	swait.ge @!p0 [sflag:s7], $0x50  }
0x66: {  	s31 =	simm.s32 @!p0 $0x280;
	[sflag:s7] =	ssyncset.done @!p0 $0x0  }
0x67: {  	s11 =	simm.s32 @!p0 $0x180;
	[sflag:s7] =	ssyncadd.s32 @!p0 $0xFFFFFFB0;
	s7 =	simm.s32 @!p0 $0x50  }
0x68: {  	[spmem:s2] =	stream.indirect.scatter.add.f32 @!p0 [tilespmem:s31], [sflag:$0x9], $0x80, s11, s7, $0xb8;
	[tilespmem:$0x16A80] =	vst v63  }
0x69: {  	s7 =	simm.s32 @!p0 $0x7  }
0x6a: {  	_ =	swait.ge @!p0 [sflag:s7], $0x2800  }
0x6b: {  	[sflag:s7] =	ssyncset.done @!p0 $0x0  }
0x6c: {  	s11 =	simm.s32 @!p0 $0x80;
	[sflag:s7] =	ssyncadd.s32 @!p0 $0xFFFFD800;
	s7 =	sadd.s32 @!p0 s10, s13  }
0x6d: {  	[tilespmem:s11], [sflag:$0x2] =	stream.linear.gather @!p0 [hbm4b:s7+s9], $0x50, $0x38;
	[tilespmem:$0x16A80] =	vst v63  }
.Ltmp2:
0x6e: {  	_ = 	snop;
	(pc) =	sbr.rel @p0 .LBB2_4-.Ltmp2, $4  }
0x6f: {  	_ =	swait.ge [sflag:s30], $0x50  }
0x70: {  	[sflag:s30] =	ssyncset.done $0x0  }
0x71: {  	[sflag:s30] =	ssyncadd.s32 $0xFFFFFFB0  }
0x72: {  	[spmem:s2] =	stream.indirect.scatter.add.f32 [tilespmem:s17], [sflag:$0xA], $0x80, s28, s24, $0xb8;
	[tilespmem:$0x16A80] =	vst v63  }
.Ltmp3:
0x73: {  	(pc) =	sbr.rel .LBB2_2-.Ltmp3, $4  }
0x74: {  	_ =	swait.ge [sflag:s3], $0x2800  }
0x75: {  	s7 =	sadd.s32 s10, s12;
	[sflag:s3] =	ssyncset.done $0x0  }
0x76: {  	s10 =	sadd.s32 $0x32, s10;
	s14 =	sadd.s32 $0x190, s14;
	[sflag:s3] =	ssyncadd.s32 $0xFFFFD800  }
0x77: {  	[tilespmem:s22], [sflag:$0x3] =	stream.linear.gather [hbm4b:s7+s4], $0x50, $0x38;
	[tilespmem:$0x16A80] =	vst v63  }
.LBB2_5:
0x78: {  	_ =	sfence.sel $0x180000  }
0x79: {  	[bflag:$0x0] =	sbarrier.arrive $0xFFFF  }
0x7a: {  	_ =	strace $0x90000047  }
0x7b: {  	s0 =	stileid.u32;
	[bflag:$0x2] =	sbarrier.arrive $0xFFFF  }
0x7c: {  	p0 =	sne.s32 s0, $0x0;
	s0 =	rddreg [dreg:$0x3]  }
0x7d: {  	s0 =	sadd.s32 @!p0 $0x100000, s0  }
0x7e: {  	[sflag:s0] =	ssyncadd.tile.s32 @!p0 $0x1;
	_ =	shalt  }
.Lfunc_end2:
_tile_overlayer_lowered:
.L_overlay_start_2:
0x7f: {  	(tag) =	ssettag $0x2  }
0x80: {  	s0 =	rddreg [dreg:$0x0];
	s2 =	stileid.u32  }
0x81: {  	s1 =	rddreg [dreg:$0x1];
	p0 =	sne.s32 s2, $0x0  }
0x82: {  	s3 =	rddreg [dreg:$0x2];
	[bflag:$0x3] =	sbarrier.arrive $0xFFFF;
	s2 =	simm.s32 @!p0 $0x1C0B  }
0x83: {  	[timem:s3], [sflag:s2] =	dma.local @!p0 [hbm:s0], s1  }
0x84: {  	s0 =	simm.s32 @!p0 $0xB  }
0x85: {  	_ =	swait.ge @!p0 [sflag:s0], s1  }
0x86: {  	s1 =	ssub.s32 @!p0 $0x0, s1;
	[sflag:s0] =	ssyncset.done @!p0 $0x0  }
0x87: {  	[sflag:s0] =	ssyncadd.s32 @!p0 s1  }
0x88: {  	[bflag:$0x3] =	sbarrier.arrive $0xFFFF  }
0x89: {  	_ =	shalt  }

</sc_bundles>
